<compile_context>
chip_gen: v7x
topology: tpu7x:2x2x1
jax: 0.10.2.dev20260603
libtpu: 0.0.44.dev20260713+nightly
codegen_flags: <defaults>
</compile_context>

<pallas_src>
import functools

import jax
import jax.numpy as jnp
from jax import lax
from jax.experimental import pallas as pl
from jax.experimental.pallas import tpu as pltpu
from jax.experimental.pallas import tpu_sc as plsc

N = 50000
IN_PLANES = 32
OUT_PLANES = 64
STRIDE = 4
NSAMPLE = 16
M = N // STRIDE

LANES = 128


def _fps_body(n_real, m, p3_ref, seed_ref, idx_ref, dists_ref, iota_ref,
              cur_ref):
    rows = p3_ref.shape[1]
    nch = rows // 8
    flat_iota = (jax.lax.broadcasted_iota(jnp.int32, (rows, LANES), 0) * LANES
                 + jax.lax.broadcasted_iota(jnp.int32, (rows, LANES), 1))
    iota_ref[...] = flat_iota
    dists_ref[...] = jnp.where(flat_iota < n_real, jnp.inf, -1.0).astype(jnp.float32)
    sx = seed_ref[0]
    sy = seed_ref[1]
    sz = seed_ref[2]
    cur_ref[0:1, :] = jnp.full((1, LANES), sx, jnp.float32)
    cur_ref[1:2, :] = jnp.full((1, LANES), sy, jnp.float32)
    cur_ref[2:3, :] = jnp.full((1, LANES), sz, jnp.float32)
    lane_iota = jax.lax.broadcasted_iota(jnp.int32, (1, LANES), 1)
    neg_inf = jnp.float32(-jnp.inf)

    def tree(op, arrs):
        while len(arrs) > 1:
            nxt = [op(arrs[j], arrs[j + 1])
                   for j in range(0, len(arrs) - 1, 2)]
            if len(arrs) % 2:
                nxt.append(arrs[-1])
            arrs = nxt
        return arrs[0]

    def body(i, buf):
        cx = cur_ref[0:1, :]
        cy = cur_ref[1:2, :]
        cz = cur_ref[2:3, :]
        dx = p3_ref[0] - cx
        dy = p3_ref[1] - cy
        dz = p3_ref[2] - cz
        d = (dx * dx + dz * dz) + dy * dy
        dists = jnp.minimum(dists_ref[...], d)
        dists_ref[...] = dists
        vmax8 = tree(jnp.maximum,
                     [dists[k * 8:(k + 1) * 8] for k in range(nch)])
        vmax = jnp.max(vmax8)
        cand = jnp.where(dists == vmax, iota_ref[...], jnp.int32(2**30))
        imin8 = tree(jnp.minimum,
                     [cand[k * 8:(k + 1) * 8] for k in range(nch)])
        n_idx = jnp.min(imin8)
        row = n_idx // LANES
        lane = n_idx - row * LANES
        lane_mask = lane_iota == lane
        cur_ref[0:1, :] = jnp.full((1, LANES), jnp.max(
            jnp.where(lane_mask, p3_ref[0, pl.ds(row, 1), :], neg_inf)),
            jnp.float32)
        cur_ref[1:2, :] = jnp.full((1, LANES), jnp.max(
            jnp.where(lane_mask, p3_ref[1, pl.ds(row, 1), :], neg_inf)),
            jnp.float32)
        cur_ref[2:3, :] = jnp.full((1, LANES), jnp.max(
            jnp.where(lane_mask, p3_ref[2, pl.ds(row, 1), :], neg_inf)),
            jnp.float32)
        buf = jnp.where(lane_iota == (i & (LANES - 1)), n_idx, buf)

        @pl.when(((i & (LANES - 1)) == (LANES - 1)) | (i == m - 1))
        def _():
            idx_ref[pl.ds(i // LANES, 1), :] = buf

        return buf

    buf0 = jnp.zeros((1, LANES), jnp.int32)
    jax.lax.fori_loop(1, m, body, buf0)


def _fps_pallas(p, n_real, m, interpret=False):
    n_pad = ((n_real + 1023) // 1024) * 1024
    rows = n_pad // LANES
    m_pad = ((m + 1023) // 1024) * 1024
    pp = jnp.zeros((n_pad, 3), p.dtype).at[:n_real].set(p)
    p3 = pp.T.reshape(3, rows, LANES)
    seed = p[0]
    idx = pl.pallas_call(
        functools.partial(_fps_body, n_real, m),
        in_specs=[
            pl.BlockSpec(memory_space=pltpu.VMEM),
            pl.BlockSpec(memory_space=pltpu.SMEM),
        ],
        out_specs=pl.BlockSpec(memory_space=pltpu.VMEM),
        out_shape=jax.ShapeDtypeStruct((m_pad // LANES, LANES), jnp.int32),
        scratch_shapes=[
            pltpu.VMEM((rows, LANES), jnp.float32),
            pltpu.VMEM((rows, LANES), jnp.int32),
            pltpu.VMEM((8, LANES), jnp.float32),
        ],
        interpret=interpret,
    )(p3, seed)
    return idx.reshape(m_pad)[:m]


def _knn_body(nchunk, pos, cb, pxb_ref, pyb_ref, pzb_ref, p2_ref,
              cent_ref, res_ref, m1_ref, m2_ref, a1_ref, a2_ref):
    inf = jnp.float32(jnp.inf)
    big = jnp.int32(2**30)
    m1_ref[...] = jnp.full((cb, pos), inf, jnp.float32)
    m2_ref[...] = jnp.full((cb, pos), inf, jnp.float32)
    a1_ref[...] = jnp.full((cb, pos), big, jnp.int32)
    a2_ref[...] = jnp.full((cb, pos), big, jnp.int32)
    def bfr(v):
        return v.astype(jnp.bfloat16).astype(jnp.float32)

    cx = bfr(cent_ref[:, 0:1])
    cy = bfr(cent_ref[:, 1:2])
    cz = bfr(cent_ref[:, 2:3])
    c2 = cent_ref[:, 3:4]
    lane_iota = jax.lax.broadcasted_iota(jnp.int32, (1, pos), 1)

    def chunk(ch, _):
        px = bfr(pxb_ref[ch])
        py = bfr(pyb_ref[ch])
        pz = bfr(pzb_ref[ch])
        p2 = p2_ref[ch]
        t = (cx * px + cy * py) + cz * pz
        dd = (c2 + p2) - 2.0 * t
        ivec = jnp.broadcast_to(lane_iota + ch * pos, (cb, pos))
        m1 = m1_ref[...]
        m2 = m2_ref[...]
        a1 = a1_ref[...]
        a2 = a2_ref[...]
        c1 = dd < m1
        c2m = dd < m2
        a2_ref[...] = jnp.where(c1, a1, jnp.where(c2m, ivec, a2))
        m2_ref[...] = jnp.where(c1, m1, jnp.where(c2m, dd, m2))
        a1_ref[...] = jnp.where(c1, ivec, a1)
        m1_ref[...] = jnp.where(c1, dd, m1)
        return 0

    jax.lax.fori_loop(0, nchunk, chunk, 0)

    kcol = jax.lax.broadcasted_iota(jnp.int32, (cb, NSAMPLE), 1)

    def rnd(r, acc):
        m1 = m1_ref[...]
        m2 = m2_ref[...]
        a1 = a1_ref[...]
        a2 = a2_ref[...]
        vmin = jnp.minimum(jnp.min(m1, axis=1, keepdims=True),
                           jnp.min(m2, axis=1, keepdims=True))
        eq1 = m1 == vmin
        eq2 = m2 == vmin
        sel = jnp.minimum(
            jnp.min(jnp.where(eq1, a1, big), axis=1, keepdims=True),
            jnp.min(jnp.where(eq2, a2, big), axis=1, keepdims=True))
        acc = jnp.where(kcol == r, sel, acc)
        m1_ref[...] = jnp.where(eq1 & (a1 == sel), inf, m1)
        m2_ref[...] = jnp.where(eq2 & (a2 == sel), inf, m2)
        return acc

    res_ref[0] = jax.lax.fori_loop(
        0, NSAMPLE, rnd, jnp.zeros((cb, NSAMPLE), jnp.int32))


def _knn_pallas(n_p, p, pos=1024, cb=128, interpret=False):
    m, n = n_p.shape[0], p.shape[0]
    n_pad = ((n + pos - 1) // pos) * pos
    nchunk = n_pad // pos
    m_pad = ((m + cb - 1) // cb) * cb
    nstep = m_pad // cb

    pp = jnp.full((n_pad, 3), 1e6, p.dtype).at[:n].set(p)
    p2 = jnp.sum(pp * pp, axis=1)
    pxb = pp[:, 0].reshape(nchunk, 1, pos)
    pyb = pp[:, 1].reshape(nchunk, 1, pos)
    pzb = pp[:, 2].reshape(nchunk, 1, pos)
    p2r = p2.reshape(nchunk, 1, pos)

    cpad = jnp.zeros((m_pad, 3), n_p.dtype).at[:m].set(n_p)
    c2 = jnp.sum(cpad * cpad, axis=1)
    cent = jnp.concatenate(
        [cpad, c2[:, None], jnp.zeros((m_pad, 4), jnp.float32)], axis=1)

    const_spec = pl.BlockSpec((nchunk, 1, pos), lambda i: (0, 0, 0))
    res = pl.pallas_call(
        functools.partial(_knn_body, nchunk, pos, cb),
        grid=(nstep,),
        in_specs=[const_spec] * 4
        + [pl.BlockSpec((cb, 8), lambda i: (i, 0))],
        out_specs=pl.BlockSpec((1, cb, NSAMPLE), lambda i: (i, 0, 0)),
        out_shape=jax.ShapeDtypeStruct((nstep, cb, NSAMPLE), jnp.int32),
        scratch_shapes=[pltpu.VMEM((cb, pos), jnp.float32)] * 2
        + [pltpu.VMEM((cb, pos), jnp.int32)] * 2,
        interpret=interpret,
    )(pxb, pyb, pzb, p2r, cent)
    return res.reshape(m_pad, NSAMPLE)


def _ymat_body(x_ref, w_ref, p_ref, y_ref):
    xb = x_ref[...].astype(jnp.bfloat16)
    wb = w_ref[...].astype(jnp.bfloat16)
    blk = x_ref.shape[0]
    y_ref[:, 0:OUT_PLANES] = jnp.dot(xb, wb, preferred_element_type=jnp.float32)
    y_ref[:, OUT_PLANES:OUT_PLANES + 16] = p_ref[...]
    y_ref[:, OUT_PLANES + 16:] = jnp.zeros((blk, 128 - OUT_PLANES - 16),
                                           jnp.float32)


def _ymat_pallas(xpad, Wx, prow):
    n_pad = xpad.shape[0]
    blk = 512
    return pl.pallas_call(
        _ymat_body,
        grid=(n_pad // blk,),
        in_specs=[pl.BlockSpec((blk, IN_PLANES), lambda i: (i, 0)),
                  pl.BlockSpec((IN_PLANES, OUT_PLANES), lambda i: (0, 0)),
                  pl.BlockSpec((blk, 16), lambda i: (i, 0))],
        out_specs=pl.BlockSpec((blk, 128), lambda i: (i, 0)),
        out_shape=jax.ShapeDtypeStruct((n_pad, 128), jnp.float32),
    )(xpad, Wx, prow)


def _splat(vec, q):
    dnums = lax.GatherDimensionNumbers(
        offset_dims=(), collapsed_slice_dims=(0,), start_index_map=(0,))
    idx = jnp.full((16, 1), q, jnp.int32)
    return lax.gather(vec, idx, dnums, (1,),
                      mode=lax.GatherScatterMode.PROMISE_IN_BOUNDS)


_SC_BC = 8
_SC_NB = 49


def _scpool_body(idx_hbm, y_hbm, cent_hbm, wxyz_hbm, agg_hbm,
                 idx_v, y_v, c_v, w_v, agg_v, sem1):
    nc = 2
    wid = lax.axis_index("s") * nc + lax.axis_index("c")

    def bfr(v):
        return v.astype(jnp.bfloat16).astype(jnp.float32)

    pltpu.sync_copy(wxyz_hbm, w_v)
    wvec = [[bfr(w_v[q, pl.ds(v * 16, 16)]) for v in range(4)] for q in range(3)]
    rows_per_batch = _SC_BC * NSAMPLE
    neg_inf = jnp.float32(-jnp.inf)

    def batch(b, _):
        base_c = wid * (_SC_NB * _SC_BC) + b * _SC_BC
        pltpu.sync_copy(idx_hbm.at[pl.ds(base_c * NSAMPLE, rows_per_batch)],
                        idx_v)
        cp1 = pltpu.async_copy(y_hbm.at[idx_v], y_v, sem1)
        pltpu.sync_copy(cent_hbm.at[pl.ds(base_c, _SC_BC)], c_v)
        cp1.wait()

        def center(ci, _):
            cvec = c_v[ci, pl.ds(0, 16)]
            amax = [jnp.full((16,), neg_inf, jnp.float32) for _ in range(4)]
            amin = [jnp.full((16,), -neg_inf, jnp.float32) for _ in range(4)]
            asum = [jnp.zeros((16,), jnp.float32) for _ in range(4)]
            asq = [jnp.zeros((16,), jnp.float32) for _ in range(4)]
            for n in range(NSAMPLE):
                r = ci * NSAMPLE + n
                db = bfr(y_v[r, pl.ds(OUT_PLANES, 16)] - cvec)
                s0 = _splat(db, 0)
                s1 = _splat(db, 1)
                s2 = _splat(db, 2)
                for v in range(4):
                    h = (y_v[r, pl.ds(v * 16, 16)]
                         + (s0 * wvec[0][v] + s1 * wvec[1][v])
                         + s2 * wvec[2][v])
                    amax[v] = jnp.maximum(amax[v], h)
                    amin[v] = jnp.minimum(amin[v], h)
                    asum[v] = asum[v] + h
                    asq[v] = asq[v] + h * h
            for v in range(4):
                agg_v[ci, pl.ds(v * 16, 16)] = amax[v]
                agg_v[ci, pl.ds(64 + v * 16, 16)] = amin[v]
                agg_v[ci, pl.ds(128 + v * 16, 16)] = asum[v]
                agg_v[ci, pl.ds(192 + v * 16, 16)] = asq[v]
            return 0

        lax.fori_loop(0, _SC_BC, center, 0)
        pltpu.sync_copy(agg_v, agg_hbm.at[pl.ds(base_c, _SC_BC)])
        return 0

    lax.fori_loop(0, _SC_NB, batch, 0)


def _scpool_pallas(knn_flat, ytab, cent, wxyz):
    m_pad = cent.shape[0]
    mesh = plsc.VectorSubcoreMesh(core_axis_name="c", subcore_axis_name="s")
    f = pl.kernel(
        _scpool_body,
        mesh=mesh,
        out_type=jax.ShapeDtypeStruct((m_pad, 256), jnp.float32),
        scratch_types=[
            pltpu.VMEM((_SC_BC * NSAMPLE,), jnp.int32),
            pltpu.VMEM((_SC_BC * NSAMPLE, 128), jnp.float32),
            pltpu.VMEM((_SC_BC, 128), jnp.float32),
            pltpu.VMEM((8, 128), jnp.float32),
            pltpu.VMEM((_SC_BC, 256), jnp.float32),
            pltpu.SemaphoreType.DMA,
        ],
    )
    return f(knn_flat, ytab, cent, wxyz)


def _final_body(n_valid, agg_ref, g_ref, b_ref, out_ref):
    m_pad = agg_ref.shape[0]
    rows = jax.lax.broadcasted_iota(jnp.int32, (m_pad, OUT_PLANES), 0) < n_valid
    zero = jnp.float32(0.0)
    hsum = jnp.where(rows, agg_ref[:, 128:192], zero)
    hsq = jnp.where(rows, agg_ref[:, 192:256], zero)
    cnt = jnp.float32(n_valid * NSAMPLE)
    mean = jnp.sum(hsum, axis=0, keepdims=True) / cnt
    var = jnp.sum(hsq, axis=0, keepdims=True) / cnt - mean * mean
    sq = jnp.sqrt(var + 1e-5)
    g = g_ref[...]
    v = jnp.where(g >= 0, agg_ref[:, 0:64], agg_ref[:, 64:128])
    out_ref[...] = jnp.maximum((v - mean) / sq * g + b_ref[...], zero)


def _final_pallas(agg, gamma, beta, n_valid):
    m_pad = agg.shape[0]
    return pl.pallas_call(
        functools.partial(_final_body, n_valid),
        in_specs=[pl.BlockSpec((m_pad, 256), lambda: (0, 0)),
                  pl.BlockSpec((1, OUT_PLANES), lambda: (0, 0)),
                  pl.BlockSpec((1, OUT_PLANES), lambda: (0, 0))],
        out_specs=pl.BlockSpec((m_pad, OUT_PLANES), lambda: (0, 0)),
        out_shape=jax.ShapeDtypeStruct((m_pad, OUT_PLANES), jnp.float32),
    )(agg, gamma.reshape(1, -1), beta.reshape(1, -1))


def kernel(p, x, o, W, gamma, beta):
    idx = _fps_pallas(p, N, M)
    n_p = p[idx]
    knn_full = _knn_pallas(n_p, p)

    n_pad = 50176
    m_pad = knn_full.shape[0]
    xpad = jnp.zeros((n_pad, IN_PLANES), jnp.float32).at[:N].set(x)
    prow = jnp.zeros((n_pad, 16), jnp.float32).at[:N, 0:3].set(p)
    ytab = _ymat_pallas(xpad, W[3:], prow)
    cent = jnp.zeros((m_pad, 128), jnp.float32).at[:M, 0:3].set(n_p)
    wxyz = jnp.zeros((8, 128), jnp.float32).at[0:3, 0:OUT_PLANES].set(W[0:3])
    agg = _scpool_pallas(knn_full.reshape(-1), ytab, cent, wxyz)
    out = _final_pallas(agg, gamma, beta, M)[:M]
    n_o = jnp.array([M], dtype=jnp.int32)
    return (n_p, out, n_o)

# --- scband reference (transcript-rebuilt; emitter-appended) ---
"""Pipeline reference for scband-super-point-net-48095043780758 (READ-ONLY COPY).

The authoritative reference and input builder live on the scoring server;
editing this copy changes nothing except your own understanding.
"""

import jax, jax.numpy as jnp
import numpy as np

N = 50000
IN_PLANES = 32
OUT_PLANES = 64
STRIDE = 4
NSAMPLE = 16
M = N // STRIDE
CHUNK = 250


def fps(p, m):
    # furthest point sampling (pointops.furthestsampling), single batch
    n = p.shape[0]
    dists0 = jnp.full((n,), jnp.inf, dtype=jnp.float32)
    idxs0 = jnp.zeros((m,), dtype=jnp.int32)

    def body(i, state):
        dists, idxs = state
        last = idxs[i - 1]
        d = jnp.sum((p - p[last]) ** 2, axis=1)
        dists = jnp.minimum(dists, d)
        nxt = jnp.argmax(dists).astype(jnp.int32)
        idxs = idxs.at[i].set(nxt)
        return (dists, idxs)

    _, idxs = jax.lax.fori_loop(1, m, body, (dists0, idxs0))
    return idxs


def knn(centers, p, k):
    # k nearest neighbors of each center among all points, chunked to bound memory
    p2 = jnp.sum(p * p, axis=1)

    def one(cc):
        d = jnp.sum(cc * cc, axis=1)[:, None] + p2[None, :] - 2.0 * (cc @ p.T)
        return jax.lax.top_k(-d, k)[1]

    cr = centers.reshape(-1, CHUNK, 3)
    return jax.lax.map(one, cr).reshape(-1, k)


def setup_inputs(seed: int = 0) -> dict:
    key = jax.random.key(seed)
    k1, k2, k3 = jax.random.split(key, 3)
    p = jax.random.uniform(k1, (N, 3), dtype=jnp.float32) * 10.0
    x = jax.random.normal(k2, (N, IN_PLANES), dtype=jnp.float32)
    o = jnp.array([N], dtype=jnp.int32)  # single-batch offset vector
    # learned params: Linear(3+in_planes -> out_planes, bias=False) + BatchNorm1d(out_planes)
    W = jax.random.normal(k3, (3 + IN_PLANES, OUT_PLANES), dtype=jnp.float32) * (1.0 / np.sqrt(3 + IN_PLANES))
    gamma = jnp.ones((OUT_PLANES,), dtype=jnp.float32)
    beta = jnp.zeros((OUT_PLANES,), dtype=jnp.float32)
    return {"p": p, "x": x, "o": o, "W": W, "gamma": gamma, "beta": beta}


def reference(p, x, o, W, gamma, beta):
    # TransitionDown forward, stride != 1 branch:
    # n_o = o // stride; idx = furthestsampling; n_p = p[idx]
    # x = queryandgroup(nsample, p, n_p, x, use_xyz=True)
    # x = relu(bn(linear(x))); x = maxpool over nsample
    idx = fps(p, M)
    n_p = p[idx]
    knn_idx = knn(n_p, p, NSAMPLE)
    grouped_xyz = p[knn_idx] - n_p[:, None, :]            # [M, K, 3]
    grouped_feat = x[knn_idx]                             # [M, K, C]
    g = jnp.concatenate([grouped_xyz, grouped_feat], axis=-1)  # [M, K, 3+C]
    h = g @ W                                              # [M, K, OUT]
    # training-mode BatchNorm1d over channel dim (stats over M*K)
    mean = jnp.mean(h, axis=(0, 1))
    var = jnp.var(h, axis=(0, 1))
    h = (h - mean) / jnp.sqrt(var + 1e-5) * gamma + beta
    h = jax.nn.relu(h)
    out = jnp.max(h, axis=1)                               # MaxPool1d(nsample)
    n_o = jnp.array([M], dtype=jnp.int32)
    return (n_p, out, n_o)

if __name__ == "__main__":
    import jax
    _d = setup_inputs()
    print(jax.jit(kernel)(*tuple(_d.values())))

</pallas_src>

<mosaic_0001>
#map = affine_map<(d0, d1) -> (0)>
#map1 = affine_map<(d0, d1) -> (0, 0)>
module attributes {stable_mosaic.version = 14 : i64} {
  func.func @_scpool_body(%arg0: i32, %arg1: i32, %arg2: memref<200704xi32, #tpu.memory_space<hbm>>, %arg3: memref<50176x128xf32, #tpu.memory_space<hbm>>, %arg4: memref<12544x128xf32, #tpu.memory_space<hbm>>, %arg5: memref<8x128xf32, #tpu.memory_space<hbm>>, %arg6: memref<12544x256xf32, #tpu.memory_space<hbm>>, %arg7: memref<128xi32, #tpu.memory_space<vmem>>, %arg8: memref<128x128xf32, #tpu.memory_space<vmem>>, %arg9: memref<8x128xf32, #tpu.memory_space<vmem>>, %arg10: memref<8x128xf32, #tpu.memory_space<vmem>>, %arg11: memref<8x256xf32, #tpu.memory_space<vmem>>, %arg12: memref<!tpu.dma_semaphore, #tpu.memory_space<semaphore_mem>>) attributes {dimension_semantics = [#tpu.dimension_semantics<core_parallel>, #tpu.dimension_semantics<subcore_parallel>], iteration_bounds = array<i64: 2, 16>, scalar_prefetch = 0 : i64, scratch_operands = 6 : i64, tpu.core_type = #tpu.core_type<sc_vector_subcore>, window_params = [{transform_indices = #map}, {transform_indices = #map1}, {transform_indices = #map1}, {transform_indices = #map1}, {transform_indices = #map1}]} {
    %mul3A = arith.constant 2 : i32
    %mul3A_0 = arith.muli %arg1, %mul3A : i32
    %add3A = arith.addi %mul3A_0, %arg0 : i32
    "tpu.region"() ({
      %run_scoped3A = tpu.sem_alloc : memref<!tpu.dma_semaphore, #tpu.memory_space<semaphore_mem>>
      tpu.enqueue_dma source(%arg5 : memref<8x128xf32, #tpu.memory_space<hbm>>) target(%arg10 : memref<8x128xf32, #tpu.memory_space<vmem>>) target_semaphore(%run_scoped3A : memref<!tpu.dma_semaphore, #tpu.memory_space<semaphore_mem>>)
      tpu.wait_dma2 semaphore(%run_scoped3A : memref<!tpu.dma_semaphore, #tpu.memory_space<semaphore_mem>>) src(%arg5 : memref<8x128xf32, #tpu.memory_space<hbm>>) dst(%arg10 : memref<8x128xf32, #tpu.memory_space<vmem>>)
      tpu.yield
    }) : () -> ()
    %get3A = arith.constant 0 : i32
    %get3A_1 = arith.index_cast %get3A : i32 to index
    %get3A_2 = arith.constant 0 : index
    %get3A_3 = tpu.vector_load %arg10[%get3A_1, %get3A_2] {strides = array<i32>} : memref<8x128xf32, #tpu.memory_space<vmem>>, vector<1x16xf32>,
    %get3A_4 = vector.shape_cast %get3A_3 : vector<1x16xf32> to vector<16xf32>
    %convert_element_type3A = arith.truncf %get3A_4 : vector<16xf32> to vector<16xbf16>
    %convert_element_type3A_5 = arith.extf %convert_element_type3A : vector<16xbf16> to vector<16xf32>
    %get3A_6 = arith.constant 0 : i32
    %get3A_7 = arith.index_cast %get3A_6 : i32 to index
    %get3A_8 = arith.constant 16 : index
    %get3A_9 = tpu.vector_load %arg10[%get3A_7, %get3A_8] {strides = array<i32>} : memref<8x128xf32, #tpu.memory_space<vmem>>, vector<1x16xf32>,
    %get3A_10 = vector.shape_cast %get3A_9 : vector<1x16xf32> to vector<16xf32>
    %convert_element_type3A_11 = arith.truncf %get3A_10 : vector<16xf32> to vector<16xbf16>
    %convert_element_type3A_12 = arith.extf %convert_element_type3A_11 : vector<16xbf16> to vector<16xf32>
    %get3A_13 = arith.constant 0 : i32
    %get3A_14 = arith.index_cast %get3A_13 : i32 to index
    %get3A_15 = arith.constant 32 : index
    %get3A_16 = tpu.vector_load %arg10[%get3A_14, %get3A_15] {strides = array<i32>} : memref<8x128xf32, #tpu.memory_space<vmem>>, vector<1x16xf32>,
    %get3A_17 = vector.shape_cast %get3A_16 : vector<1x16xf32> to vector<16xf32>
    %convert_element_type3A_18 = arith.truncf %get3A_17 : vector<16xf32> to vector<16xbf16>
    %convert_element_type3A_19 = arith.extf %convert_element_type3A_18 : vector<16xbf16> to vector<16xf32>
    %get3A_20 = arith.constant 0 : i32
    %get3A_21 = arith.index_cast %get3A_20 : i32 to index
    %get3A_22 = arith.constant 48 : index
    %get3A_23 = tpu.vector_load %arg10[%get3A_21, %get3A_22] {strides = array<i32>} : memref<8x128xf32, #tpu.memory_space<vmem>>, vector<1x16xf32>,
    %get3A_24 = vector.shape_cast %get3A_23 : vector<1x16xf32> to vector<16xf32>
    %convert_element_type3A_25 = arith.truncf %get3A_24 : vector<16xf32> to vector<16xbf16>
    %convert_element_type3A_26 = arith.extf %convert_element_type3A_25 : vector<16xbf16> to vector<16xf32>
    %get3A_27 = arith.constant 1 : i32
    %get3A_28 = arith.index_cast %get3A_27 : i32 to index
    %get3A_29 = arith.constant 0 : index
    %get3A_30 = tpu.vector_load %arg10[%get3A_28, %get3A_29] {strides = array<i32>} : memref<8x128xf32, #tpu.memory_space<vmem>>, vector<1x16xf32>,
    %get3A_31 = vector.shape_cast %get3A_30 : vector<1x16xf32> to vector<16xf32>
    %convert_element_type3A_32 = arith.truncf %get3A_31 : vector<16xf32> to vector<16xbf16>
    %convert_element_type3A_33 = arith.extf %convert_element_type3A_32 : vector<16xbf16> to vector<16xf32>
    %get3A_34 = arith.constant 1 : i32
    %get3A_35 = arith.index_cast %get3A_34 : i32 to index
    %get3A_36 = arith.constant 16 : index
    %get3A_37 = tpu.vector_load %arg10[%get3A_35, %get3A_36] {strides = array<i32>} : memref<8x128xf32, #tpu.memory_space<vmem>>, vector<1x16xf32>,
    %get3A_38 = vector.shape_cast %get3A_37 : vector<1x16xf32> to vector<16xf32>
    %convert_element_type3A_39 = arith.truncf %get3A_38 : vector<16xf32> to vector<16xbf16>
    %convert_element_type3A_40 = arith.extf %convert_element_type3A_39 : vector<16xbf16> to vector<16xf32>
    %get3A_41 = arith.constant 1 : i32
    %get3A_42 = arith.index_cast %get3A_41 : i32 to index
    %get3A_43 = arith.constant 32 : index
    %get3A_44 = tpu.vector_load %arg10[%get3A_42, %get3A_43] {strides = array<i32>} : memref<8x128xf32, #tpu.memory_space<vmem>>, vector<1x16xf32>,
    %get3A_45 = vector.shape_cast %get3A_44 : vector<1x16xf32> to vector<16xf32>
    %convert_element_type3A_46 = arith.truncf %get3A_45 : vector<16xf32> to vector<16xbf16>
    %convert_element_type3A_47 = arith.extf %convert_element_type3A_46 : vector<16xbf16> to vector<16xf32>
    %get3A_48 = arith.constant 1 : i32
    %get3A_49 = arith.index_cast %get3A_48 : i32 to index
    %get3A_50 = arith.constant 48 : index
    %get3A_51 = tpu.vector_load %arg10[%get3A_49, %get3A_50] {strides = array<i32>} : memref<8x128xf32, #tpu.memory_space<vmem>>, vector<1x16xf32>,
    %get3A_52 = vector.shape_cast %get3A_51 : vector<1x16xf32> to vector<16xf32>
    %convert_element_type3A_53 = arith.truncf %get3A_52 : vector<16xf32> to vector<16xbf16>
    %convert_element_type3A_54 = arith.extf %convert_element_type3A_53 : vector<16xbf16> to vector<16xf32>
    %get3A_55 = arith.constant 2 : i32
    %get3A_56 = arith.index_cast %get3A_55 : i32 to index
    %get3A_57 = arith.constant 0 : index
    %get3A_58 = tpu.vector_load %arg10[%get3A_56, %get3A_57] {strides = array<i32>} : memref<8x128xf32, #tpu.memory_space<vmem>>, vector<1x16xf32>,
    %get3A_59 = vector.shape_cast %get3A_58 : vector<1x16xf32> to vector<16xf32>
    %convert_element_type3A_60 = arith.truncf %get3A_59 : vector<16xf32> to vector<16xbf16>
    %convert_element_type3A_61 = arith.extf %convert_element_type3A_60 : vector<16xbf16> to vector<16xf32>
    %get3A_62 = arith.constant 2 : i32
    %get3A_63 = arith.index_cast %get3A_62 : i32 to index
    %get3A_64 = arith.constant 16 : index
    %get3A_65 = tpu.vector_load %arg10[%get3A_63, %get3A_64] {strides = array<i32>} : memref<8x128xf32, #tpu.memory_space<vmem>>, vector<1x16xf32>,
    %get3A_66 = vector.shape_cast %get3A_65 : vector<1x16xf32> to vector<16xf32>
    %convert_element_type3A_67 = arith.truncf %get3A_66 : vector<16xf32> to vector<16xbf16>
    %convert_element_type3A_68 = arith.extf %convert_element_type3A_67 : vector<16xbf16> to vector<16xf32>
    %get3A_69 = arith.constant 2 : i32
    %get3A_70 = arith.index_cast %get3A_69 : i32 to index
    %get3A_71 = arith.constant 32 : index
    %get3A_72 = tpu.vector_load %arg10[%get3A_70, %get3A_71] {strides = array<i32>} : memref<8x128xf32, #tpu.memory_space<vmem>>, vector<1x16xf32>,
    %get3A_73 = vector.shape_cast %get3A_72 : vector<1x16xf32> to vector<16xf32>
    %convert_element_type3A_74 = arith.truncf %get3A_73 : vector<16xf32> to vector<16xbf16>
    %convert_element_type3A_75 = arith.extf %convert_element_type3A_74 : vector<16xbf16> to vector<16xf32>
    %get3A_76 = arith.constant 2 : i32
    %get3A_77 = arith.index_cast %get3A_76 : i32 to index
    %get3A_78 = arith.constant 48 : index
    %get3A_79 = tpu.vector_load %arg10[%get3A_77, %get3A_78] {strides = array<i32>} : memref<8x128xf32, #tpu.memory_space<vmem>>, vector<1x16xf32>,
    %get3A_80 = vector.shape_cast %get3A_79 : vector<1x16xf32> to vector<16xf32>
    %convert_element_type3A_81 = arith.truncf %get3A_80 : vector<16xf32> to vector<16xbf16>
    %convert_element_type3A_82 = arith.extf %convert_element_type3A_81 : vector<16xbf16> to vector<16xf32>
    %scan3A = arith.constant 0xFF800000 : f32
    %scan3A_83 = arith.constant 0 : i32
    %scan3A_84 = arith.constant 0 : i32
    %scan3A_85 = arith.constant 49 : i32
    %scan3A_86 = arith.addi %scan3A_84, %scan3A_85 : i32
    %scan3A_87 = arith.constant 1 : i32
    %scan3A_88 = scf.for %scan3A_90 = %scan3A_84 to %scan3A_86 step %scan3A_87 iter_args(%scan3A_91 = %scan3A_83) -> (i32)  : i32 {
      %mul3A_92 = arith.constant 392 : i32
      %mul3A_93 = arith.muli %add3A, %mul3A_92 : i32
      %mul3A_94 = arith.constant 8 : i32
      %mul3A_95 = arith.muli %scan3A_90, %mul3A_94 : i32
      %add3A_96 = arith.addi %mul3A_93, %mul3A_95 : i32
      %mul3A_97 = arith.constant 16 : i32
      %mul3A_98 = arith.muli %add3A_96, %mul3A_97 : i32
      "tpu.region"() ({
        %run_scoped3A = tpu.sem_alloc : memref<!tpu.dma_semaphore, #tpu.memory_space<semaphore_mem>>
        %dma_start3A_111 = tpu.memref_slice %arg2[%mul3A_98] : memref<200704xi32, #tpu.memory_space<hbm>> -> memref<128xi32, #tpu.memory_space<hbm>>
        %dma_start3A_112 = tpu.memref_slice %arg2[%mul3A_98] : memref<200704xi32, #tpu.memory_space<hbm>> -> memref<128xi32, #tpu.memory_space<hbm>>
        tpu.enqueue_dma source(%dma_start3A_112 : memref<128xi32, #tpu.memory_space<hbm>>) target(%arg7 : memref<128xi32, #tpu.memory_space<vmem>>) target_semaphore(%run_scoped3A : memref<!tpu.dma_semaphore, #tpu.memory_space<semaphore_mem>>)
        %dma_wait3A_113 = tpu.memref_slice %arg2[%mul3A_98] : memref<200704xi32, #tpu.memory_space<hbm>> -> memref<128xi32, #tpu.memory_space<hbm>>
        %dma_wait3A_114 = tpu.memref_slice %arg2[%mul3A_98] : memref<200704xi32, #tpu.memory_space<hbm>> -> memref<128xi32, #tpu.memory_space<hbm>>
        tpu.wait_dma2 semaphore(%run_scoped3A : memref<!tpu.dma_semaphore, #tpu.memory_space<semaphore_mem>>) src(%dma_wait3A_114 : memref<128xi32, #tpu.memory_space<hbm>>) dst(%arg7 : memref<128xi32, #tpu.memory_space<vmem>>)
        tpu.yield
      }) : () -> ()
      %dma_start3A = arith.constant 0 : i32
      %dma_start3A_99 = arith.constant 0 : i32
      %dma_start3A_100 = tpu.memref_slice %arg3[%dma_start3A, %dma_start3A_99] : memref<50176x128xf32, #tpu.memory_space<hbm>> -> memref<50176x128xf32, #tpu.memory_space<hbm>>
      tpu.enqueue_indirect_dma source(%dma_start3A_100 : memref<50176x128xf32, #tpu.memory_space<hbm>>) target(%arg8 : memref<128x128xf32, #tpu.memory_space<vmem>>) offsets(%arg7 : memref<128xi32, #tpu.memory_space<vmem>>) semaphore(%arg12 : memref<!tpu.dma_semaphore, #tpu.memory_space<semaphore_mem>>)
      "tpu.region"() ({
        %run_scoped3A = tpu.sem_alloc : memref<!tpu.dma_semaphore, #tpu.memory_space<semaphore_mem>>
        %dma_start3A_111 = arith.constant 0 : i32
        %dma_start3A_112 = tpu.memref_slice %arg4[%add3A_96, %dma_start3A_111] : memref<12544x128xf32, #tpu.memory_space<hbm>> -> memref<8x128xf32, #tpu.memory_space<hbm>>
        %dma_start3A_113 = arith.constant 0 : i32
        %dma_start3A_114 = tpu.memref_slice %arg4[%add3A_96, %dma_start3A_113] : memref<12544x128xf32, #tpu.memory_space<hbm>> -> memref<8x128xf32, #tpu.memory_space<hbm>>
        tpu.enqueue_dma source(%dma_start3A_114 : memref<8x128xf32, #tpu.memory_space<hbm>>) target(%arg9 : memref<8x128xf32, #tpu.memory_space<vmem>>) target_semaphore(%run_scoped3A : memref<!tpu.dma_semaphore, #tpu.memory_space<semaphore_mem>>)
        %dma_wait3A_115 = arith.constant 0 : i32
        %dma_wait3A_116 = tpu.memref_slice %arg4[%add3A_96, %dma_wait3A_115] : memref<12544x128xf32, #tpu.memory_space<hbm>> -> memref<8x128xf32, #tpu.memory_space<hbm>>
        %dma_wait3A_117 = arith.constant 0 : i32
        %dma_wait3A_118 = tpu.memref_slice %arg4[%add3A_96, %dma_wait3A_117] : memref<12544x128xf32, #tpu.memory_space<hbm>> -> memref<8x128xf32, #tpu.memory_space<hbm>>
        tpu.wait_dma2 semaphore(%run_scoped3A : memref<!tpu.dma_semaphore, #tpu.memory_space<semaphore_mem>>) src(%dma_wait3A_118 : memref<8x128xf32, #tpu.memory_space<hbm>>) dst(%arg9 : memref<8x128xf32, #tpu.memory_space<vmem>>)
        tpu.yield
      }) : () -> ()
      %dma_wait3A = arith.constant 0 : i32
      %dma_wait3A_101 = arith.constant 0 : i32
      %dma_wait3A_102 = tpu.memref_slice %arg3[%dma_wait3A, %dma_wait3A_101] : memref<50176x128xf32, #tpu.memory_space<hbm>> -> memref<50176x128xf32, #tpu.memory_space<hbm>>
      tpu.wait_indirect_dma semaphore(%arg12 : memref<!tpu.dma_semaphore, #tpu.memory_space<semaphore_mem>>) src(%dma_wait3A_102 : memref<50176x128xf32, #tpu.memory_space<hbm>>) dst(%arg8 : memref<128x128xf32, #tpu.memory_space<vmem>>)
      %scan3A_103 = arith.constant 0 : i32
      %scan3A_104 = arith.constant 0 : i32
      %scan3A_105 = arith.constant 8 : i32
      %scan3A_106 = arith.addi %scan3A_104, %scan3A_105 : i32
      %scan3A_107 = arith.constant 1 : i32
      %scan3A_108 = scf.for %scan3A_111 = %scan3A_104 to %scan3A_106 step %scan3A_107 iter_args(%scan3A_112 = %scan3A_103) -> (i32)  : i32 {
        %get3A_113 = arith.index_cast %scan3A_111 : i32 to index
        %get3A_114 = arith.constant 0 : index
        %get3A_115 = tpu.vector_load %arg9[%get3A_113, %get3A_114] {strides = array<i32>} : memref<8x128xf32, #tpu.memory_space<vmem>>, vector<1x16xf32>,
        %get3A_116 = vector.shape_cast %get3A_115 : vector<1x16xf32> to vector<16xf32>
        %broadcast_in_dim3A = vector.broadcast %scan3A : f32 to vector<16xf32>
        %broadcast_in_dim3A_117 = vector.broadcast %scan3A : f32 to vector<16xf32>
        %broadcast_in_dim3A_118 = vector.broadcast %scan3A : f32 to vector<16xf32>
        %broadcast_in_dim3A_119 = vector.broadcast %scan3A : f32 to vector<16xf32>
        %neg3A = arith.constant 0.000000e+00 : f32
        %neg3A_120 = arith.subf %neg3A, %scan3A : f32
        %broadcast_in_dim3A_121 = vector.broadcast %neg3A_120 : f32 to vector<16xf32>
        %neg3A_122 = arith.constant 0.000000e+00 : f32
        %neg3A_123 = arith.subf %neg3A_122, %scan3A : f32
        %broadcast_in_dim3A_124 = vector.broadcast %neg3A_123 : f32 to vector<16xf32>
        %neg3A_125 = arith.constant 0.000000e+00 : f32
        %neg3A_126 = arith.subf %neg3A_125, %scan3A : f32
        %broadcast_in_dim3A_127 = vector.broadcast %neg3A_126 : f32 to vector<16xf32>
        %neg3A_128 = arith.constant 0.000000e+00 : f32
        %neg3A_129 = arith.subf %neg3A_128, %scan3A : f32
        %broadcast_in_dim3A_130 = vector.broadcast %neg3A_129 : f32 to vector<16xf32>
        %broadcast_in_dim3A_131 = arith.constant 0.000000e+00 : f32
        %broadcast_in_dim3A_132 = vector.broadcast %broadcast_in_dim3A_131 : f32 to vector<16xf32>
        %broadcast_in_dim3A_133 = arith.constant 0.000000e+00 : f32
        %broadcast_in_dim3A_134 = vector.broadcast %broadcast_in_dim3A_133 : f32 to vector<16xf32>
        %broadcast_in_dim3A_135 = arith.constant 0.000000e+00 : f32
        %broadcast_in_dim3A_136 = vector.broadcast %broadcast_in_dim3A_135 : f32 to vector<16xf32>
        %broadcast_in_dim3A_137 = arith.constant 0.000000e+00 : f32
        %broadcast_in_dim3A_138 = vector.broadcast %broadcast_in_dim3A_137 : f32 to vector<16xf32>
        %broadcast_in_dim3A_139 = arith.constant 0.000000e+00 : f32
        %broadcast_in_dim3A_140 = vector.broadcast %broadcast_in_dim3A_139 : f32 to vector<16xf32>
        %broadcast_in_dim3A_141 = arith.constant 0.000000e+00 : f32
        %broadcast_in_dim3A_142 = vector.broadcast %broadcast_in_dim3A_141 : f32 to vector<16xf32>
        %broadcast_in_dim3A_143 = arith.constant 0.000000e+00 : f32
        %broadcast_in_dim3A_144 = vector.broadcast %broadcast_in_dim3A_143 : f32 to vector<16xf32>
        %broadcast_in_dim3A_145 = arith.constant 0.000000e+00 : f32
        %broadcast_in_dim3A_146 = vector.broadcast %broadcast_in_dim3A_145 : f32 to vector<16xf32>
        %mul3A_147 = arith.constant 16 : i32
        %mul3A_148 = arith.muli %scan3A_111, %mul3A_147 : i32
        %add3A_149 = arith.constant 0 : i32
        %add3A_150 = arith.addi %mul3A_148, %add3A_149 : i32
        %get3A_151 = arith.index_cast %add3A_150 : i32 to index
        %get3A_152 = arith.constant 64 : index
        %get3A_153 = tpu.vector_load %arg8[%get3A_151, %get3A_152] {strides = array<i32>} : memref<128x128xf32, #tpu.memory_space<vmem>>, vector<1x16xf32>,
        %get3A_154 = vector.shape_cast %get3A_153 : vector<1x16xf32> to vector<16xf32>
        %sub3A = arith.subf %get3A_154, %get3A_116 : vector<16xf32>
        %convert_element_type3A_155 = arith.truncf %sub3A : vector<16xf32> to vector<16xbf16>
        %convert_element_type3A_156 = arith.extf %convert_element_type3A_155 : vector<16xbf16> to vector<16xf32>
        %broadcast_in_dim3A_157 = arith.constant 0 : i32
        %broadcast_in_dim3A_158 = vector.broadcast %broadcast_in_dim3A_157 : i32 to vector<16x1xi32>
        %gather3A = vector.shape_cast %broadcast_in_dim3A_158 : vector<16x1xi32> to vector<16xi32>
        %gather3A_159 = tpu.dynamic_gather %convert_element_type3A_156[%gather3A] in [0] : vector<16xf32>, vector<16xi32> -> vector<16xf32>
        %broadcast_in_dim3A_160 = arith.constant 1 : i32
        %broadcast_in_dim3A_161 = vector.broadcast %broadcast_in_dim3A_160 : i32 to vector<16x1xi32>
        %gather3A_162 = vector.shape_cast %broadcast_in_dim3A_161 : vector<16x1xi32> to vector<16xi32>
        %gather3A_163 = tpu.dynamic_gather %convert_element_type3A_156[%gather3A_162] in [0] : vector<16xf32>, vector<16xi32> -> vector<16xf32>
        %broadcast_in_dim3A_164 = arith.constant 2 : i32
        %broadcast_in_dim3A_165 = vector.broadcast %broadcast_in_dim3A_164 : i32 to vector<16x1xi32>
        %gather3A_166 = vector.shape_cast %broadcast_in_dim3A_165 : vector<16x1xi32> to vector<16xi32>
        %gather3A_167 = tpu.dynamic_gather %convert_element_type3A_156[%gather3A_166] in [0] : vector<16xf32>, vector<16xi32> -> vector<16xf32>
        %get3A_168 = arith.index_cast %add3A_150 : i32 to index
        %get3A_169 = arith.constant 0 : index
        %get3A_170 = tpu.vector_load %arg8[%get3A_168, %get3A_169] {strides = array<i32>} : memref<128x128xf32, #tpu.memory_space<vmem>>, vector<1x16xf32>,
        %get3A_171 = vector.shape_cast %get3A_170 : vector<1x16xf32> to vector<16xf32>
        %mul3A_172 = arith.mulf %gather3A_159, %convert_element_type3A_5 : vector<16xf32>
        %mul3A_173 = arith.mulf %gather3A_163, %convert_element_type3A_33 : vector<16xf32>
        %add3A_174 = arith.addf %mul3A_172, %mul3A_173 : vector<16xf32>
        %add3A_175 = arith.addf %get3A_171, %add3A_174 : vector<16xf32>
        %mul3A_176 = arith.mulf %gather3A_167, %convert_element_type3A_61 : vector<16xf32>
        %add3A_177 = arith.addf %add3A_175, %mul3A_176 : vector<16xf32>
        %max3A = arith.maximumf %broadcast_in_dim3A, %add3A_177 : vector<16xf32>
        %min3A = arith.minimumf %broadcast_in_dim3A_121, %add3A_177 : vector<16xf32>
        %add3A_178 = arith.addf %broadcast_in_dim3A_132, %add3A_177 : vector<16xf32>
        %mul3A_179 = arith.mulf %add3A_177, %add3A_177 : vector<16xf32>
        %add3A_180 = arith.addf %broadcast_in_dim3A_140, %mul3A_179 : vector<16xf32>
        %get3A_181 = arith.index_cast %add3A_150 : i32 to index
        %get3A_182 = arith.constant 16 : index
        %get3A_183 = tpu.vector_load %arg8[%get3A_181, %get3A_182] {strides = array<i32>} : memref<128x128xf32, #tpu.memory_space<vmem>>, vector<1x16xf32>,
        %get3A_184 = vector.shape_cast %get3A_183 : vector<1x16xf32> to vector<16xf32>
        %mul3A_185 = arith.mulf %gather3A_159, %convert_element_type3A_12 : vector<16xf32>
        %mul3A_186 = arith.mulf %gather3A_163, %convert_element_type3A_40 : vector<16xf32>
        %add3A_187 = arith.addf %mul3A_185, %mul3A_186 : vector<16xf32>
        %add3A_188 = arith.addf %get3A_184, %add3A_187 : vector<16xf32>
        %mul3A_189 = arith.mulf %gather3A_167, %convert_element_type3A_68 : vector<16xf32>
        %add3A_190 = arith.addf %add3A_188, %mul3A_189 : vector<16xf32>
        %max3A_191 = arith.maximumf %broadcast_in_dim3A_117, %add3A_190 : vector<16xf32>
        %min3A_192 = arith.minimumf %broadcast_in_dim3A_124, %add3A_190 : vector<16xf32>
        %add3A_193 = arith.addf %broadcast_in_dim3A_134, %add3A_190 : vector<16xf32>
        %mul3A_194 = arith.mulf %add3A_190, %add3A_190 : vector<16xf32>
        %add3A_195 = arith.addf %broadcast_in_dim3A_142, %mul3A_194 : vector<16xf32>
        %get3A_196 = arith.index_cast %add3A_150 : i32 to index
        %get3A_197 = arith.constant 32 : index
        %get3A_198 = tpu.vector_load %arg8[%get3A_196, %get3A_197] {strides = array<i32>} : memref<128x128xf32, #tpu.memory_space<vmem>>, vector<1x16xf32>,
        %get3A_199 = vector.shape_cast %get3A_198 : vector<1x16xf32> to vector<16xf32>
        %mul3A_200 = arith.mulf %gather3A_159, %convert_element_type3A_19 : vector<16xf32>
        %mul3A_201 = arith.mulf %gather3A_163, %convert_element_type3A_47 : vector<16xf32>
        %add3A_202 = arith.addf %mul3A_200, %mul3A_201 : vector<16xf32>
        %add3A_203 = arith.addf %get3A_199, %add3A_202 : vector<16xf32>
        %mul3A_204 = arith.mulf %gather3A_167, %convert_element_type3A_75 : vector<16xf32>
        %add3A_205 = arith.addf %add3A_203, %mul3A_204 : vector<16xf32>
        %max3A_206 = arith.maximumf %broadcast_in_dim3A_118, %add3A_205 : vector<16xf32>
        %min3A_207 = arith.minimumf %broadcast_in_dim3A_127, %add3A_205 : vector<16xf32>
        %add3A_208 = arith.addf %broadcast_in_dim3A_136, %add3A_205 : vector<16xf32>
        %mul3A_209 = arith.mulf %add3A_205, %add3A_205 : vector<16xf32>
        %add3A_210 = arith.addf %broadcast_in_dim3A_144, %mul3A_209 : vector<16xf32>
        %get3A_211 = arith.index_cast %add3A_150 : i32 to index
        %get3A_212 = arith.constant 48 : index
        %get3A_213 = tpu.vector_load %arg8[%get3A_211, %get3A_212] {strides = array<i32>} : memref<128x128xf32, #tpu.memory_space<vmem>>, vector<1x16xf32>,
        %get3A_214 = vector.shape_cast %get3A_213 : vector<1x16xf32> to vector<16xf32>
        %mul3A_215 = arith.mulf %gather3A_159, %convert_element_type3A_26 : vector<16xf32>
        %mul3A_216 = arith.mulf %gather3A_163, %convert_element_type3A_54 : vector<16xf32>
        %add3A_217 = arith.addf %mul3A_215, %mul3A_216 : vector<16xf32>
        %add3A_218 = arith.addf %get3A_214, %add3A_217 : vector<16xf32>
        %mul3A_219 = arith.mulf %gather3A_167, %convert_element_type3A_82 : vector<16xf32>
        %add3A_220 = arith.addf %add3A_218, %mul3A_219 : vector<16xf32>
        %max3A_221 = arith.maximumf %broadcast_in_dim3A_119, %add3A_220 : vector<16xf32>
        %min3A_222 = arith.minimumf %broadcast_in_dim3A_130, %add3A_220 : vector<16xf32>
        %add3A_223 = arith.addf %broadcast_in_dim3A_138, %add3A_220 : vector<16xf32>
        %mul3A_224 = arith.mulf %add3A_220, %add3A_220 : vector<16xf32>
        %add3A_225 = arith.addf %broadcast_in_dim3A_146, %mul3A_224 : vector<16xf32>
        %mul3A_226 = arith.constant 16 : i32
        %mul3A_227 = arith.muli %scan3A_111, %mul3A_226 : i32
        %add3A_228 = arith.constant 1 : i32
        %add3A_229 = arith.addi %mul3A_227, %add3A_228 : i32
        %get3A_230 = arith.index_cast %add3A_229 : i32 to index
        %get3A_231 = arith.constant 64 : index
        %get3A_232 = tpu.vector_load %arg8[%get3A_230, %get3A_231] {strides = array<i32>} : memref<128x128xf32, #tpu.memory_space<vmem>>, vector<1x16xf32>,
        %get3A_233 = vector.shape_cast %get3A_232 : vector<1x16xf32> to vector<16xf32>
        %sub3A_234 = arith.subf %get3A_233, %get3A_116 : vector<16xf32>
        %convert_element_type3A_235 = arith.truncf %sub3A_234 : vector<16xf32> to vector<16xbf16>
        %convert_element_type3A_236 = arith.extf %convert_element_type3A_235 : vector<16xbf16> to vector<16xf32>
        %broadcast_in_dim3A_237 = arith.constant 0 : i32
        %broadcast_in_dim3A_238 = vector.broadcast %broadcast_in_dim3A_237 : i32 to vector<16x1xi32>
        %gather3A_239 = vector.shape_cast %broadcast_in_dim3A_238 : vector<16x1xi32> to vector<16xi32>
        %gather3A_240 = tpu.dynamic_gather %convert_element_type3A_236[%gather3A_239] in [0] : vector<16xf32>, vector<16xi32> -> vector<16xf32>
        %broadcast_in_dim3A_241 = arith.constant 1 : i32
        %broadcast_in_dim3A_242 = vector.broadcast %broadcast_in_dim3A_241 : i32 to vector<16x1xi32>
        %gather3A_243 = vector.shape_cast %broadcast_in_dim3A_242 : vector<16x1xi32> to vector<16xi32>
        %gather3A_244 = tpu.dynamic_gather %convert_element_type3A_236[%gather3A_243] in [0] : vector<16xf32>, vector<16xi32> -> vector<16xf32>
        %broadcast_in_dim3A_245 = arith.constant 2 : i32
        %broadcast_in_dim3A_246 = vector.broadcast %broadcast_in_dim3A_245 : i32 to vector<16x1xi32>
        %gather3A_247 = vector.shape_cast %broadcast_in_dim3A_246 : vector<16x1xi32> to vector<16xi32>
        %gather3A_248 = tpu.dynamic_gather %convert_element_type3A_236[%gather3A_247] in [0] : vector<16xf32>, vector<16xi32> -> vector<16xf32>
        %get3A_249 = arith.index_cast %add3A_229 : i32 to index
        %get3A_250 = arith.constant 0 : index
        %get3A_251 = tpu.vector_load %arg8[%get3A_249, %get3A_250] {strides = array<i32>} : memref<128x128xf32, #tpu.memory_space<vmem>>, vector<1x16xf32>,
        %get3A_252 = vector.shape_cast %get3A_251 : vector<1x16xf32> to vector<16xf32>
        %mul3A_253 = arith.mulf %gather3A_240, %convert_element_type3A_5 : vector<16xf32>
        %mul3A_254 = arith.mulf %gather3A_244, %convert_element_type3A_33 : vector<16xf32>
        %add3A_255 = arith.addf %mul3A_253, %mul3A_254 : vector<16xf32>
        %add3A_256 = arith.addf %get3A_252, %add3A_255 : vector<16xf32>
        %mul3A_257 = arith.mulf %gather3A_248, %convert_element_type3A_61 : vector<16xf32>
        %add3A_258 = arith.addf %add3A_256, %mul3A_257 : vector<16xf32>
        %max3A_259 = arith.maximumf %max3A, %add3A_258 : vector<16xf32>
        %min3A_260 = arith.minimumf %min3A, %add3A_258 : vector<16xf32>
        %add3A_261 = arith.addf %add3A_178, %add3A_258 : vector<16xf32>
        %mul3A_262 = arith.mulf %add3A_258, %add3A_258 : vector<16xf32>
        %add3A_263 = arith.addf %add3A_180, %mul3A_262 : vector<16xf32>
        %get3A_264 = arith.index_cast %add3A_229 : i32 to index
        %get3A_265 = arith.constant 16 : index
        %get3A_266 = tpu.vector_load %arg8[%get3A_264, %get3A_265] {strides = array<i32>} : memref<128x128xf32, #tpu.memory_space<vmem>>, vector<1x16xf32>,
        %get3A_267 = vector.shape_cast %get3A_266 : vector<1x16xf32> to vector<16xf32>
        %mul3A_268 = arith.mulf %gather3A_240, %convert_element_type3A_12 : vector<16xf32>
        %mul3A_269 = arith.mulf %gather3A_244, %convert_element_type3A_40 : vector<16xf32>
        %add3A_270 = arith.addf %mul3A_268, %mul3A_269 : vector<16xf32>
        %add3A_271 = arith.addf %get3A_267, %add3A_270 : vector<16xf32>
        %mul3A_272 = arith.mulf %gather3A_248, %convert_element_type3A_68 : vector<16xf32>
        %add3A_273 = arith.addf %add3A_271, %mul3A_272 : vector<16xf32>
        %max3A_274 = arith.maximumf %max3A_191, %add3A_273 : vector<16xf32>
        %min3A_275 = arith.minimumf %min3A_192, %add3A_273 : vector<16xf32>
        %add3A_276 = arith.addf %add3A_193, %add3A_273 : vector<16xf32>
        %mul3A_277 = arith.mulf %add3A_273, %add3A_273 : vector<16xf32>
        %add3A_278 = arith.addf %add3A_195, %mul3A_277 : vector<16xf32>
        %get3A_279 = arith.index_cast %add3A_229 : i32 to index
        %get3A_280 = arith.constant 32 : index
        %get3A_281 = tpu.vector_load %arg8[%get3A_279, %get3A_280] {strides = array<i32>} : memref<128x128xf32, #tpu.memory_space<vmem>>, vector<1x16xf32>,
        %get3A_282 = vector.shape_cast %get3A_281 : vector<1x16xf32> to vector<16xf32>
        %mul3A_283 = arith.mulf %gather3A_240, %convert_element_type3A_19 : vector<16xf32>
        %mul3A_284 = arith.mulf %gather3A_244, %convert_element_type3A_47 : vector<16xf32>
        %add3A_285 = arith.addf %mul3A_283, %mul3A_284 : vector<16xf32>
        %add3A_286 = arith.addf %get3A_282, %add3A_285 : vector<16xf32>
        %mul3A_287 = arith.mulf %gather3A_248, %convert_element_type3A_75 : vector<16xf32>
        %add3A_288 = arith.addf %add3A_286, %mul3A_287 : vector<16xf32>
        %max3A_289 = arith.maximumf %max3A_206, %add3A_288 : vector<16xf32>
        %min3A_290 = arith.minimumf %min3A_207, %add3A_288 : vector<16xf32>
        %add3A_291 = arith.addf %add3A_208, %add3A_288 : vector<16xf32>
        %mul3A_292 = arith.mulf %add3A_288, %add3A_288 : vector<16xf32>
        %add3A_293 = arith.addf %add3A_210, %mul3A_292 : vector<16xf32>
        %get3A_294 = arith.index_cast %add3A_229 : i32 to index
        %get3A_295 = arith.constant 48 : index
        %get3A_296 = tpu.vector_load %arg8[%get3A_294, %get3A_295] {strides = array<i32>} : memref<128x128xf32, #tpu.memory_space<vmem>>, vector<1x16xf32>,
        %get3A_297 = vector.shape_cast %get3A_296 : vector<1x16xf32> to vector<16xf32>
        %mul3A_298 = arith.mulf %gather3A_240, %convert_element_type3A_26 : vector<16xf32>
        %mul3A_299 = arith.mulf %gather3A_244, %convert_element_type3A_54 : vector<16xf32>
        %add3A_300 = arith.addf %mul3A_298, %mul3A_299 : vector<16xf32>
        %add3A_301 = arith.addf %get3A_297, %add3A_300 : vector<16xf32>
        %mul3A_302 = arith.mulf %gather3A_248, %convert_element_type3A_82 : vector<16xf32>
        %add3A_303 = arith.addf %add3A_301, %mul3A_302 : vector<16xf32>
        %max3A_304 = arith.maximumf %max3A_221, %add3A_303 : vector<16xf32>
        %min3A_305 = arith.minimumf %min3A_222, %add3A_303 : vector<16xf32>
        %add3A_306 = arith.addf %add3A_223, %add3A_303 : vector<16xf32>
        %mul3A_307 = arith.mulf %add3A_303, %add3A_303 : vector<16xf32>
        %add3A_308 = arith.addf %add3A_225, %mul3A_307 : vector<16xf32>
        %mul3A_309 = arith.constant 16 : i32
        %mul3A_310 = arith.muli %scan3A_111, %mul3A_309 : i32
        %add3A_311 = arith.constant 2 : i32
        %add3A_312 = arith.addi %mul3A_310, %add3A_311 : i32
        %get3A_313 = arith.index_cast %add3A_312 : i32 to index
        %get3A_314 = arith.constant 64 : index
        %get3A_315 = tpu.vector_load %arg8[%get3A_313, %get3A_314] {strides = array<i32>} : memref<128x128xf32, #tpu.memory_space<vmem>>, vector<1x16xf32>,
        %get3A_316 = vector.shape_cast %get3A_315 : vector<1x16xf32> to vector<16xf32>
        %sub3A_317 = arith.subf %get3A_316, %get3A_116 : vector<16xf32>
        %convert_element_type3A_318 = arith.truncf %sub3A_317 : vector<16xf32> to vector<16xbf16>
        %convert_element_type3A_319 = arith.extf %convert_element_type3A_318 : vector<16xbf16> to vector<16xf32>
        %broadcast_in_dim3A_320 = arith.constant 0 : i32
        %broadcast_in_dim3A_321 = vector.broadcast %broadcast_in_dim3A_320 : i32 to vector<16x1xi32>
        %gather3A_322 = vector.shape_cast %broadcast_in_dim3A_321 : vector<16x1xi32> to vector<16xi32>
        %gather3A_323 = tpu.dynamic_gather %convert_element_type3A_319[%gather3A_322] in [0] : vector<16xf32>, vector<16xi32> -> vector<16xf32>
        %broadcast_in_dim3A_324 = arith.constant 1 : i32
        %broadcast_in_dim3A_325 = vector.broadcast %broadcast_in_dim3A_324 : i32 to vector<16x1xi32>
        %gather3A_326 = vector.shape_cast %broadcast_in_dim3A_325 : vector<16x1xi32> to vector<16xi32>
        %gather3A_327 = tpu.dynamic_gather %convert_element_type3A_319[%gather3A_326] in [0] : vector<16xf32>, vector<16xi32> -> vector<16xf32>
        %broadcast_in_dim3A_328 = arith.constant 2 : i32
        %broadcast_in_dim3A_329 = vector.broadcast %broadcast_in_dim3A_328 : i32 to vector<16x1xi32>
        %gather3A_330 = vector.shape_cast %broadcast_in_dim3A_329 : vector<16x1xi32> to vector<16xi32>
        %gather3A_331 = tpu.dynamic_gather %convert_element_type3A_319[%gather3A_330] in [0] : vector<16xf32>, vector<16xi32> -> vector<16xf32>
        %get3A_332 = arith.index_cast %add3A_312 : i32 to index
        %get3A_333 = arith.constant 0 : index
        %get3A_334 = tpu.vector_load %arg8[%get3A_332, %get3A_333] {strides = array<i32>} : memref<128x128xf32, #tpu.memory_space<vmem>>, vector<1x16xf32>,
        %get3A_335 = vector.shape_cast %get3A_334 : vector<1x16xf32> to vector<16xf32>
        %mul3A_336 = arith.mulf %gather3A_323, %convert_element_type3A_5 : vector<16xf32>
        %mul3A_337 = arith.mulf %gather3A_327, %convert_element_type3A_33 : vector<16xf32>
        %add3A_338 = arith.addf %mul3A_336, %mul3A_337 : vector<16xf32>
        %add3A_339 = arith.addf %get3A_335, %add3A_338 : vector<16xf32>
        %mul3A_340 = arith.mulf %gather3A_331, %convert_element_type3A_61 : vector<16xf32>
        %add3A_341 = arith.addf %add3A_339, %mul3A_340 : vector<16xf32>
        %max3A_342 = arith.maximumf %max3A_259, %add3A_341 : vector<16xf32>
        %min3A_343 = arith.minimumf %min3A_260, %add3A_341 : vector<16xf32>
        %add3A_344 = arith.addf %add3A_261, %add3A_341 : vector<16xf32>
        %mul3A_345 = arith.mulf %add3A_341, %add3A_341 : vector<16xf32>
        %add3A_346 = arith.addf %add3A_263, %mul3A_345 : vector<16xf32>
        %get3A_347 = arith.index_cast %add3A_312 : i32 to index
        %get3A_348 = arith.constant 16 : index
        %get3A_349 = tpu.vector_load %arg8[%get3A_347, %get3A_348] {strides = array<i32>} : memref<128x128xf32, #tpu.memory_space<vmem>>, vector<1x16xf32>,
        %get3A_350 = vector.shape_cast %get3A_349 : vector<1x16xf32> to vector<16xf32>
        %mul3A_351 = arith.mulf %gather3A_323, %convert_element_type3A_12 : vector<16xf32>
        %mul3A_352 = arith.mulf %gather3A_327, %convert_element_type3A_40 : vector<16xf32>
        %add3A_353 = arith.addf %mul3A_351, %mul3A_352 : vector<16xf32>
        %add3A_354 = arith.addf %get3A_350, %add3A_353 : vector<16xf32>
        %mul3A_355 = arith.mulf %gather3A_331, %convert_element_type3A_68 : vector<16xf32>
        %add3A_356 = arith.addf %add3A_354, %mul3A_355 : vector<16xf32>
        %max3A_357 = arith.maximumf %max3A_274, %add3A_356 : vector<16xf32>
        %min3A_358 = arith.minimumf %min3A_275, %add3A_356 : vector<16xf32>
        %add3A_359 = arith.addf %add3A_276, %add3A_356 : vector<16xf32>
        %mul3A_360 = arith.mulf %add3A_356, %add3A_356 : vector<16xf32>
        %add3A_361 = arith.addf %add3A_278, %mul3A_360 : vector<16xf32>
        %get3A_362 = arith.index_cast %add3A_312 : i32 to index
        %get3A_363 = arith.constant 32 : index
        %get3A_364 = tpu.vector_load %arg8[%get3A_362, %get3A_363] {strides = array<i32>} : memref<128x128xf32, #tpu.memory_space<vmem>>, vector<1x16xf32>,
        %get3A_365 = vector.shape_cast %get3A_364 : vector<1x16xf32> to vector<16xf32>
        %mul3A_366 = arith.mulf %gather3A_323, %convert_element_type3A_19 : vector<16xf32>
        %mul3A_367 = arith.mulf %gather3A_327, %convert_element_type3A_47 : vector<16xf32>
        %add3A_368 = arith.addf %mul3A_366, %mul3A_367 : vector<16xf32>
        %add3A_369 = arith.addf %get3A_365, %add3A_368 : vector<16xf32>
        %mul3A_370 = arith.mulf %gather3A_331, %convert_element_type3A_75 : vector<16xf32>
        %add3A_371 = arith.addf %add3A_369, %mul3A_370 : vector<16xf32>
        %max3A_372 = arith.maximumf %max3A_289, %add3A_371 : vector<16xf32>
        %min3A_373 = arith.minimumf %min3A_290, %add3A_371 : vector<16xf32>
        %add3A_374 = arith.addf %add3A_291, %add3A_371 : vector<16xf32>
        %mul3A_375 = arith.mulf %add3A_371, %add3A_371 : vector<16xf32>
        %add3A_376 = arith.addf %add3A_293, %mul3A_375 : vector<16xf32>
        %get3A_377 = arith.index_cast %add3A_312 : i32 to index
        %get3A_378 = arith.constant 48 : index
        %get3A_379 = tpu.vector_load %arg8[%get3A_377, %get3A_378] {strides = array<i32>} : memref<128x128xf32, #tpu.memory_space<vmem>>, vector<1x16xf32>,
        %get3A_380 = vector.shape_cast %get3A_379 : vector<1x16xf32> to vector<16xf32>
        %mul3A_381 = arith.mulf %gather3A_323, %convert_element_type3A_26 : vector<16xf32>
        %mul3A_382 = arith.mulf %gather3A_327, %convert_element_type3A_54 : vector<16xf32>
        %add3A_383 = arith.addf %mul3A_381, %mul3A_382 : vector<16xf32>
        %add3A_384 = arith.addf %get3A_380, %add3A_383 : vector<16xf32>
        %mul3A_385 = arith.mulf %gather3A_331, %convert_element_type3A_82 : vector<16xf32>
        %add3A_386 = arith.addf %add3A_384, %mul3A_385 : vector<16xf32>
        %max3A_387 = arith.maximumf %max3A_304, %add3A_386 : vector<16xf32>
        %min3A_388 = arith.minimumf %min3A_305, %add3A_386 : vector<16xf32>
        %add3A_389 = arith.addf %add3A_306, %add3A_386 : vector<16xf32>
        %mul3A_390 = arith.mulf %add3A_386, %add3A_386 : vector<16xf32>
        %add3A_391 = arith.addf %add3A_308, %mul3A_390 : vector<16xf32>
        %mul3A_392 = arith.constant 16 : i32
        %mul3A_393 = arith.muli %scan3A_111, %mul3A_392 : i32
        %add3A_394 = arith.constant 3 : i32
        %add3A_395 = arith.addi %mul3A_393, %add3A_394 : i32
        %get3A_396 = arith.index_cast %add3A_395 : i32 to index
        %get3A_397 = arith.constant 64 : index
        %get3A_398 = tpu.vector_load %arg8[%get3A_396, %get3A_397] {strides = array<i32>} : memref<128x128xf32, #tpu.memory_space<vmem>>, vector<1x16xf32>,
        %get3A_399 = vector.shape_cast %get3A_398 : vector<1x16xf32> to vector<16xf32>
        %sub3A_400 = arith.subf %get3A_399, %get3A_116 : vector<16xf32>
        %convert_element_type3A_401 = arith.truncf %sub3A_400 : vector<16xf32> to vector<16xbf16>
        %convert_element_type3A_402 = arith.extf %convert_element_type3A_401 : vector<16xbf16> to vector<16xf32>
        %broadcast_in_dim3A_403 = arith.constant 0 : i32
        %broadcast_in_dim3A_404 = vector.broadcast %broadcast_in_dim3A_403 : i32 to vector<16x1xi32>
        %gather3A_405 = vector.shape_cast %broadcast_in_dim3A_404 : vector<16x1xi32> to vector<16xi32>
        %gather3A_406 = tpu.dynamic_gather %convert_element_type3A_402[%gather3A_405] in [0] : vector<16xf32>, vector<16xi32> -> vector<16xf32>
        %broadcast_in_dim3A_407 = arith.constant 1 : i32
        %broadcast_in_dim3A_408 = vector.broadcast %broadcast_in_dim3A_407 : i32 to vector<16x1xi32>
        %gather3A_409 = vector.shape_cast %broadcast_in_dim3A_408 : vector<16x1xi32> to vector<16xi32>
        %gather3A_410 = tpu.dynamic_gather %convert_element_type3A_402[%gather3A_409] in [0] : vector<16xf32>, vector<16xi32> -> vector<16xf32>
        %broadcast_in_dim3A_411 = arith.constant 2 : i32
        %broadcast_in_dim3A_412 = vector.broadcast %broadcast_in_dim3A_411 : i32 to vector<16x1xi32>
        %gather3A_413 = vector.shape_cast %broadcast_in_dim3A_412 : vector<16x1xi32> to vector<16xi32>
        %gather3A_414 = tpu.dynamic_gather %convert_element_type3A_402[%gather3A_413] in [0] : vector<16xf32>, vector<16xi32> -> vector<16xf32>
        %get3A_415 = arith.index_cast %add3A_395 : i32 to index
        %get3A_416 = arith.constant 0 : index
        %get3A_417 = tpu.vector_load %arg8[%get3A_415, %get3A_416] {strides = array<i32>} : memref<128x128xf32, #tpu.memory_space<vmem>>, vector<1x16xf32>,
        %get3A_418 = vector.shape_cast %get3A_417 : vector<1x16xf32> to vector<16xf32>
        %mul3A_419 = arith.mulf %gather3A_406, %convert_element_type3A_5 : vector<16xf32>
        %mul3A_420 = arith.mulf %gather3A_410, %convert_element_type3A_33 : vector<16xf32>
        %add3A_421 = arith.addf %mul3A_419, %mul3A_420 : vector<16xf32>
        %add3A_422 = arith.addf %get3A_418, %add3A_421 : vector<16xf32>
        %mul3A_423 = arith.mulf %gather3A_414, %convert_element_type3A_61 : vector<16xf32>
        %add3A_424 = arith.addf %add3A_422, %mul3A_423 : vector<16xf32>
        %max3A_425 = arith.maximumf %max3A_342, %add3A_424 : vector<16xf32>
        %min3A_426 = arith.minimumf %min3A_343, %add3A_424 : vector<16xf32>
        %add3A_427 = arith.addf %add3A_344, %add3A_424 : vector<16xf32>
        %mul3A_428 = arith.mulf %add3A_424, %add3A_424 : vector<16xf32>
        %add3A_429 = arith.addf %add3A_346, %mul3A_428 : vector<16xf32>
        %get3A_430 = arith.index_cast %add3A_395 : i32 to index
        %get3A_431 = arith.constant 16 : index
        %get3A_432 = tpu.vector_load %arg8[%get3A_430, %get3A_431] {strides = array<i32>} : memref<128x128xf32, #tpu.memory_space<vmem>>, vector<1x16xf32>,
        %get3A_433 = vector.shape_cast %get3A_432 : vector<1x16xf32> to vector<16xf32>
        %mul3A_434 = arith.mulf %gather3A_406, %convert_element_type3A_12 : vector<16xf32>
        %mul3A_435 = arith.mulf %gather3A_410, %convert_element_type3A_40 : vector<16xf32>
        %add3A_436 = arith.addf %mul3A_434, %mul3A_435 : vector<16xf32>
        %add3A_437 = arith.addf %get3A_433, %add3A_436 : vector<16xf32>
        %mul3A_438 = arith.mulf %gather3A_414, %convert_element_type3A_68 : vector<16xf32>
        %add3A_439 = arith.addf %add3A_437, %mul3A_438 : vector<16xf32>
        %max3A_440 = arith.maximumf %max3A_357, %add3A_439 : vector<16xf32>
        %min3A_441 = arith.minimumf %min3A_358, %add3A_439 : vector<16xf32>
        %add3A_442 = arith.addf %add3A_359, %add3A_439 : vector<16xf32>
        %mul3A_443 = arith.mulf %add3A_439, %add3A_439 : vector<16xf32>
        %add3A_444 = arith.addf %add3A_361, %mul3A_443 : vector<16xf32>
        %get3A_445 = arith.index_cast %add3A_395 : i32 to index
        %get3A_446 = arith.constant 32 : index
        %get3A_447 = tpu.vector_load %arg8[%get3A_445, %get3A_446] {strides = array<i32>} : memref<128x128xf32, #tpu.memory_space<vmem>>, vector<1x16xf32>,
        %get3A_448 = vector.shape_cast %get3A_447 : vector<1x16xf32> to vector<16xf32>
        %mul3A_449 = arith.mulf %gather3A_406, %convert_element_type3A_19 : vector<16xf32>
        %mul3A_450 = arith.mulf %gather3A_410, %convert_element_type3A_47 : vector<16xf32>
        %add3A_451 = arith.addf %mul3A_449, %mul3A_450 : vector<16xf32>
        %add3A_452 = arith.addf %get3A_448, %add3A_451 : vector<16xf32>
        %mul3A_453 = arith.mulf %gather3A_414, %convert_element_type3A_75 : vector<16xf32>
        %add3A_454 = arith.addf %add3A_452, %mul3A_453 : vector<16xf32>
        %max3A_455 = arith.maximumf %max3A_372, %add3A_454 : vector<16xf32>
        %min3A_456 = arith.minimumf %min3A_373, %add3A_454 : vector<16xf32>
        %add3A_457 = arith.addf %add3A_374, %add3A_454 : vector<16xf32>
        %mul3A_458 = arith.mulf %add3A_454, %add3A_454 : vector<16xf32>
        %add3A_459 = arith.addf %add3A_376, %mul3A_458 : vector<16xf32>
        %get3A_460 = arith.index_cast %add3A_395 : i32 to index
        %get3A_461 = arith.constant 48 : index
        %get3A_462 = tpu.vector_load %arg8[%get3A_460, %get3A_461] {strides = array<i32>} : memref<128x128xf32, #tpu.memory_space<vmem>>, vector<1x16xf32>,
        %get3A_463 = vector.shape_cast %get3A_462 : vector<1x16xf32> to vector<16xf32>
        %mul3A_464 = arith.mulf %gather3A_406, %convert_element_type3A_26 : vector<16xf32>
        %mul3A_465 = arith.mulf %gather3A_410, %convert_element_type3A_54 : vector<16xf32>
        %add3A_466 = arith.addf %mul3A_464, %mul3A_465 : vector<16xf32>
        %add3A_467 = arith.addf %get3A_463, %add3A_466 : vector<16xf32>
        %mul3A_468 = arith.mulf %gather3A_414, %convert_element_type3A_82 : vector<16xf32>
        %add3A_469 = arith.addf %add3A_467, %mul3A_468 : vector<16xf32>
        %max3A_470 = arith.maximumf %max3A_387, %add3A_469 : vector<16xf32>
        %min3A_471 = arith.minimumf %min3A_388, %add3A_469 : vector<16xf32>
        %add3A_472 = arith.addf %add3A_389, %add3A_469 : vector<16xf32>
        %mul3A_473 = arith.mulf %add3A_469, %add3A_469 : vector<16xf32>
        %add3A_474 = arith.addf %add3A_391, %mul3A_473 : vector<16xf32>
        %mul3A_475 = arith.constant 16 : i32
        %mul3A_476 = arith.muli %scan3A_111, %mul3A_475 : i32
        %add3A_477 = arith.constant 4 : i32
        %add3A_478 = arith.addi %mul3A_476, %add3A_477 : i32
        %get3A_479 = arith.index_cast %add3A_478 : i32 to index
        %get3A_480 = arith.constant 64 : index
        %get3A_481 = tpu.vector_load %arg8[%get3A_479, %get3A_480] {strides = array<i32>} : memref<128x128xf32, #tpu.memory_space<vmem>>, vector<1x16xf32>,
        %get3A_482 = vector.shape_cast %get3A_481 : vector<1x16xf32> to vector<16xf32>
        %sub3A_483 = arith.subf %get3A_482, %get3A_116 : vector<16xf32>
        %convert_element_type3A_484 = arith.truncf %sub3A_483 : vector<16xf32> to vector<16xbf16>
        %convert_element_type3A_485 = arith.extf %convert_element_type3A_484 : vector<16xbf16> to vector<16xf32>
        %broadcast_in_dim3A_486 = arith.constant 0 : i32
        %broadcast_in_dim3A_487 = vector.broadcast %broadcast_in_dim3A_486 : i32 to vector<16x1xi32>
        %gather3A_488 = vector.shape_cast %broadcast_in_dim3A_487 : vector<16x1xi32> to vector<16xi32>
        %gather3A_489 = tpu.dynamic_gather %convert_element_type3A_485[%gather3A_488] in [0] : vector<16xf32>, vector<16xi32> -> vector<16xf32>
        %broadcast_in_dim3A_490 = arith.constant 1 : i32
        %broadcast_in_dim3A_491 = vector.broadcast %broadcast_in_dim3A_490 : i32 to vector<16x1xi32>
        %gather3A_492 = vector.shape_cast %broadcast_in_dim3A_491 : vector<16x1xi32> to vector<16xi32>
        %gather3A_493 = tpu.dynamic_gather %convert_element_type3A_485[%gather3A_492] in [0] : vector<16xf32>, vector<16xi32> -> vector<16xf32>
        %broadcast_in_dim3A_494 = arith.constant 2 : i32
        %broadcast_in_dim3A_495 = vector.broadcast %broadcast_in_dim3A_494 : i32 to vector<16x1xi32>
        %gather3A_496 = vector.shape_cast %broadcast_in_dim3A_495 : vector<16x1xi32> to vector<16xi32>
        %gather3A_497 = tpu.dynamic_gather %convert_element_type3A_485[%gather3A_496] in [0] : vector<16xf32>, vector<16xi32> -> vector<16xf32>
        %get3A_498 = arith.index_cast %add3A_478 : i32 to index
        %get3A_499 = arith.constant 0 : index
        %get3A_500 = tpu.vector_load %arg8[%get3A_498, %get3A_499] {strides = array<i32>} : memref<128x128xf32, #tpu.memory_space<vmem>>, vector<1x16xf32>,
        %get3A_501 = vector.shape_cast %get3A_500 : vector<1x16xf32> to vector<16xf32>
        %mul3A_502 = arith.mulf %gather3A_489, %convert_element_type3A_5 : vector<16xf32>
        %mul3A_503 = arith.mulf %gather3A_493, %convert_element_type3A_33 : vector<16xf32>
        %add3A_504 = arith.addf %mul3A_502, %mul3A_503 : vector<16xf32>
        %add3A_505 = arith.addf %get3A_501, %add3A_504 : vector<16xf32>
        %mul3A_506 = arith.mulf %gather3A_497, %convert_element_type3A_61 : vector<16xf32>
        %add3A_507 = arith.addf %add3A_505, %mul3A_506 : vector<16xf32>
        %max3A_508 = arith.maximumf %max3A_425, %add3A_507 : vector<16xf32>
        %min3A_509 = arith.minimumf %min3A_426, %add3A_507 : vector<16xf32>
        %add3A_510 = arith.addf %add3A_427, %add3A_507 : vector<16xf32>
        %mul3A_511 = arith.mulf %add3A_507, %add3A_507 : vector<16xf32>
        %add3A_512 = arith.addf %add3A_429, %mul3A_511 : vector<16xf32>
        %get3A_513 = arith.index_cast %add3A_478 : i32 to index
        %get3A_514 = arith.constant 16 : index
        %get3A_515 = tpu.vector_load %arg8[%get3A_513, %get3A_514] {strides = array<i32>} : memref<128x128xf32, #tpu.memory_space<vmem>>, vector<1x16xf32>,
        %get3A_516 = vector.shape_cast %get3A_515 : vector<1x16xf32> to vector<16xf32>
        %mul3A_517 = arith.mulf %gather3A_489, %convert_element_type3A_12 : vector<16xf32>
        %mul3A_518 = arith.mulf %gather3A_493, %convert_element_type3A_40 : vector<16xf32>
        %add3A_519 = arith.addf %mul3A_517, %mul3A_518 : vector<16xf32>
        %add3A_520 = arith.addf %get3A_516, %add3A_519 : vector<16xf32>
        %mul3A_521 = arith.mulf %gather3A_497, %convert_element_type3A_68 : vector<16xf32>
        %add3A_522 = arith.addf %add3A_520, %mul3A_521 : vector<16xf32>
        %max3A_523 = arith.maximumf %max3A_440, %add3A_522 : vector<16xf32>
        %min3A_524 = arith.minimumf %min3A_441, %add3A_522 : vector<16xf32>
        %add3A_525 = arith.addf %add3A_442, %add3A_522 : vector<16xf32>
        %mul3A_526 = arith.mulf %add3A_522, %add3A_522 : vector<16xf32>
        %add3A_527 = arith.addf %add3A_444, %mul3A_526 : vector<16xf32>
        %get3A_528 = arith.index_cast %add3A_478 : i32 to index
        %get3A_529 = arith.constant 32 : index
        %get3A_530 = tpu.vector_load %arg8[%get3A_528, %get3A_529] {strides = array<i32>} : memref<128x128xf32, #tpu.memory_space<vmem>>, vector<1x16xf32>,
        %get3A_531 = vector.shape_cast %get3A_530 : vector<1x16xf32> to vector<16xf32>
        %mul3A_532 = arith.mulf %gather3A_489, %convert_element_type3A_19 : vector<16xf32>
        %mul3A_533 = arith.mulf %gather3A_493, %convert_element_type3A_47 : vector<16xf32>
        %add3A_534 = arith.addf %mul3A_532, %mul3A_533 : vector<16xf32>
        %add3A_535 = arith.addf %get3A_531, %add3A_534 : vector<16xf32>
        %mul3A_536 = arith.mulf %gather3A_497, %convert_element_type3A_75 : vector<16xf32>
        %add3A_537 = arith.addf %add3A_535, %mul3A_536 : vector<16xf32>
        %max3A_538 = arith.maximumf %max3A_455, %add3A_537 : vector<16xf32>
        %min3A_539 = arith.minimumf %min3A_456, %add3A_537 : vector<16xf32>
        %add3A_540 = arith.addf %add3A_457, %add3A_537 : vector<16xf32>
        %mul3A_541 = arith.mulf %add3A_537, %add3A_537 : vector<16xf32>
        %add3A_542 = arith.addf %add3A_459, %mul3A_541 : vector<16xf32>
        %get3A_543 = arith.index_cast %add3A_478 : i32 to index
        %get3A_544 = arith.constant 48 : index
        %get3A_545 = tpu.vector_load %arg8[%get3A_543, %get3A_544] {strides = array<i32>} : memref<128x128xf32, #tpu.memory_space<vmem>>, vector<1x16xf32>,
        %get3A_546 = vector.shape_cast %get3A_545 : vector<1x16xf32> to vector<16xf32>
        %mul3A_547 = arith.mulf %gather3A_489, %convert_element_type3A_26 : vector<16xf32>
        %mul3A_548 = arith.mulf %gather3A_493, %convert_element_type3A_54 : vector<16xf32>
        %add3A_549 = arith.addf %mul3A_547, %mul3A_548 : vector<16xf32>
        %add3A_550 = arith.addf %get3A_546, %add3A_549 : vector<16xf32>
        %mul3A_551 = arith.mulf %gather3A_497, %convert_element_type3A_82 : vector<16xf32>
        %add3A_552 = arith.addf %add3A_550, %mul3A_551 : vector<16xf32>
        %max3A_553 = arith.maximumf %max3A_470, %add3A_552 : vector<16xf32>
        %min3A_554 = arith.minimumf %min3A_471, %add3A_552 : vector<16xf32>
        %add3A_555 = arith.addf %add3A_472, %add3A_552 : vector<16xf32>
        %mul3A_556 = arith.mulf %add3A_552, %add3A_552 : vector<16xf32>
        %add3A_557 = arith.addf %add3A_474, %mul3A_556 : vector<16xf32>
        %mul3A_558 = arith.constant 16 : i32
        %mul3A_559 = arith.muli %scan3A_111, %mul3A_558 : i32
        %add3A_560 = arith.constant 5 : i32
        %add3A_561 = arith.addi %mul3A_559, %add3A_560 : i32
        %get3A_562 = arith.index_cast %add3A_561 : i32 to index
        %get3A_563 = arith.constant 64 : index
        %get3A_564 = tpu.vector_load %arg8[%get3A_562, %get3A_563] {strides = array<i32>} : memref<128x128xf32, #tpu.memory_space<vmem>>, vector<1x16xf32>,
        %get3A_565 = vector.shape_cast %get3A_564 : vector<1x16xf32> to vector<16xf32>
        %sub3A_566 = arith.subf %get3A_565, %get3A_116 : vector<16xf32>
        %convert_element_type3A_567 = arith.truncf %sub3A_566 : vector<16xf32> to vector<16xbf16>
        %convert_element_type3A_568 = arith.extf %convert_element_type3A_567 : vector<16xbf16> to vector<16xf32>
        %broadcast_in_dim3A_569 = arith.constant 0 : i32
        %broadcast_in_dim3A_570 = vector.broadcast %broadcast_in_dim3A_569 : i32 to vector<16x1xi32>
        %gather3A_571 = vector.shape_cast %broadcast_in_dim3A_570 : vector<16x1xi32> to vector<16xi32>
        %gather3A_572 = tpu.dynamic_gather %convert_element_type3A_568[%gather3A_571] in [0] : vector<16xf32>, vector<16xi32> -> vector<16xf32>
        %broadcast_in_dim3A_573 = arith.constant 1 : i32
        %broadcast_in_dim3A_574 = vector.broadcast %broadcast_in_dim3A_573 : i32 to vector<16x1xi32>
        %gather3A_575 = vector.shape_cast %broadcast_in_dim3A_574 : vector<16x1xi32> to vector<16xi32>
        %gather3A_576 = tpu.dynamic_gather %convert_element_type3A_568[%gather3A_575] in [0] : vector<16xf32>, vector<16xi32> -> vector<16xf32>
        %broadcast_in_dim3A_577 = arith.constant 2 : i32
        %broadcast_in_dim3A_578 = vector.broadcast %broadcast_in_dim3A_577 : i32 to vector<16x1xi32>
        %gather3A_579 = vector.shape_cast %broadcast_in_dim3A_578 : vector<16x1xi32> to vector<16xi32>
        %gather3A_580 = tpu.dynamic_gather %convert_element_type3A_568[%gather3A_579] in [0] : vector<16xf32>, vector<16xi32> -> vector<16xf32>
        %get3A_581 = arith.index_cast %add3A_561 : i32 to index
        %get3A_582 = arith.constant 0 : index
        %get3A_583 = tpu.vector_load %arg8[%get3A_581, %get3A_582] {strides = array<i32>} : memref<128x128xf32, #tpu.memory_space<vmem>>, vector<1x16xf32>,
        %get3A_584 = vector.shape_cast %get3A_583 : vector<1x16xf32> to vector<16xf32>
        %mul3A_585 = arith.mulf %gather3A_572, %convert_element_type3A_5 : vector<16xf32>
        %mul3A_586 = arith.mulf %gather3A_576, %convert_element_type3A_33 : vector<16xf32>
        %add3A_587 = arith.addf %mul3A_585, %mul3A_586 : vector<16xf32>
        %add3A_588 = arith.addf %get3A_584, %add3A_587 : vector<16xf32>
        %mul3A_589 = arith.mulf %gather3A_580, %convert_element_type3A_61 : vector<16xf32>
        %add3A_590 = arith.addf %add3A_588, %mul3A_589 : vector<16xf32>
        %max3A_591 = arith.maximumf %max3A_508, %add3A_590 : vector<16xf32>
        %min3A_592 = arith.minimumf %min3A_509, %add3A_590 : vector<16xf32>
        %add3A_593 = arith.addf %add3A_510, %add3A_590 : vector<16xf32>
        %mul3A_594 = arith.mulf %add3A_590, %add3A_590 : vector<16xf32>
        %add3A_595 = arith.addf %add3A_512, %mul3A_594 : vector<16xf32>
        %get3A_596 = arith.index_cast %add3A_561 : i32 to index
        %get3A_597 = arith.constant 16 : index
        %get3A_598 = tpu.vector_load %arg8[%get3A_596, %get3A_597] {strides = array<i32>} : memref<128x128xf32, #tpu.memory_space<vmem>>, vector<1x16xf32>,
        %get3A_599 = vector.shape_cast %get3A_598 : vector<1x16xf32> to vector<16xf32>
        %mul3A_600 = arith.mulf %gather3A_572, %convert_element_type3A_12 : vector<16xf32>
        %mul3A_601 = arith.mulf %gather3A_576, %convert_element_type3A_40 : vector<16xf32>
        %add3A_602 = arith.addf %mul3A_600, %mul3A_601 : vector<16xf32>
        %add3A_603 = arith.addf %get3A_599, %add3A_602 : vector<16xf32>
        %mul3A_604 = arith.mulf %gather3A_580, %convert_element_type3A_68 : vector<16xf32>
        %add3A_605 = arith.addf %add3A_603, %mul3A_604 : vector<16xf32>
        %max3A_606 = arith.maximumf %max3A_523, %add3A_605 : vector<16xf32>
        %min3A_607 = arith.minimumf %min3A_524, %add3A_605 : vector<16xf32>
        %add3A_608 = arith.addf %add3A_525, %add3A_605 : vector<16xf32>
        %mul3A_609 = arith.mulf %add3A_605, %add3A_605 : vector<16xf32>
        %add3A_610 = arith.addf %add3A_527, %mul3A_609 : vector<16xf32>
        %get3A_611 = arith.index_cast %add3A_561 : i32 to index
        %get3A_612 = arith.constant 32 : index
        %get3A_613 = tpu.vector_load %arg8[%get3A_611, %get3A_612] {strides = array<i32>} : memref<128x128xf32, #tpu.memory_space<vmem>>, vector<1x16xf32>,
        %get3A_614 = vector.shape_cast %get3A_613 : vector<1x16xf32> to vector<16xf32>
        %mul3A_615 = arith.mulf %gather3A_572, %convert_element_type3A_19 : vector<16xf32>
        %mul3A_616 = arith.mulf %gather3A_576, %convert_element_type3A_47 : vector<16xf32>
        %add3A_617 = arith.addf %mul3A_615, %mul3A_616 : vector<16xf32>
        %add3A_618 = arith.addf %get3A_614, %add3A_617 : vector<16xf32>
        %mul3A_619 = arith.mulf %gather3A_580, %convert_element_type3A_75 : vector<16xf32>
        %add3A_620 = arith.addf %add3A_618, %mul3A_619 : vector<16xf32>
        %max3A_621 = arith.maximumf %max3A_538, %add3A_620 : vector<16xf32>
        %min3A_622 = arith.minimumf %min3A_539, %add3A_620 : vector<16xf32>
        %add3A_623 = arith.addf %add3A_540, %add3A_620 : vector<16xf32>
        %mul3A_624 = arith.mulf %add3A_620, %add3A_620 : vector<16xf32>
        %add3A_625 = arith.addf %add3A_542, %mul3A_624 : vector<16xf32>
        %get3A_626 = arith.index_cast %add3A_561 : i32 to index
        %get3A_627 = arith.constant 48 : index
        %get3A_628 = tpu.vector_load %arg8[%get3A_626, %get3A_627] {strides = array<i32>} : memref<128x128xf32, #tpu.memory_space<vmem>>, vector<1x16xf32>,
        %get3A_629 = vector.shape_cast %get3A_628 : vector<1x16xf32> to vector<16xf32>
        %mul3A_630 = arith.mulf %gather3A_572, %convert_element_type3A_26 : vector<16xf32>
        %mul3A_631 = arith.mulf %gather3A_576, %convert_element_type3A_54 : vector<16xf32>
        %add3A_632 = arith.addf %mul3A_630, %mul3A_631 : vector<16xf32>
        %add3A_633 = arith.addf %get3A_629, %add3A_632 : vector<16xf32>
        %mul3A_634 = arith.mulf %gather3A_580, %convert_element_type3A_82 : vector<16xf32>
        %add3A_635 = arith.addf %add3A_633, %mul3A_634 : vector<16xf32>
        %max3A_636 = arith.maximumf %max3A_553, %add3A_635 : vector<16xf32>
        %min3A_637 = arith.minimumf %min3A_554, %add3A_635 : vector<16xf32>
        %add3A_638 = arith.addf %add3A_555, %add3A_635 : vector<16xf32>
        %mul3A_639 = arith.mulf %add3A_635, %add3A_635 : vector<16xf32>
        %add3A_640 = arith.addf %add3A_557, %mul3A_639 : vector<16xf32>
        %mul3A_641 = arith.constant 16 : i32
        %mul3A_642 = arith.muli %scan3A_111, %mul3A_641 : i32
        %add3A_643 = arith.constant 6 : i32
        %add3A_644 = arith.addi %mul3A_642, %add3A_643 : i32
        %get3A_645 = arith.index_cast %add3A_644 : i32 to index
        %get3A_646 = arith.constant 64 : index
        %get3A_647 = tpu.vector_load %arg8[%get3A_645, %get3A_646] {strides = array<i32>} : memref<128x128xf32, #tpu.memory_space<vmem>>, vector<1x16xf32>,
        %get3A_648 = vector.shape_cast %get3A_647 : vector<1x16xf32> to vector<16xf32>
        %sub3A_649 = arith.subf %get3A_648, %get3A_116 : vector<16xf32>
        %convert_element_type3A_650 = arith.truncf %sub3A_649 : vector<16xf32> to vector<16xbf16>
        %convert_element_type3A_651 = arith.extf %convert_element_type3A_650 : vector<16xbf16> to vector<16xf32>
        %broadcast_in_dim3A_652 = arith.constant 0 : i32
        %broadcast_in_dim3A_653 = vector.broadcast %broadcast_in_dim3A_652 : i32 to vector<16x1xi32>
        %gather3A_654 = vector.shape_cast %broadcast_in_dim3A_653 : vector<16x1xi32> to vector<16xi32>
        %gather3A_655 = tpu.dynamic_gather %convert_element_type3A_651[%gather3A_654] in [0] : vector<16xf32>, vector<16xi32> -> vector<16xf32>
        %broadcast_in_dim3A_656 = arith.constant 1 : i32
        %broadcast_in_dim3A_657 = vector.broadcast %broadcast_in_dim3A_656 : i32 to vector<16x1xi32>
        %gather3A_658 = vector.shape_cast %broadcast_in_dim3A_657 : vector<16x1xi32> to vector<16xi32>
        %gather3A_659 = tpu.dynamic_gather %convert_element_type3A_651[%gather3A_658] in [0] : vector<16xf32>, vector<16xi32> -> vector<16xf32>
        %broadcast_in_dim3A_660 = arith.constant 2 : i32
        %broadcast_in_dim3A_661 = vector.broadcast %broadcast_in_dim3A_660 : i32 to vector<16x1xi32>
        %gather3A_662 = vector.shape_cast %broadcast_in_dim3A_661 : vector<16x1xi32> to vector<16xi32>
        %gather3A_663 = tpu.dynamic_gather %convert_element_type3A_651[%gather3A_662] in [0] : vector<16xf32>, vector<16xi32> -> vector<16xf32>
        %get3A_664 = arith.index_cast %add3A_644 : i32 to index
        %get3A_665 = arith.constant 0 : index
        %get3A_666 = tpu.vector_load %arg8[%get3A_664, %get3A_665] {strides = array<i32>} : memref<128x128xf32, #tpu.memory_space<vmem>>, vector<1x16xf32>,
        %get3A_667 = vector.shape_cast %get3A_666 : vector<1x16xf32> to vector<16xf32>
        %mul3A_668 = arith.mulf %gather3A_655, %convert_element_type3A_5 : vector<16xf32>
        %mul3A_669 = arith.mulf %gather3A_659, %convert_element_type3A_33 : vector<16xf32>
        %add3A_670 = arith.addf %mul3A_668, %mul3A_669 : vector<16xf32>
        %add3A_671 = arith.addf %get3A_667, %add3A_670 : vector<16xf32>
        %mul3A_672 = arith.mulf %gather3A_663, %convert_element_type3A_61 : vector<16xf32>
        %add3A_673 = arith.addf %add3A_671, %mul3A_672 : vector<16xf32>
        %max3A_674 = arith.maximumf %max3A_591, %add3A_673 : vector<16xf32>
        %min3A_675 = arith.minimumf %min3A_592, %add3A_673 : vector<16xf32>
        %add3A_676 = arith.addf %add3A_593, %add3A_673 : vector<16xf32>
        %mul3A_677 = arith.mulf %add3A_673, %add3A_673 : vector<16xf32>
        %add3A_678 = arith.addf %add3A_595, %mul3A_677 : vector<16xf32>
        %get3A_679 = arith.index_cast %add3A_644 : i32 to index
        %get3A_680 = arith.constant 16 : index
        %get3A_681 = tpu.vector_load %arg8[%get3A_679, %get3A_680] {strides = array<i32>} : memref<128x128xf32, #tpu.memory_space<vmem>>, vector<1x16xf32>,
        %get3A_682 = vector.shape_cast %get3A_681 : vector<1x16xf32> to vector<16xf32>
        %mul3A_683 = arith.mulf %gather3A_655, %convert_element_type3A_12 : vector<16xf32>
        %mul3A_684 = arith.mulf %gather3A_659, %convert_element_type3A_40 : vector<16xf32>
        %add3A_685 = arith.addf %mul3A_683, %mul3A_684 : vector<16xf32>
        %add3A_686 = arith.addf %get3A_682, %add3A_685 : vector<16xf32>
        %mul3A_687 = arith.mulf %gather3A_663, %convert_element_type3A_68 : vector<16xf32>
        %add3A_688 = arith.addf %add3A_686, %mul3A_687 : vector<16xf32>
        %max3A_689 = arith.maximumf %max3A_606, %add3A_688 : vector<16xf32>
        %min3A_690 = arith.minimumf %min3A_607, %add3A_688 : vector<16xf32>
        %add3A_691 = arith.addf %add3A_608, %add3A_688 : vector<16xf32>
        %mul3A_692 = arith.mulf %add3A_688, %add3A_688 : vector<16xf32>
        %add3A_693 = arith.addf %add3A_610, %mul3A_692 : vector<16xf32>
        %get3A_694 = arith.index_cast %add3A_644 : i32 to index
        %get3A_695 = arith.constant 32 : index
        %get3A_696 = tpu.vector_load %arg8[%get3A_694, %get3A_695] {strides = array<i32>} : memref<128x128xf32, #tpu.memory_space<vmem>>, vector<1x16xf32>,
        %get3A_697 = vector.shape_cast %get3A_696 : vector<1x16xf32> to vector<16xf32>
        %mul3A_698 = arith.mulf %gather3A_655, %convert_element_type3A_19 : vector<16xf32>
        %mul3A_699 = arith.mulf %gather3A_659, %convert_element_type3A_47 : vector<16xf32>
        %add3A_700 = arith.addf %mul3A_698, %mul3A_699 : vector<16xf32>
        %add3A_701 = arith.addf %get3A_697, %add3A_700 : vector<16xf32>
        %mul3A_702 = arith.mulf %gather3A_663, %convert_element_type3A_75 : vector<16xf32>
        %add3A_703 = arith.addf %add3A_701, %mul3A_702 : vector<16xf32>
        %max3A_704 = arith.maximumf %max3A_621, %add3A_703 : vector<16xf32>
        %min3A_705 = arith.minimumf %min3A_622, %add3A_703 : vector<16xf32>
        %add3A_706 = arith.addf %add3A_623, %add3A_703 : vector<16xf32>
        %mul3A_707 = arith.mulf %add3A_703, %add3A_703 : vector<16xf32>
        %add3A_708 = arith.addf %add3A_625, %mul3A_707 : vector<16xf32>
        %get3A_709 = arith.index_cast %add3A_644 : i32 to index
        %get3A_710 = arith.constant 48 : index
        %get3A_711 = tpu.vector_load %arg8[%get3A_709, %get3A_710] {strides = array<i32>} : memref<128x128xf32, #tpu.memory_space<vmem>>, vector<1x16xf32>,
        %get3A_712 = vector.shape_cast %get3A_711 : vector<1x16xf32> to vector<16xf32>
        %mul3A_713 = arith.mulf %gather3A_655, %convert_element_type3A_26 : vector<16xf32>
        %mul3A_714 = arith.mulf %gather3A_659, %convert_element_type3A_54 : vector<16xf32>
        %add3A_715 = arith.addf %mul3A_713, %mul3A_714 : vector<16xf32>
        %add3A_716 = arith.addf %get3A_712, %add3A_715 : vector<16xf32>
        %mul3A_717 = arith.mulf %gather3A_663, %convert_element_type3A_82 : vector<16xf32>
        %add3A_718 = arith.addf %add3A_716, %mul3A_717 : vector<16xf32>
        %max3A_719 = arith.maximumf %max3A_636, %add3A_718 : vector<16xf32>
        %min3A_720 = arith.minimumf %min3A_637, %add3A_718 : vector<16xf32>
        %add3A_721 = arith.addf %add3A_638, %add3A_718 : vector<16xf32>
        %mul3A_722 = arith.mulf %add3A_718, %add3A_718 : vector<16xf32>
        %add3A_723 = arith.addf %add3A_640, %mul3A_722 : vector<16xf32>
        %mul3A_724 = arith.constant 16 : i32
        %mul3A_725 = arith.muli %scan3A_111, %mul3A_724 : i32
        %add3A_726 = arith.constant 7 : i32
        %add3A_727 = arith.addi %mul3A_725, %add3A_726 : i32
        %get3A_728 = arith.index_cast %add3A_727 : i32 to index
        %get3A_729 = arith.constant 64 : index
        %get3A_730 = tpu.vector_load %arg8[%get3A_728, %get3A_729] {strides = array<i32>} : memref<128x128xf32, #tpu.memory_space<vmem>>, vector<1x16xf32>,
        %get3A_731 = vector.shape_cast %get3A_730 : vector<1x16xf32> to vector<16xf32>
        %sub3A_732 = arith.subf %get3A_731, %get3A_116 : vector<16xf32>
        %convert_element_type3A_733 = arith.truncf %sub3A_732 : vector<16xf32> to vector<16xbf16>
        %convert_element_type3A_734 = arith.extf %convert_element_type3A_733 : vector<16xbf16> to vector<16xf32>
        %broadcast_in_dim3A_735 = arith.constant 0 : i32
        %broadcast_in_dim3A_736 = vector.broadcast %broadcast_in_dim3A_735 : i32 to vector<16x1xi32>
        %gather3A_737 = vector.shape_cast %broadcast_in_dim3A_736 : vector<16x1xi32> to vector<16xi32>
        %gather3A_738 = tpu.dynamic_gather %convert_element_type3A_734[%gather3A_737] in [0] : vector<16xf32>, vector<16xi32> -> vector<16xf32>
        %broadcast_in_dim3A_739 = arith.constant 1 : i32
        %broadcast_in_dim3A_740 = vector.broadcast %broadcast_in_dim3A_739 : i32 to vector<16x1xi32>
        %gather3A_741 = vector.shape_cast %broadcast_in_dim3A_740 : vector<16x1xi32> to vector<16xi32>
        %gather3A_742 = tpu.dynamic_gather %convert_element_type3A_734[%gather3A_741] in [0] : vector<16xf32>, vector<16xi32> -> vector<16xf32>
        %broadcast_in_dim3A_743 = arith.constant 2 : i32
        %broadcast_in_dim3A_744 = vector.broadcast %broadcast_in_dim3A_743 : i32 to vector<16x1xi32>
        %gather3A_745 = vector.shape_cast %broadcast_in_dim3A_744 : vector<16x1xi32> to vector<16xi32>
        %gather3A_746 = tpu.dynamic_gather %convert_element_type3A_734[%gather3A_745] in [0] : vector<16xf32>, vector<16xi32> -> vector<16xf32>
        %get3A_747 = arith.index_cast %add3A_727 : i32 to index
        %get3A_748 = arith.constant 0 : index
        %get3A_749 = tpu.vector_load %arg8[%get3A_747, %get3A_748] {strides = array<i32>} : memref<128x128xf32, #tpu.memory_space<vmem>>, vector<1x16xf32>,
        %get3A_750 = vector.shape_cast %get3A_749 : vector<1x16xf32> to vector<16xf32>
        %mul3A_751 = arith.mulf %gather3A_738, %convert_element_type3A_5 : vector<16xf32>
        %mul3A_752 = arith.mulf %gather3A_742, %convert_element_type3A_33 : vector<16xf32>
        %add3A_753 = arith.addf %mul3A_751, %mul3A_752 : vector<16xf32>
        %add3A_754 = arith.addf %get3A_750, %add3A_753 : vector<16xf32>
        %mul3A_755 = arith.mulf %gather3A_746, %convert_element_type3A_61 : vector<16xf32>
        %add3A_756 = arith.addf %add3A_754, %mul3A_755 : vector<16xf32>
        %max3A_757 = arith.maximumf %max3A_674, %add3A_756 : vector<16xf32>
        %min3A_758 = arith.minimumf %min3A_675, %add3A_756 : vector<16xf32>
        %add3A_759 = arith.addf %add3A_676, %add3A_756 : vector<16xf32>
        %mul3A_760 = arith.mulf %add3A_756, %add3A_756 : vector<16xf32>
        %add3A_761 = arith.addf %add3A_678, %mul3A_760 : vector<16xf32>
        %get3A_762 = arith.index_cast %add3A_727 : i32 to index
        %get3A_763 = arith.constant 16 : index
        %get3A_764 = tpu.vector_load %arg8[%get3A_762, %get3A_763] {strides = array<i32>} : memref<128x128xf32, #tpu.memory_space<vmem>>, vector<1x16xf32>,
        %get3A_765 = vector.shape_cast %get3A_764 : vector<1x16xf32> to vector<16xf32>
        %mul3A_766 = arith.mulf %gather3A_738, %convert_element_type3A_12 : vector<16xf32>
        %mul3A_767 = arith.mulf %gather3A_742, %convert_element_type3A_40 : vector<16xf32>
        %add3A_768 = arith.addf %mul3A_766, %mul3A_767 : vector<16xf32>
        %add3A_769 = arith.addf %get3A_765, %add3A_768 : vector<16xf32>
        %mul3A_770 = arith.mulf %gather3A_746, %convert_element_type3A_68 : vector<16xf32>
        %add3A_771 = arith.addf %add3A_769, %mul3A_770 : vector<16xf32>
        %max3A_772 = arith.maximumf %max3A_689, %add3A_771 : vector<16xf32>
        %min3A_773 = arith.minimumf %min3A_690, %add3A_771 : vector<16xf32>
        %add3A_774 = arith.addf %add3A_691, %add3A_771 : vector<16xf32>
        %mul3A_775 = arith.mulf %add3A_771, %add3A_771 : vector<16xf32>
        %add3A_776 = arith.addf %add3A_693, %mul3A_775 : vector<16xf32>
        %get3A_777 = arith.index_cast %add3A_727 : i32 to index
        %get3A_778 = arith.constant 32 : index
        %get3A_779 = tpu.vector_load %arg8[%get3A_777, %get3A_778] {strides = array<i32>} : memref<128x128xf32, #tpu.memory_space<vmem>>, vector<1x16xf32>,
        %get3A_780 = vector.shape_cast %get3A_779 : vector<1x16xf32> to vector<16xf32>
        %mul3A_781 = arith.mulf %gather3A_738, %convert_element_type3A_19 : vector<16xf32>
        %mul3A_782 = arith.mulf %gather3A_742, %convert_element_type3A_47 : vector<16xf32>
        %add3A_783 = arith.addf %mul3A_781, %mul3A_782 : vector<16xf32>
        %add3A_784 = arith.addf %get3A_780, %add3A_783 : vector<16xf32>
        %mul3A_785 = arith.mulf %gather3A_746, %convert_element_type3A_75 : vector<16xf32>
        %add3A_786 = arith.addf %add3A_784, %mul3A_785 : vector<16xf32>
        %max3A_787 = arith.maximumf %max3A_704, %add3A_786 : vector<16xf32>
        %min3A_788 = arith.minimumf %min3A_705, %add3A_786 : vector<16xf32>
        %add3A_789 = arith.addf %add3A_706, %add3A_786 : vector<16xf32>
        %mul3A_790 = arith.mulf %add3A_786, %add3A_786 : vector<16xf32>
        %add3A_791 = arith.addf %add3A_708, %mul3A_790 : vector<16xf32>
        %get3A_792 = arith.index_cast %add3A_727 : i32 to index
        %get3A_793 = arith.constant 48 : index
        %get3A_794 = tpu.vector_load %arg8[%get3A_792, %get3A_793] {strides = array<i32>} : memref<128x128xf32, #tpu.memory_space<vmem>>, vector<1x16xf32>,
        %get3A_795 = vector.shape_cast %get3A_794 : vector<1x16xf32> to vector<16xf32>
        %mul3A_796 = arith.mulf %gather3A_738, %convert_element_type3A_26 : vector<16xf32>
        %mul3A_797 = arith.mulf %gather3A_742, %convert_element_type3A_54 : vector<16xf32>
        %add3A_798 = arith.addf %mul3A_796, %mul3A_797 : vector<16xf32>
        %add3A_799 = arith.addf %get3A_795, %add3A_798 : vector<16xf32>
        %mul3A_800 = arith.mulf %gather3A_746, %convert_element_type3A_82 : vector<16xf32>
        %add3A_801 = arith.addf %add3A_799, %mul3A_800 : vector<16xf32>
        %max3A_802 = arith.maximumf %max3A_719, %add3A_801 : vector<16xf32>
        %min3A_803 = arith.minimumf %min3A_720, %add3A_801 : vector<16xf32>
        %add3A_804 = arith.addf %add3A_721, %add3A_801 : vector<16xf32>
        %mul3A_805 = arith.mulf %add3A_801, %add3A_801 : vector<16xf32>
        %add3A_806 = arith.addf %add3A_723, %mul3A_805 : vector<16xf32>
        %mul3A_807 = arith.constant 16 : i32
        %mul3A_808 = arith.muli %scan3A_111, %mul3A_807 : i32
        %add3A_809 = arith.constant 8 : i32
        %add3A_810 = arith.addi %mul3A_808, %add3A_809 : i32
        %get3A_811 = arith.index_cast %add3A_810 : i32 to index
        %get3A_812 = arith.constant 64 : index
        %get3A_813 = tpu.vector_load %arg8[%get3A_811, %get3A_812] {strides = array<i32>} : memref<128x128xf32, #tpu.memory_space<vmem>>, vector<1x16xf32>,
        %get3A_814 = vector.shape_cast %get3A_813 : vector<1x16xf32> to vector<16xf32>
        %sub3A_815 = arith.subf %get3A_814, %get3A_116 : vector<16xf32>
        %convert_element_type3A_816 = arith.truncf %sub3A_815 : vector<16xf32> to vector<16xbf16>
        %convert_element_type3A_817 = arith.extf %convert_element_type3A_816 : vector<16xbf16> to vector<16xf32>
        %broadcast_in_dim3A_818 = arith.constant 0 : i32
        %broadcast_in_dim3A_819 = vector.broadcast %broadcast_in_dim3A_818 : i32 to vector<16x1xi32>
        %gather3A_820 = vector.shape_cast %broadcast_in_dim3A_819 : vector<16x1xi32> to vector<16xi32>
        %gather3A_821 = tpu.dynamic_gather %convert_element_type3A_817[%gather3A_820] in [0] : vector<16xf32>, vector<16xi32> -> vector<16xf32>
        %broadcast_in_dim3A_822 = arith.constant 1 : i32
        %broadcast_in_dim3A_823 = vector.broadcast %broadcast_in_dim3A_822 : i32 to vector<16x1xi32>
        %gather3A_824 = vector.shape_cast %broadcast_in_dim3A_823 : vector<16x1xi32> to vector<16xi32>
        %gather3A_825 = tpu.dynamic_gather %convert_element_type3A_817[%gather3A_824] in [0] : vector<16xf32>, vector<16xi32> -> vector<16xf32>
        %broadcast_in_dim3A_826 = arith.constant 2 : i32
        %broadcast_in_dim3A_827 = vector.broadcast %broadcast_in_dim3A_826 : i32 to vector<16x1xi32>
        %gather3A_828 = vector.shape_cast %broadcast_in_dim3A_827 : vector<16x1xi32> to vector<16xi32>
        %gather3A_829 = tpu.dynamic_gather %convert_element_type3A_817[%gather3A_828] in [0] : vector<16xf32>, vector<16xi32> -> vector<16xf32>
        %get3A_830 = arith.index_cast %add3A_810 : i32 to index
        %get3A_831 = arith.constant 0 : index
        %get3A_832 = tpu.vector_load %arg8[%get3A_830, %get3A_831] {strides = array<i32>} : memref<128x128xf32, #tpu.memory_space<vmem>>, vector<1x16xf32>,
        %get3A_833 = vector.shape_cast %get3A_832 : vector<1x16xf32> to vector<16xf32>
        %mul3A_834 = arith.mulf %gather3A_821, %convert_element_type3A_5 : vector<16xf32>
        %mul3A_835 = arith.mulf %gather3A_825, %convert_element_type3A_33 : vector<16xf32>
        %add3A_836 = arith.addf %mul3A_834, %mul3A_835 : vector<16xf32>
        %add3A_837 = arith.addf %get3A_833, %add3A_836 : vector<16xf32>
        %mul3A_838 = arith.mulf %gather3A_829, %convert_element_type3A_61 : vector<16xf32>
        %add3A_839 = arith.addf %add3A_837, %mul3A_838 : vector<16xf32>
        %max3A_840 = arith.maximumf %max3A_757, %add3A_839 : vector<16xf32>
        %min3A_841 = arith.minimumf %min3A_758, %add3A_839 : vector<16xf32>
        %add3A_842 = arith.addf %add3A_759, %add3A_839 : vector<16xf32>
        %mul3A_843 = arith.mulf %add3A_839, %add3A_839 : vector<16xf32>
        %add3A_844 = arith.addf %add3A_761, %mul3A_843 : vector<16xf32>
        %get3A_845 = arith.index_cast %add3A_810 : i32 to index
        %get3A_846 = arith.constant 16 : index
        %get3A_847 = tpu.vector_load %arg8[%get3A_845, %get3A_846] {strides = array<i32>} : memref<128x128xf32, #tpu.memory_space<vmem>>, vector<1x16xf32>,
        %get3A_848 = vector.shape_cast %get3A_847 : vector<1x16xf32> to vector<16xf32>
        %mul3A_849 = arith.mulf %gather3A_821, %convert_element_type3A_12 : vector<16xf32>
        %mul3A_850 = arith.mulf %gather3A_825, %convert_element_type3A_40 : vector<16xf32>
        %add3A_851 = arith.addf %mul3A_849, %mul3A_850 : vector<16xf32>
        %add3A_852 = arith.addf %get3A_848, %add3A_851 : vector<16xf32>
        %mul3A_853 = arith.mulf %gather3A_829, %convert_element_type3A_68 : vector<16xf32>
        %add3A_854 = arith.addf %add3A_852, %mul3A_853 : vector<16xf32>
        %max3A_855 = arith.maximumf %max3A_772, %add3A_854 : vector<16xf32>
        %min3A_856 = arith.minimumf %min3A_773, %add3A_854 : vector<16xf32>
        %add3A_857 = arith.addf %add3A_774, %add3A_854 : vector<16xf32>
        %mul3A_858 = arith.mulf %add3A_854, %add3A_854 : vector<16xf32>
        %add3A_859 = arith.addf %add3A_776, %mul3A_858 : vector<16xf32>
        %get3A_860 = arith.index_cast %add3A_810 : i32 to index
        %get3A_861 = arith.constant 32 : index
        %get3A_862 = tpu.vector_load %arg8[%get3A_860, %get3A_861] {strides = array<i32>} : memref<128x128xf32, #tpu.memory_space<vmem>>, vector<1x16xf32>,
        %get3A_863 = vector.shape_cast %get3A_862 : vector<1x16xf32> to vector<16xf32>
        %mul3A_864 = arith.mulf %gather3A_821, %convert_element_type3A_19 : vector<16xf32>
        %mul3A_865 = arith.mulf %gather3A_825, %convert_element_type3A_47 : vector<16xf32>
        %add3A_866 = arith.addf %mul3A_864, %mul3A_865 : vector<16xf32>
        %add3A_867 = arith.addf %get3A_863, %add3A_866 : vector<16xf32>
        %mul3A_868 = arith.mulf %gather3A_829, %convert_element_type3A_75 : vector<16xf32>
        %add3A_869 = arith.addf %add3A_867, %mul3A_868 : vector<16xf32>
        %max3A_870 = arith.maximumf %max3A_787, %add3A_869 : vector<16xf32>
        %min3A_871 = arith.minimumf %min3A_788, %add3A_869 : vector<16xf32>
        %add3A_872 = arith.addf %add3A_789, %add3A_869 : vector<16xf32>
        %mul3A_873 = arith.mulf %add3A_869, %add3A_869 : vector<16xf32>
        %add3A_874 = arith.addf %add3A_791, %mul3A_873 : vector<16xf32>
        %get3A_875 = arith.index_cast %add3A_810 : i32 to index
        %get3A_876 = arith.constant 48 : index
        %get3A_877 = tpu.vector_load %arg8[%get3A_875, %get3A_876] {strides = array<i32>} : memref<128x128xf32, #tpu.memory_space<vmem>>, vector<1x16xf32>,
        %get3A_878 = vector.shape_cast %get3A_877 : vector<1x16xf32> to vector<16xf32>
        %mul3A_879 = arith.mulf %gather3A_821, %convert_element_type3A_26 : vector<16xf32>
        %mul3A_880 = arith.mulf %gather3A_825, %convert_element_type3A_54 : vector<16xf32>
        %add3A_881 = arith.addf %mul3A_879, %mul3A_880 : vector<16xf32>
        %add3A_882 = arith.addf %get3A_878, %add3A_881 : vector<16xf32>
        %mul3A_883 = arith.mulf %gather3A_829, %convert_element_type3A_82 : vector<16xf32>
        %add3A_884 = arith.addf %add3A_882, %mul3A_883 : vector<16xf32>
        %max3A_885 = arith.maximumf %max3A_802, %add3A_884 : vector<16xf32>
        %min3A_886 = arith.minimumf %min3A_803, %add3A_884 : vector<16xf32>
        %add3A_887 = arith.addf %add3A_804, %add3A_884 : vector<16xf32>
        %mul3A_888 = arith.mulf %add3A_884, %add3A_884 : vector<16xf32>
        %add3A_889 = arith.addf %add3A_806, %mul3A_888 : vector<16xf32>
        %mul3A_890 = arith.constant 16 : i32
        %mul3A_891 = arith.muli %scan3A_111, %mul3A_890 : i32
        %add3A_892 = arith.constant 9 : i32
        %add3A_893 = arith.addi %mul3A_891, %add3A_892 : i32
        %get3A_894 = arith.index_cast %add3A_893 : i32 to index
        %get3A_895 = arith.constant 64 : index
        %get3A_896 = tpu.vector_load %arg8[%get3A_894, %get3A_895] {strides = array<i32>} : memref<128x128xf32, #tpu.memory_space<vmem>>, vector<1x16xf32>,
        %get3A_897 = vector.shape_cast %get3A_896 : vector<1x16xf32> to vector<16xf32>
        %sub3A_898 = arith.subf %get3A_897, %get3A_116 : vector<16xf32>
        %convert_element_type3A_899 = arith.truncf %sub3A_898 : vector<16xf32> to vector<16xbf16>
        %convert_element_type3A_900 = arith.extf %convert_element_type3A_899 : vector<16xbf16> to vector<16xf32>
        %broadcast_in_dim3A_901 = arith.constant 0 : i32
        %broadcast_in_dim3A_902 = vector.broadcast %broadcast_in_dim3A_901 : i32 to vector<16x1xi32>
        %gather3A_903 = vector.shape_cast %broadcast_in_dim3A_902 : vector<16x1xi32> to vector<16xi32>
        %gather3A_904 = tpu.dynamic_gather %convert_element_type3A_900[%gather3A_903] in [0] : vector<16xf32>, vector<16xi32> -> vector<16xf32>
        %broadcast_in_dim3A_905 = arith.constant 1 : i32
        %broadcast_in_dim3A_906 = vector.broadcast %broadcast_in_dim3A_905 : i32 to vector<16x1xi32>
        %gather3A_907 = vector.shape_cast %broadcast_in_dim3A_906 : vector<16x1xi32> to vector<16xi32>
        %gather3A_908 = tpu.dynamic_gather %convert_element_type3A_900[%gather3A_907] in [0] : vector<16xf32>, vector<16xi32> -> vector<16xf32>
        %broadcast_in_dim3A_909 = arith.constant 2 : i32
        %broadcast_in_dim3A_910 = vector.broadcast %broadcast_in_dim3A_909 : i32 to vector<16x1xi32>
        %gather3A_911 = vector.shape_cast %broadcast_in_dim3A_910 : vector<16x1xi32> to vector<16xi32>
        %gather3A_912 = tpu.dynamic_gather %convert_element_type3A_900[%gather3A_911] in [0] : vector<16xf32>, vector<16xi32> -> vector<16xf32>
        %get3A_913 = arith.index_cast %add3A_893 : i32 to index
        %get3A_914 = arith.constant 0 : index
        %get3A_915 = tpu.vector_load %arg8[%get3A_913, %get3A_914] {strides = array<i32>} : memref<128x128xf32, #tpu.memory_space<vmem>>, vector<1x16xf32>,
        %get3A_916 = vector.shape_cast %get3A_915 : vector<1x16xf32> to vector<16xf32>
        %mul3A_917 = arith.mulf %gather3A_904, %convert_element_type3A_5 : vector<16xf32>
        %mul3A_918 = arith.mulf %gather3A_908, %convert_element_type3A_33 : vector<16xf32>
        %add3A_919 = arith.addf %mul3A_917, %mul3A_918 : vector<16xf32>
        %add3A_920 = arith.addf %get3A_916, %add3A_919 : vector<16xf32>
        %mul3A_921 = arith.mulf %gather3A_912, %convert_element_type3A_61 : vector<16xf32>
        %add3A_922 = arith.addf %add3A_920, %mul3A_921 : vector<16xf32>
        %max3A_923 = arith.maximumf %max3A_840, %add3A_922 : vector<16xf32>
        %min3A_924 = arith.minimumf %min3A_841, %add3A_922 : vector<16xf32>
        %add3A_925 = arith.addf %add3A_842, %add3A_922 : vector<16xf32>
        %mul3A_926 = arith.mulf %add3A_922, %add3A_922 : vector<16xf32>
        %add3A_927 = arith.addf %add3A_844, %mul3A_926 : vector<16xf32>
        %get3A_928 = arith.index_cast %add3A_893 : i32 to index
        %get3A_929 = arith.constant 16 : index
        %get3A_930 = tpu.vector_load %arg8[%get3A_928, %get3A_929] {strides = array<i32>} : memref<128x128xf32, #tpu.memory_space<vmem>>, vector<1x16xf32>,
        %get3A_931 = vector.shape_cast %get3A_930 : vector<1x16xf32> to vector<16xf32>
        %mul3A_932 = arith.mulf %gather3A_904, %convert_element_type3A_12 : vector<16xf32>
        %mul3A_933 = arith.mulf %gather3A_908, %convert_element_type3A_40 : vector<16xf32>
        %add3A_934 = arith.addf %mul3A_932, %mul3A_933 : vector<16xf32>
        %add3A_935 = arith.addf %get3A_931, %add3A_934 : vector<16xf32>
        %mul3A_936 = arith.mulf %gather3A_912, %convert_element_type3A_68 : vector<16xf32>
        %add3A_937 = arith.addf %add3A_935, %mul3A_936 : vector<16xf32>
        %max3A_938 = arith.maximumf %max3A_855, %add3A_937 : vector<16xf32>
        %min3A_939 = arith.minimumf %min3A_856, %add3A_937 : vector<16xf32>
        %add3A_940 = arith.addf %add3A_857, %add3A_937 : vector<16xf32>
        %mul3A_941 = arith.mulf %add3A_937, %add3A_937 : vector<16xf32>
        %add3A_942 = arith.addf %add3A_859, %mul3A_941 : vector<16xf32>
        %get3A_943 = arith.index_cast %add3A_893 : i32 to index
        %get3A_944 = arith.constant 32 : index
        %get3A_945 = tpu.vector_load %arg8[%get3A_943, %get3A_944] {strides = array<i32>} : memref<128x128xf32, #tpu.memory_space<vmem>>, vector<1x16xf32>,
        %get3A_946 = vector.shape_cast %get3A_945 : vector<1x16xf32> to vector<16xf32>
        %mul3A_947 = arith.mulf %gather3A_904, %convert_element_type3A_19 : vector<16xf32>
        %mul3A_948 = arith.mulf %gather3A_908, %convert_element_type3A_47 : vector<16xf32>
        %add3A_949 = arith.addf %mul3A_947, %mul3A_948 : vector<16xf32>
        %add3A_950 = arith.addf %get3A_946, %add3A_949 : vector<16xf32>
        %mul3A_951 = arith.mulf %gather3A_912, %convert_element_type3A_75 : vector<16xf32>
        %add3A_952 = arith.addf %add3A_950, %mul3A_951 : vector<16xf32>
        %max3A_953 = arith.maximumf %max3A_870, %add3A_952 : vector<16xf32>
        %min3A_954 = arith.minimumf %min3A_871, %add3A_952 : vector<16xf32>
        %add3A_955 = arith.addf %add3A_872, %add3A_952 : vector<16xf32>
        %mul3A_956 = arith.mulf %add3A_952, %add3A_952 : vector<16xf32>
        %add3A_957 = arith.addf %add3A_874, %mul3A_956 : vector<16xf32>
        %get3A_958 = arith.index_cast %add3A_893 : i32 to index
        %get3A_959 = arith.constant 48 : index
        %get3A_960 = tpu.vector_load %arg8[%get3A_958, %get3A_959] {strides = array<i32>} : memref<128x128xf32, #tpu.memory_space<vmem>>, vector<1x16xf32>,
        %get3A_961 = vector.shape_cast %get3A_960 : vector<1x16xf32> to vector<16xf32>
        %mul3A_962 = arith.mulf %gather3A_904, %convert_element_type3A_26 : vector<16xf32>
        %mul3A_963 = arith.mulf %gather3A_908, %convert_element_type3A_54 : vector<16xf32>
        %add3A_964 = arith.addf %mul3A_962, %mul3A_963 : vector<16xf32>
        %add3A_965 = arith.addf %get3A_961, %add3A_964 : vector<16xf32>
        %mul3A_966 = arith.mulf %gather3A_912, %convert_element_type3A_82 : vector<16xf32>
        %add3A_967 = arith.addf %add3A_965, %mul3A_966 : vector<16xf32>
        %max3A_968 = arith.maximumf %max3A_885, %add3A_967 : vector<16xf32>
        %min3A_969 = arith.minimumf %min3A_886, %add3A_967 : vector<16xf32>
        %add3A_970 = arith.addf %add3A_887, %add3A_967 : vector<16xf32>
        %mul3A_971 = arith.mulf %add3A_967, %add3A_967 : vector<16xf32>
        %add3A_972 = arith.addf %add3A_889, %mul3A_971 : vector<16xf32>
        %mul3A_973 = arith.constant 16 : i32
        %mul3A_974 = arith.muli %scan3A_111, %mul3A_973 : i32
        %add3A_975 = arith.constant 10 : i32
        %add3A_976 = arith.addi %mul3A_974, %add3A_975 : i32
        %get3A_977 = arith.index_cast %add3A_976 : i32 to index
        %get3A_978 = arith.constant 64 : index
        %get3A_979 = tpu.vector_load %arg8[%get3A_977, %get3A_978] {strides = array<i32>} : memref<128x128xf32, #tpu.memory_space<vmem>>, vector<1x16xf32>,
        %get3A_980 = vector.shape_cast %get3A_979 : vector<1x16xf32> to vector<16xf32>
        %sub3A_981 = arith.subf %get3A_980, %get3A_116 : vector<16xf32>
        %convert_element_type3A_982 = arith.truncf %sub3A_981 : vector<16xf32> to vector<16xbf16>
        %convert_element_type3A_983 = arith.extf %convert_element_type3A_982 : vector<16xbf16> to vector<16xf32>
        %broadcast_in_dim3A_984 = arith.constant 0 : i32
        %broadcast_in_dim3A_985 = vector.broadcast %broadcast_in_dim3A_984 : i32 to vector<16x1xi32>
        %gather3A_986 = vector.shape_cast %broadcast_in_dim3A_985 : vector<16x1xi32> to vector<16xi32>
        %gather3A_987 = tpu.dynamic_gather %convert_element_type3A_983[%gather3A_986] in [0] : vector<16xf32>, vector<16xi32> -> vector<16xf32>
        %broadcast_in_dim3A_988 = arith.constant 1 : i32
        %broadcast_in_dim3A_989 = vector.broadcast %broadcast_in_dim3A_988 : i32 to vector<16x1xi32>
        %gather3A_990 = vector.shape_cast %broadcast_in_dim3A_989 : vector<16x1xi32> to vector<16xi32>
        %gather3A_991 = tpu.dynamic_gather %convert_element_type3A_983[%gather3A_990] in [0] : vector<16xf32>, vector<16xi32> -> vector<16xf32>
        %broadcast_in_dim3A_992 = arith.constant 2 : i32
        %broadcast_in_dim3A_993 = vector.broadcast %broadcast_in_dim3A_992 : i32 to vector<16x1xi32>
        %gather3A_994 = vector.shape_cast %broadcast_in_dim3A_993 : vector<16x1xi32> to vector<16xi32>
        %gather3A_995 = tpu.dynamic_gather %convert_element_type3A_983[%gather3A_994] in [0] : vector<16xf32>, vector<16xi32> -> vector<16xf32>
        %get3A_996 = arith.index_cast %add3A_976 : i32 to index
        %get3A_997 = arith.constant 0 : index
        %get3A_998 = tpu.vector_load %arg8[%get3A_996, %get3A_997] {strides = array<i32>} : memref<128x128xf32, #tpu.memory_space<vmem>>, vector<1x16xf32>,
        %get3A_999 = vector.shape_cast %get3A_998 : vector<1x16xf32> to vector<16xf32>
        %mul3A_1000 = arith.mulf %gather3A_987, %convert_element_type3A_5 : vector<16xf32>
        %mul3A_1001 = arith.mulf %gather3A_991, %convert_element_type3A_33 : vector<16xf32>
        %add3A_1002 = arith.addf %mul3A_1000, %mul3A_1001 : vector<16xf32>
        %add3A_1003 = arith.addf %get3A_999, %add3A_1002 : vector<16xf32>
        %mul3A_1004 = arith.mulf %gather3A_995, %convert_element_type3A_61 : vector<16xf32>
        %add3A_1005 = arith.addf %add3A_1003, %mul3A_1004 : vector<16xf32>
        %max3A_1006 = arith.maximumf %max3A_923, %add3A_1005 : vector<16xf32>
        %min3A_1007 = arith.minimumf %min3A_924, %add3A_1005 : vector<16xf32>
        %add3A_1008 = arith.addf %add3A_925, %add3A_1005 : vector<16xf32>
        %mul3A_1009 = arith.mulf %add3A_1005, %add3A_1005 : vector<16xf32>
        %add3A_1010 = arith.addf %add3A_927, %mul3A_1009 : vector<16xf32>
        %get3A_1011 = arith.index_cast %add3A_976 : i32 to index
        %get3A_1012 = arith.constant 16 : index
        %get3A_1013 = tpu.vector_load %arg8[%get3A_1011, %get3A_1012] {strides = array<i32>} : memref<128x128xf32, #tpu.memory_space<vmem>>, vector<1x16xf32>,
        %get3A_1014 = vector.shape_cast %get3A_1013 : vector<1x16xf32> to vector<16xf32>
        %mul3A_1015 = arith.mulf %gather3A_987, %convert_element_type3A_12 : vector<16xf32>
        %mul3A_1016 = arith.mulf %gather3A_991, %convert_element_type3A_40 : vector<16xf32>
        %add3A_1017 = arith.addf %mul3A_1015, %mul3A_1016 : vector<16xf32>
        %add3A_1018 = arith.addf %get3A_1014, %add3A_1017 : vector<16xf32>
        %mul3A_1019 = arith.mulf %gather3A_995, %convert_element_type3A_68 : vector<16xf32>
        %add3A_1020 = arith.addf %add3A_1018, %mul3A_1019 : vector<16xf32>
        %max3A_1021 = arith.maximumf %max3A_938, %add3A_1020 : vector<16xf32>
        %min3A_1022 = arith.minimumf %min3A_939, %add3A_1020 : vector<16xf32>
        %add3A_1023 = arith.addf %add3A_940, %add3A_1020 : vector<16xf32>
        %mul3A_1024 = arith.mulf %add3A_1020, %add3A_1020 : vector<16xf32>
        %add3A_1025 = arith.addf %add3A_942, %mul3A_1024 : vector<16xf32>
        %get3A_1026 = arith.index_cast %add3A_976 : i32 to index
        %get3A_1027 = arith.constant 32 : index
        %get3A_1028 = tpu.vector_load %arg8[%get3A_1026, %get3A_1027] {strides = array<i32>} : memref<128x128xf32, #tpu.memory_space<vmem>>, vector<1x16xf32>,
        %get3A_1029 = vector.shape_cast %get3A_1028 : vector<1x16xf32> to vector<16xf32>
        %mul3A_1030 = arith.mulf %gather3A_987, %convert_element_type3A_19 : vector<16xf32>
        %mul3A_1031 = arith.mulf %gather3A_991, %convert_element_type3A_47 : vector<16xf32>
        %add3A_1032 = arith.addf %mul3A_1030, %mul3A_1031 : vector<16xf32>
        %add3A_1033 = arith.addf %get3A_1029, %add3A_1032 : vector<16xf32>
        %mul3A_1034 = arith.mulf %gather3A_995, %convert_element_type3A_75 : vector<16xf32>
        %add3A_1035 = arith.addf %add3A_1033, %mul3A_1034 : vector<16xf32>
        %max3A_1036 = arith.maximumf %max3A_953, %add3A_1035 : vector<16xf32>
        %min3A_1037 = arith.minimumf %min3A_954, %add3A_1035 : vector<16xf32>
        %add3A_1038 = arith.addf %add3A_955, %add3A_1035 : vector<16xf32>
        %mul3A_1039 = arith.mulf %add3A_1035, %add3A_1035 : vector<16xf32>
        %add3A_1040 = arith.addf %add3A_957, %mul3A_1039 : vector<16xf32>
        %get3A_1041 = arith.index_cast %add3A_976 : i32 to index
        %get3A_1042 = arith.constant 48 : index
        %get3A_1043 = tpu.vector_load %arg8[%get3A_1041, %get3A_1042] {strides = array<i32>} : memref<128x128xf32, #tpu.memory_space<vmem>>, vector<1x16xf32>,
        %get3A_1044 = vector.shape_cast %get3A_1043 : vector<1x16xf32> to vector<16xf32>
        %mul3A_1045 = arith.mulf %gather3A_987, %convert_element_type3A_26 : vector<16xf32>
        %mul3A_1046 = arith.mulf %gather3A_991, %convert_element_type3A_54 : vector<16xf32>
        %add3A_1047 = arith.addf %mul3A_1045, %mul3A_1046 : vector<16xf32>
        %add3A_1048 = arith.addf %get3A_1044, %add3A_1047 : vector<16xf32>
        %mul3A_1049 = arith.mulf %gather3A_995, %convert_element_type3A_82 : vector<16xf32>
        %add3A_1050 = arith.addf %add3A_1048, %mul3A_1049 : vector<16xf32>
        %max3A_1051 = arith.maximumf %max3A_968, %add3A_1050 : vector<16xf32>
        %min3A_1052 = arith.minimumf %min3A_969, %add3A_1050 : vector<16xf32>
        %add3A_1053 = arith.addf %add3A_970, %add3A_1050 : vector<16xf32>
        %mul3A_1054 = arith.mulf %add3A_1050, %add3A_1050 : vector<16xf32>
        %add3A_1055 = arith.addf %add3A_972, %mul3A_1054 : vector<16xf32>
        %mul3A_1056 = arith.constant 16 : i32
        %mul3A_1057 = arith.muli %scan3A_111, %mul3A_1056 : i32
        %add3A_1058 = arith.constant 11 : i32
        %add3A_1059 = arith.addi %mul3A_1057, %add3A_1058 : i32
        %get3A_1060 = arith.index_cast %add3A_1059 : i32 to index
        %get3A_1061 = arith.constant 64 : index
        %get3A_1062 = tpu.vector_load %arg8[%get3A_1060, %get3A_1061] {strides = array<i32>} : memref<128x128xf32, #tpu.memory_space<vmem>>, vector<1x16xf32>,
        %get3A_1063 = vector.shape_cast %get3A_1062 : vector<1x16xf32> to vector<16xf32>
        %sub3A_1064 = arith.subf %get3A_1063, %get3A_116 : vector<16xf32>
        %convert_element_type3A_1065 = arith.truncf %sub3A_1064 : vector<16xf32> to vector<16xbf16>
        %convert_element_type3A_1066 = arith.extf %convert_element_type3A_1065 : vector<16xbf16> to vector<16xf32>
        %broadcast_in_dim3A_1067 = arith.constant 0 : i32
        %broadcast_in_dim3A_1068 = vector.broadcast %broadcast_in_dim3A_1067 : i32 to vector<16x1xi32>
        %gather3A_1069 = vector.shape_cast %broadcast_in_dim3A_1068 : vector<16x1xi32> to vector<16xi32>
        %gather3A_1070 = tpu.dynamic_gather %convert_element_type3A_1066[%gather3A_1069] in [0] : vector<16xf32>, vector<16xi32> -> vector<16xf32>
        %broadcast_in_dim3A_1071 = arith.constant 1 : i32
        %broadcast_in_dim3A_1072 = vector.broadcast %broadcast_in_dim3A_1071 : i32 to vector<16x1xi32>
        %gather3A_1073 = vector.shape_cast %broadcast_in_dim3A_1072 : vector<16x1xi32> to vector<16xi32>
        %gather3A_1074 = tpu.dynamic_gather %convert_element_type3A_1066[%gather3A_1073] in [0] : vector<16xf32>, vector<16xi32> -> vector<16xf32>
        %broadcast_in_dim3A_1075 = arith.constant 2 : i32
        %broadcast_in_dim3A_1076 = vector.broadcast %broadcast_in_dim3A_1075 : i32 to vector<16x1xi32>
        %gather3A_1077 = vector.shape_cast %broadcast_in_dim3A_1076 : vector<16x1xi32> to vector<16xi32>
        %gather3A_1078 = tpu.dynamic_gather %convert_element_type3A_1066[%gather3A_1077] in [0] : vector<16xf32>, vector<16xi32> -> vector<16xf32>
        %get3A_1079 = arith.index_cast %add3A_1059 : i32 to index
        %get3A_1080 = arith.constant 0 : index
        %get3A_1081 = tpu.vector_load %arg8[%get3A_1079, %get3A_1080] {strides = array<i32>} : memref<128x128xf32, #tpu.memory_space<vmem>>, vector<1x16xf32>,
        %get3A_1082 = vector.shape_cast %get3A_1081 : vector<1x16xf32> to vector<16xf32>
        %mul3A_1083 = arith.mulf %gather3A_1070, %convert_element_type3A_5 : vector<16xf32>
        %mul3A_1084 = arith.mulf %gather3A_1074, %convert_element_type3A_33 : vector<16xf32>
        %add3A_1085 = arith.addf %mul3A_1083, %mul3A_1084 : vector<16xf32>
        %add3A_1086 = arith.addf %get3A_1082, %add3A_1085 : vector<16xf32>
        %mul3A_1087 = arith.mulf %gather3A_1078, %convert_element_type3A_61 : vector<16xf32>
        %add3A_1088 = arith.addf %add3A_1086, %mul3A_1087 : vector<16xf32>
        %max3A_1089 = arith.maximumf %max3A_1006, %add3A_1088 : vector<16xf32>
        %min3A_1090 = arith.minimumf %min3A_1007, %add3A_1088 : vector<16xf32>
        %add3A_1091 = arith.addf %add3A_1008, %add3A_1088 : vector<16xf32>
        %mul3A_1092 = arith.mulf %add3A_1088, %add3A_1088 : vector<16xf32>
        %add3A_1093 = arith.addf %add3A_1010, %mul3A_1092 : vector<16xf32>
        %get3A_1094 = arith.index_cast %add3A_1059 : i32 to index
        %get3A_1095 = arith.constant 16 : index
        %get3A_1096 = tpu.vector_load %arg8[%get3A_1094, %get3A_1095] {strides = array<i32>} : memref<128x128xf32, #tpu.memory_space<vmem>>, vector<1x16xf32>,
        %get3A_1097 = vector.shape_cast %get3A_1096 : vector<1x16xf32> to vector<16xf32>
        %mul3A_1098 = arith.mulf %gather3A_1070, %convert_element_type3A_12 : vector<16xf32>
        %mul3A_1099 = arith.mulf %gather3A_1074, %convert_element_type3A_40 : vector<16xf32>
        %add3A_1100 = arith.addf %mul3A_1098, %mul3A_1099 : vector<16xf32>
        %add3A_1101 = arith.addf %get3A_1097, %add3A_1100 : vector<16xf32>
        %mul3A_1102 = arith.mulf %gather3A_1078, %convert_element_type3A_68 : vector<16xf32>
        %add3A_1103 = arith.addf %add3A_1101, %mul3A_1102 : vector<16xf32>
        %max3A_1104 = arith.maximumf %max3A_1021, %add3A_1103 : vector<16xf32>
        %min3A_1105 = arith.minimumf %min3A_1022, %add3A_1103 : vector<16xf32>
        %add3A_1106 = arith.addf %add3A_1023, %add3A_1103 : vector<16xf32>
        %mul3A_1107 = arith.mulf %add3A_1103, %add3A_1103 : vector<16xf32>
        %add3A_1108 = arith.addf %add3A_1025, %mul3A_1107 : vector<16xf32>
        %get3A_1109 = arith.index_cast %add3A_1059 : i32 to index
        %get3A_1110 = arith.constant 32 : index
        %get3A_1111 = tpu.vector_load %arg8[%get3A_1109, %get3A_1110] {strides = array<i32>} : memref<128x128xf32, #tpu.memory_space<vmem>>, vector<1x16xf32>,
        %get3A_1112 = vector.shape_cast %get3A_1111 : vector<1x16xf32> to vector<16xf32>
        %mul3A_1113 = arith.mulf %gather3A_1070, %convert_element_type3A_19 : vector<16xf32>
        %mul3A_1114 = arith.mulf %gather3A_1074, %convert_element_type3A_47 : vector<16xf32>
        %add3A_1115 = arith.addf %mul3A_1113, %mul3A_1114 : vector<16xf32>
        %add3A_1116 = arith.addf %get3A_1112, %add3A_1115 : vector<16xf32>
        %mul3A_1117 = arith.mulf %gather3A_1078, %convert_element_type3A_75 : vector<16xf32>
        %add3A_1118 = arith.addf %add3A_1116, %mul3A_1117 : vector<16xf32>
        %max3A_1119 = arith.maximumf %max3A_1036, %add3A_1118 : vector<16xf32>
        %min3A_1120 = arith.minimumf %min3A_1037, %add3A_1118 : vector<16xf32>
        %add3A_1121 = arith.addf %add3A_1038, %add3A_1118 : vector<16xf32>
        %mul3A_1122 = arith.mulf %add3A_1118, %add3A_1118 : vector<16xf32>
        %add3A_1123 = arith.addf %add3A_1040, %mul3A_1122 : vector<16xf32>
        %get3A_1124 = arith.index_cast %add3A_1059 : i32 to index
        %get3A_1125 = arith.constant 48 : index
        %get3A_1126 = tpu.vector_load %arg8[%get3A_1124, %get3A_1125] {strides = array<i32>} : memref<128x128xf32, #tpu.memory_space<vmem>>, vector<1x16xf32>,
        %get3A_1127 = vector.shape_cast %get3A_1126 : vector<1x16xf32> to vector<16xf32>
        %mul3A_1128 = arith.mulf %gather3A_1070, %convert_element_type3A_26 : vector<16xf32>
        %mul3A_1129 = arith.mulf %gather3A_1074, %convert_element_type3A_54 : vector<16xf32>
        %add3A_1130 = arith.addf %mul3A_1128, %mul3A_1129 : vector<16xf32>
        %add3A_1131 = arith.addf %get3A_1127, %add3A_1130 : vector<16xf32>
        %mul3A_1132 = arith.mulf %gather3A_1078, %convert_element_type3A_82 : vector<16xf32>
        %add3A_1133 = arith.addf %add3A_1131, %mul3A_1132 : vector<16xf32>
        %max3A_1134 = arith.maximumf %max3A_1051, %add3A_1133 : vector<16xf32>
        %min3A_1135 = arith.minimumf %min3A_1052, %add3A_1133 : vector<16xf32>
        %add3A_1136 = arith.addf %add3A_1053, %add3A_1133 : vector<16xf32>
        %mul3A_1137 = arith.mulf %add3A_1133, %add3A_1133 : vector<16xf32>
        %add3A_1138 = arith.addf %add3A_1055, %mul3A_1137 : vector<16xf32>
        %mul3A_1139 = arith.constant 16 : i32
        %mul3A_1140 = arith.muli %scan3A_111, %mul3A_1139 : i32
        %add3A_1141 = arith.constant 12 : i32
        %add3A_1142 = arith.addi %mul3A_1140, %add3A_1141 : i32
        %get3A_1143 = arith.index_cast %add3A_1142 : i32 to index
        %get3A_1144 = arith.constant 64 : index
        %get3A_1145 = tpu.vector_load %arg8[%get3A_1143, %get3A_1144] {strides = array<i32>} : memref<128x128xf32, #tpu.memory_space<vmem>>, vector<1x16xf32>,
        %get3A_1146 = vector.shape_cast %get3A_1145 : vector<1x16xf32> to vector<16xf32>
        %sub3A_1147 = arith.subf %get3A_1146, %get3A_116 : vector<16xf32>
        %convert_element_type3A_1148 = arith.truncf %sub3A_1147 : vector<16xf32> to vector<16xbf16>
        %convert_element_type3A_1149 = arith.extf %convert_element_type3A_1148 : vector<16xbf16> to vector<16xf32>
        %broadcast_in_dim3A_1150 = arith.constant 0 : i32
        %broadcast_in_dim3A_1151 = vector.broadcast %broadcast_in_dim3A_1150 : i32 to vector<16x1xi32>
        %gather3A_1152 = vector.shape_cast %broadcast_in_dim3A_1151 : vector<16x1xi32> to vector<16xi32>
        %gather3A_1153 = tpu.dynamic_gather %convert_element_type3A_1149[%gather3A_1152] in [0] : vector<16xf32>, vector<16xi32> -> vector<16xf32>
        %broadcast_in_dim3A_1154 = arith.constant 1 : i32
        %broadcast_in_dim3A_1155 = vector.broadcast %broadcast_in_dim3A_1154 : i32 to vector<16x1xi32>
        %gather3A_1156 = vector.shape_cast %broadcast_in_dim3A_1155 : vector<16x1xi32> to vector<16xi32>
        %gather3A_1157 = tpu.dynamic_gather %convert_element_type3A_1149[%gather3A_1156] in [0] : vector<16xf32>, vector<16xi32> -> vector<16xf32>
        %broadcast_in_dim3A_1158 = arith.constant 2 : i32
        %broadcast_in_dim3A_1159 = vector.broadcast %broadcast_in_dim3A_1158 : i32 to vector<16x1xi32>
        %gather3A_1160 = vector.shape_cast %broadcast_in_dim3A_1159 : vector<16x1xi32> to vector<16xi32>
        %gather3A_1161 = tpu.dynamic_gather %convert_element_type3A_1149[%gather3A_1160] in [0] : vector<16xf32>, vector<16xi32> -> vector<16xf32>
        %get3A_1162 = arith.index_cast %add3A_1142 : i32 to index
        %get3A_1163 = arith.constant 0 : index
        %get3A_1164 = tpu.vector_load %arg8[%get3A_1162, %get3A_1163] {strides = array<i32>} : memref<128x128xf32, #tpu.memory_space<vmem>>, vector<1x16xf32>,
        %get3A_1165 = vector.shape_cast %get3A_1164 : vector<1x16xf32> to vector<16xf32>
        %mul3A_1166 = arith.mulf %gather3A_1153, %convert_element_type3A_5 : vector<16xf32>
        %mul3A_1167 = arith.mulf %gather3A_1157, %convert_element_type3A_33 : vector<16xf32>
        %add3A_1168 = arith.addf %mul3A_1166, %mul3A_1167 : vector<16xf32>
        %add3A_1169 = arith.addf %get3A_1165, %add3A_1168 : vector<16xf32>
        %mul3A_1170 = arith.mulf %gather3A_1161, %convert_element_type3A_61 : vector<16xf32>
        %add3A_1171 = arith.addf %add3A_1169, %mul3A_1170 : vector<16xf32>
        %max3A_1172 = arith.maximumf %max3A_1089, %add3A_1171 : vector<16xf32>
        %min3A_1173 = arith.minimumf %min3A_1090, %add3A_1171 : vector<16xf32>
        %add3A_1174 = arith.addf %add3A_1091, %add3A_1171 : vector<16xf32>
        %mul3A_1175 = arith.mulf %add3A_1171, %add3A_1171 : vector<16xf32>
        %add3A_1176 = arith.addf %add3A_1093, %mul3A_1175 : vector<16xf32>
        %get3A_1177 = arith.index_cast %add3A_1142 : i32 to index
        %get3A_1178 = arith.constant 16 : index
        %get3A_1179 = tpu.vector_load %arg8[%get3A_1177, %get3A_1178] {strides = array<i32>} : memref<128x128xf32, #tpu.memory_space<vmem>>, vector<1x16xf32>,
        %get3A_1180 = vector.shape_cast %get3A_1179 : vector<1x16xf32> to vector<16xf32>
        %mul3A_1181 = arith.mulf %gather3A_1153, %convert_element_type3A_12 : vector<16xf32>
        %mul3A_1182 = arith.mulf %gather3A_1157, %convert_element_type3A_40 : vector<16xf32>
        %add3A_1183 = arith.addf %mul3A_1181, %mul3A_1182 : vector<16xf32>
        %add3A_1184 = arith.addf %get3A_1180, %add3A_1183 : vector<16xf32>
        %mul3A_1185 = arith.mulf %gather3A_1161, %convert_element_type3A_68 : vector<16xf32>
        %add3A_1186 = arith.addf %add3A_1184, %mul3A_1185 : vector<16xf32>
        %max3A_1187 = arith.maximumf %max3A_1104, %add3A_1186 : vector<16xf32>
        %min3A_1188 = arith.minimumf %min3A_1105, %add3A_1186 : vector<16xf32>
        %add3A_1189 = arith.addf %add3A_1106, %add3A_1186 : vector<16xf32>
        %mul3A_1190 = arith.mulf %add3A_1186, %add3A_1186 : vector<16xf32>
        %add3A_1191 = arith.addf %add3A_1108, %mul3A_1190 : vector<16xf32>
        %get3A_1192 = arith.index_cast %add3A_1142 : i32 to index
        %get3A_1193 = arith.constant 32 : index
        %get3A_1194 = tpu.vector_load %arg8[%get3A_1192, %get3A_1193] {strides = array<i32>} : memref<128x128xf32, #tpu.memory_space<vmem>>, vector<1x16xf32>,
        %get3A_1195 = vector.shape_cast %get3A_1194 : vector<1x16xf32> to vector<16xf32>
        %mul3A_1196 = arith.mulf %gather3A_1153, %convert_element_type3A_19 : vector<16xf32>
        %mul3A_1197 = arith.mulf %gather3A_1157, %convert_element_type3A_47 : vector<16xf32>
        %add3A_1198 = arith.addf %mul3A_1196, %mul3A_1197 : vector<16xf32>
        %add3A_1199 = arith.addf %get3A_1195, %add3A_1198 : vector<16xf32>
        %mul3A_1200 = arith.mulf %gather3A_1161, %convert_element_type3A_75 : vector<16xf32>
        %add3A_1201 = arith.addf %add3A_1199, %mul3A_1200 : vector<16xf32>
        %max3A_1202 = arith.maximumf %max3A_1119, %add3A_1201 : vector<16xf32>
        %min3A_1203 = arith.minimumf %min3A_1120, %add3A_1201 : vector<16xf32>
        %add3A_1204 = arith.addf %add3A_1121, %add3A_1201 : vector<16xf32>
        %mul3A_1205 = arith.mulf %add3A_1201, %add3A_1201 : vector<16xf32>
        %add3A_1206 = arith.addf %add3A_1123, %mul3A_1205 : vector<16xf32>
        %get3A_1207 = arith.index_cast %add3A_1142 : i32 to index
        %get3A_1208 = arith.constant 48 : index
        %get3A_1209 = tpu.vector_load %arg8[%get3A_1207, %get3A_1208] {strides = array<i32>} : memref<128x128xf32, #tpu.memory_space<vmem>>, vector<1x16xf32>,
        %get3A_1210 = vector.shape_cast %get3A_1209 : vector<1x16xf32> to vector<16xf32>
        %mul3A_1211 = arith.mulf %gather3A_1153, %convert_element_type3A_26 : vector<16xf32>
        %mul3A_1212 = arith.mulf %gather3A_1157, %convert_element_type3A_54 : vector<16xf32>
        %add3A_1213 = arith.addf %mul3A_1211, %mul3A_1212 : vector<16xf32>
        %add3A_1214 = arith.addf %get3A_1210, %add3A_1213 : vector<16xf32>
        %mul3A_1215 = arith.mulf %gather3A_1161, %convert_element_type3A_82 : vector<16xf32>
        %add3A_1216 = arith.addf %add3A_1214, %mul3A_1215 : vector<16xf32>
        %max3A_1217 = arith.maximumf %max3A_1134, %add3A_1216 : vector<16xf32>
        %min3A_1218 = arith.minimumf %min3A_1135, %add3A_1216 : vector<16xf32>
        %add3A_1219 = arith.addf %add3A_1136, %add3A_1216 : vector<16xf32>
        %mul3A_1220 = arith.mulf %add3A_1216, %add3A_1216 : vector<16xf32>
        %add3A_1221 = arith.addf %add3A_1138, %mul3A_1220 : vector<16xf32>
        %mul3A_1222 = arith.constant 16 : i32
        %mul3A_1223 = arith.muli %scan3A_111, %mul3A_1222 : i32
        %add3A_1224 = arith.constant 13 : i32
        %add3A_1225 = arith.addi %mul3A_1223, %add3A_1224 : i32
        %get3A_1226 = arith.index_cast %add3A_1225 : i32 to index
        %get3A_1227 = arith.constant 64 : index
        %get3A_1228 = tpu.vector_load %arg8[%get3A_1226, %get3A_1227] {strides = array<i32>} : memref<128x128xf32, #tpu.memory_space<vmem>>, vector<1x16xf32>,
        %get3A_1229 = vector.shape_cast %get3A_1228 : vector<1x16xf32> to vector<16xf32>
        %sub3A_1230 = arith.subf %get3A_1229, %get3A_116 : vector<16xf32>
        %convert_element_type3A_1231 = arith.truncf %sub3A_1230 : vector<16xf32> to vector<16xbf16>
        %convert_element_type3A_1232 = arith.extf %convert_element_type3A_1231 : vector<16xbf16> to vector<16xf32>
        %broadcast_in_dim3A_1233 = arith.constant 0 : i32
        %broadcast_in_dim3A_1234 = vector.broadcast %broadcast_in_dim3A_1233 : i32 to vector<16x1xi32>
        %gather3A_1235 = vector.shape_cast %broadcast_in_dim3A_1234 : vector<16x1xi32> to vector<16xi32>
        %gather3A_1236 = tpu.dynamic_gather %convert_element_type3A_1232[%gather3A_1235] in [0] : vector<16xf32>, vector<16xi32> -> vector<16xf32>
        %broadcast_in_dim3A_1237 = arith.constant 1 : i32
        %broadcast_in_dim3A_1238 = vector.broadcast %broadcast_in_dim3A_1237 : i32 to vector<16x1xi32>
        %gather3A_1239 = vector.shape_cast %broadcast_in_dim3A_1238 : vector<16x1xi32> to vector<16xi32>
        %gather3A_1240 = tpu.dynamic_gather %convert_element_type3A_1232[%gather3A_1239] in [0] : vector<16xf32>, vector<16xi32> -> vector<16xf32>
        %broadcast_in_dim3A_1241 = arith.constant 2 : i32
        %broadcast_in_dim3A_1242 = vector.broadcast %broadcast_in_dim3A_1241 : i32 to vector<16x1xi32>
        %gather3A_1243 = vector.shape_cast %broadcast_in_dim3A_1242 : vector<16x1xi32> to vector<16xi32>
        %gather3A_1244 = tpu.dynamic_gather %convert_element_type3A_1232[%gather3A_1243] in [0] : vector<16xf32>, vector<16xi32> -> vector<16xf32>
        %get3A_1245 = arith.index_cast %add3A_1225 : i32 to index
        %get3A_1246 = arith.constant 0 : index
        %get3A_1247 = tpu.vector_load %arg8[%get3A_1245, %get3A_1246] {strides = array<i32>} : memref<128x128xf32, #tpu.memory_space<vmem>>, vector<1x16xf32>,
        %get3A_1248 = vector.shape_cast %get3A_1247 : vector<1x16xf32> to vector<16xf32>
        %mul3A_1249 = arith.mulf %gather3A_1236, %convert_element_type3A_5 : vector<16xf32>
        %mul3A_1250 = arith.mulf %gather3A_1240, %convert_element_type3A_33 : vector<16xf32>
        %add3A_1251 = arith.addf %mul3A_1249, %mul3A_1250 : vector<16xf32>
        %add3A_1252 = arith.addf %get3A_1248, %add3A_1251 : vector<16xf32>
        %mul3A_1253 = arith.mulf %gather3A_1244, %convert_element_type3A_61 : vector<16xf32>
        %add3A_1254 = arith.addf %add3A_1252, %mul3A_1253 : vector<16xf32>
        %max3A_1255 = arith.maximumf %max3A_1172, %add3A_1254 : vector<16xf32>
        %min3A_1256 = arith.minimumf %min3A_1173, %add3A_1254 : vector<16xf32>
        %add3A_1257 = arith.addf %add3A_1174, %add3A_1254 : vector<16xf32>
        %mul3A_1258 = arith.mulf %add3A_1254, %add3A_1254 : vector<16xf32>
        %add3A_1259 = arith.addf %add3A_1176, %mul3A_1258 : vector<16xf32>
        %get3A_1260 = arith.index_cast %add3A_1225 : i32 to index
        %get3A_1261 = arith.constant 16 : index
        %get3A_1262 = tpu.vector_load %arg8[%get3A_1260, %get3A_1261] {strides = array<i32>} : memref<128x128xf32, #tpu.memory_space<vmem>>, vector<1x16xf32>,
        %get3A_1263 = vector.shape_cast %get3A_1262 : vector<1x16xf32> to vector<16xf32>
        %mul3A_1264 = arith.mulf %gather3A_1236, %convert_element_type3A_12 : vector<16xf32>
        %mul3A_1265 = arith.mulf %gather3A_1240, %convert_element_type3A_40 : vector<16xf32>
        %add3A_1266 = arith.addf %mul3A_1264, %mul3A_1265 : vector<16xf32>
        %add3A_1267 = arith.addf %get3A_1263, %add3A_1266 : vector<16xf32>
        %mul3A_1268 = arith.mulf %gather3A_1244, %convert_element_type3A_68 : vector<16xf32>
        %add3A_1269 = arith.addf %add3A_1267, %mul3A_1268 : vector<16xf32>
        %max3A_1270 = arith.maximumf %max3A_1187, %add3A_1269 : vector<16xf32>
        %min3A_1271 = arith.minimumf %min3A_1188, %add3A_1269 : vector<16xf32>
        %add3A_1272 = arith.addf %add3A_1189, %add3A_1269 : vector<16xf32>
        %mul3A_1273 = arith.mulf %add3A_1269, %add3A_1269 : vector<16xf32>
        %add3A_1274 = arith.addf %add3A_1191, %mul3A_1273 : vector<16xf32>
        %get3A_1275 = arith.index_cast %add3A_1225 : i32 to index
        %get3A_1276 = arith.constant 32 : index
        %get3A_1277 = tpu.vector_load %arg8[%get3A_1275, %get3A_1276] {strides = array<i32>} : memref<128x128xf32, #tpu.memory_space<vmem>>, vector<1x16xf32>,
        %get3A_1278 = vector.shape_cast %get3A_1277 : vector<1x16xf32> to vector<16xf32>
        %mul3A_1279 = arith.mulf %gather3A_1236, %convert_element_type3A_19 : vector<16xf32>
        %mul3A_1280 = arith.mulf %gather3A_1240, %convert_element_type3A_47 : vector<16xf32>
        %add3A_1281 = arith.addf %mul3A_1279, %mul3A_1280 : vector<16xf32>
        %add3A_1282 = arith.addf %get3A_1278, %add3A_1281 : vector<16xf32>
        %mul3A_1283 = arith.mulf %gather3A_1244, %convert_element_type3A_75 : vector<16xf32>
        %add3A_1284 = arith.addf %add3A_1282, %mul3A_1283 : vector<16xf32>
        %max3A_1285 = arith.maximumf %max3A_1202, %add3A_1284 : vector<16xf32>
        %min3A_1286 = arith.minimumf %min3A_1203, %add3A_1284 : vector<16xf32>
        %add3A_1287 = arith.addf %add3A_1204, %add3A_1284 : vector<16xf32>
        %mul3A_1288 = arith.mulf %add3A_1284, %add3A_1284 : vector<16xf32>
        %add3A_1289 = arith.addf %add3A_1206, %mul3A_1288 : vector<16xf32>
        %get3A_1290 = arith.index_cast %add3A_1225 : i32 to index
        %get3A_1291 = arith.constant 48 : index
        %get3A_1292 = tpu.vector_load %arg8[%get3A_1290, %get3A_1291] {strides = array<i32>} : memref<128x128xf32, #tpu.memory_space<vmem>>, vector<1x16xf32>,
        %get3A_1293 = vector.shape_cast %get3A_1292 : vector<1x16xf32> to vector<16xf32>
        %mul3A_1294 = arith.mulf %gather3A_1236, %convert_element_type3A_26 : vector<16xf32>
        %mul3A_1295 = arith.mulf %gather3A_1240, %convert_element_type3A_54 : vector<16xf32>
        %add3A_1296 = arith.addf %mul3A_1294, %mul3A_1295 : vector<16xf32>
        %add3A_1297 = arith.addf %get3A_1293, %add3A_1296 : vector<16xf32>
        %mul3A_1298 = arith.mulf %gather3A_1244, %convert_element_type3A_82 : vector<16xf32>
        %add3A_1299 = arith.addf %add3A_1297, %mul3A_1298 : vector<16xf32>
        %max3A_1300 = arith.maximumf %max3A_1217, %add3A_1299 : vector<16xf32>
        %min3A_1301 = arith.minimumf %min3A_1218, %add3A_1299 : vector<16xf32>
        %add3A_1302 = arith.addf %add3A_1219, %add3A_1299 : vector<16xf32>
        %mul3A_1303 = arith.mulf %add3A_1299, %add3A_1299 : vector<16xf32>
        %add3A_1304 = arith.addf %add3A_1221, %mul3A_1303 : vector<16xf32>
        %mul3A_1305 = arith.constant 16 : i32
        %mul3A_1306 = arith.muli %scan3A_111, %mul3A_1305 : i32
        %add3A_1307 = arith.constant 14 : i32
        %add3A_1308 = arith.addi %mul3A_1306, %add3A_1307 : i32
        %get3A_1309 = arith.index_cast %add3A_1308 : i32 to index
        %get3A_1310 = arith.constant 64 : index
        %get3A_1311 = tpu.vector_load %arg8[%get3A_1309, %get3A_1310] {strides = array<i32>} : memref<128x128xf32, #tpu.memory_space<vmem>>, vector<1x16xf32>,
        %get3A_1312 = vector.shape_cast %get3A_1311 : vector<1x16xf32> to vector<16xf32>
        %sub3A_1313 = arith.subf %get3A_1312, %get3A_116 : vector<16xf32>
        %convert_element_type3A_1314 = arith.truncf %sub3A_1313 : vector<16xf32> to vector<16xbf16>
        %convert_element_type3A_1315 = arith.extf %convert_element_type3A_1314 : vector<16xbf16> to vector<16xf32>
        %broadcast_in_dim3A_1316 = arith.constant 0 : i32
        %broadcast_in_dim3A_1317 = vector.broadcast %broadcast_in_dim3A_1316 : i32 to vector<16x1xi32>
        %gather3A_1318 = vector.shape_cast %broadcast_in_dim3A_1317 : vector<16x1xi32> to vector<16xi32>
        %gather3A_1319 = tpu.dynamic_gather %convert_element_type3A_1315[%gather3A_1318] in [0] : vector<16xf32>, vector<16xi32> -> vector<16xf32>
        %broadcast_in_dim3A_1320 = arith.constant 1 : i32
        %broadcast_in_dim3A_1321 = vector.broadcast %broadcast_in_dim3A_1320 : i32 to vector<16x1xi32>
        %gather3A_1322 = vector.shape_cast %broadcast_in_dim3A_1321 : vector<16x1xi32> to vector<16xi32>
        %gather3A_1323 = tpu.dynamic_gather %convert_element_type3A_1315[%gather3A_1322] in [0] : vector<16xf32>, vector<16xi32> -> vector<16xf32>
        %broadcast_in_dim3A_1324 = arith.constant 2 : i32
        %broadcast_in_dim3A_1325 = vector.broadcast %broadcast_in_dim3A_1324 : i32 to vector<16x1xi32>
        %gather3A_1326 = vector.shape_cast %broadcast_in_dim3A_1325 : vector<16x1xi32> to vector<16xi32>
        %gather3A_1327 = tpu.dynamic_gather %convert_element_type3A_1315[%gather3A_1326] in [0] : vector<16xf32>, vector<16xi32> -> vector<16xf32>
        %get3A_1328 = arith.index_cast %add3A_1308 : i32 to index
        %get3A_1329 = arith.constant 0 : index
        %get3A_1330 = tpu.vector_load %arg8[%get3A_1328, %get3A_1329] {strides = array<i32>} : memref<128x128xf32, #tpu.memory_space<vmem>>, vector<1x16xf32>,
        %get3A_1331 = vector.shape_cast %get3A_1330 : vector<1x16xf32> to vector<16xf32>
        %mul3A_1332 = arith.mulf %gather3A_1319, %convert_element_type3A_5 : vector<16xf32>
        %mul3A_1333 = arith.mulf %gather3A_1323, %convert_element_type3A_33 : vector<16xf32>
        %add3A_1334 = arith.addf %mul3A_1332, %mul3A_1333 : vector<16xf32>
        %add3A_1335 = arith.addf %get3A_1331, %add3A_1334 : vector<16xf32>
        %mul3A_1336 = arith.mulf %gather3A_1327, %convert_element_type3A_61 : vector<16xf32>
        %add3A_1337 = arith.addf %add3A_1335, %mul3A_1336 : vector<16xf32>
        %max3A_1338 = arith.maximumf %max3A_1255, %add3A_1337 : vector<16xf32>
        %min3A_1339 = arith.minimumf %min3A_1256, %add3A_1337 : vector<16xf32>
        %add3A_1340 = arith.addf %add3A_1257, %add3A_1337 : vector<16xf32>
        %mul3A_1341 = arith.mulf %add3A_1337, %add3A_1337 : vector<16xf32>
        %add3A_1342 = arith.addf %add3A_1259, %mul3A_1341 : vector<16xf32>
        %get3A_1343 = arith.index_cast %add3A_1308 : i32 to index
        %get3A_1344 = arith.constant 16 : index
        %get3A_1345 = tpu.vector_load %arg8[%get3A_1343, %get3A_1344] {strides = array<i32>} : memref<128x128xf32, #tpu.memory_space<vmem>>, vector<1x16xf32>,
        %get3A_1346 = vector.shape_cast %get3A_1345 : vector<1x16xf32> to vector<16xf32>
        %mul3A_1347 = arith.mulf %gather3A_1319, %convert_element_type3A_12 : vector<16xf32>
        %mul3A_1348 = arith.mulf %gather3A_1323, %convert_element_type3A_40 : vector<16xf32>
        %add3A_1349 = arith.addf %mul3A_1347, %mul3A_1348 : vector<16xf32>
        %add3A_1350 = arith.addf %get3A_1346, %add3A_1349 : vector<16xf32>
        %mul3A_1351 = arith.mulf %gather3A_1327, %convert_element_type3A_68 : vector<16xf32>
        %add3A_1352 = arith.addf %add3A_1350, %mul3A_1351 : vector<16xf32>
        %max3A_1353 = arith.maximumf %max3A_1270, %add3A_1352 : vector<16xf32>
        %min3A_1354 = arith.minimumf %min3A_1271, %add3A_1352 : vector<16xf32>
        %add3A_1355 = arith.addf %add3A_1272, %add3A_1352 : vector<16xf32>
        %mul3A_1356 = arith.mulf %add3A_1352, %add3A_1352 : vector<16xf32>
        %add3A_1357 = arith.addf %add3A_1274, %mul3A_1356 : vector<16xf32>
        %get3A_1358 = arith.index_cast %add3A_1308 : i32 to index
        %get3A_1359 = arith.constant 32 : index
        %get3A_1360 = tpu.vector_load %arg8[%get3A_1358, %get3A_1359] {strides = array<i32>} : memref<128x128xf32, #tpu.memory_space<vmem>>, vector<1x16xf32>,
        %get3A_1361 = vector.shape_cast %get3A_1360 : vector<1x16xf32> to vector<16xf32>
        %mul3A_1362 = arith.mulf %gather3A_1319, %convert_element_type3A_19 : vector<16xf32>
        %mul3A_1363 = arith.mulf %gather3A_1323, %convert_element_type3A_47 : vector<16xf32>
        %add3A_1364 = arith.addf %mul3A_1362, %mul3A_1363 : vector<16xf32>
        %add3A_1365 = arith.addf %get3A_1361, %add3A_1364 : vector<16xf32>
        %mul3A_1366 = arith.mulf %gather3A_1327, %convert_element_type3A_75 : vector<16xf32>
        %add3A_1367 = arith.addf %add3A_1365, %mul3A_1366 : vector<16xf32>
        %max3A_1368 = arith.maximumf %max3A_1285, %add3A_1367 : vector<16xf32>
        %min3A_1369 = arith.minimumf %min3A_1286, %add3A_1367 : vector<16xf32>
        %add3A_1370 = arith.addf %add3A_1287, %add3A_1367 : vector<16xf32>
        %mul3A_1371 = arith.mulf %add3A_1367, %add3A_1367 : vector<16xf32>
        %add3A_1372 = arith.addf %add3A_1289, %mul3A_1371 : vector<16xf32>
        %get3A_1373 = arith.index_cast %add3A_1308 : i32 to index
        %get3A_1374 = arith.constant 48 : index
        %get3A_1375 = tpu.vector_load %arg8[%get3A_1373, %get3A_1374] {strides = array<i32>} : memref<128x128xf32, #tpu.memory_space<vmem>>, vector<1x16xf32>,
        %get3A_1376 = vector.shape_cast %get3A_1375 : vector<1x16xf32> to vector<16xf32>
        %mul3A_1377 = arith.mulf %gather3A_1319, %convert_element_type3A_26 : vector<16xf32>
        %mul3A_1378 = arith.mulf %gather3A_1323, %convert_element_type3A_54 : vector<16xf32>
        %add3A_1379 = arith.addf %mul3A_1377, %mul3A_1378 : vector<16xf32>
        %add3A_1380 = arith.addf %get3A_1376, %add3A_1379 : vector<16xf32>
        %mul3A_1381 = arith.mulf %gather3A_1327, %convert_element_type3A_82 : vector<16xf32>
        %add3A_1382 = arith.addf %add3A_1380, %mul3A_1381 : vector<16xf32>
        %max3A_1383 = arith.maximumf %max3A_1300, %add3A_1382 : vector<16xf32>
        %min3A_1384 = arith.minimumf %min3A_1301, %add3A_1382 : vector<16xf32>
        %add3A_1385 = arith.addf %add3A_1302, %add3A_1382 : vector<16xf32>
        %mul3A_1386 = arith.mulf %add3A_1382, %add3A_1382 : vector<16xf32>
        %add3A_1387 = arith.addf %add3A_1304, %mul3A_1386 : vector<16xf32>
        %mul3A_1388 = arith.constant 16 : i32
        %mul3A_1389 = arith.muli %scan3A_111, %mul3A_1388 : i32
        %add3A_1390 = arith.constant 15 : i32
        %add3A_1391 = arith.addi %mul3A_1389, %add3A_1390 : i32
        %get3A_1392 = arith.index_cast %add3A_1391 : i32 to index
        %get3A_1393 = arith.constant 64 : index
        %get3A_1394 = tpu.vector_load %arg8[%get3A_1392, %get3A_1393] {strides = array<i32>} : memref<128x128xf32, #tpu.memory_space<vmem>>, vector<1x16xf32>,
        %get3A_1395 = vector.shape_cast %get3A_1394 : vector<1x16xf32> to vector<16xf32>
        %sub3A_1396 = arith.subf %get3A_1395, %get3A_116 : vector<16xf32>
        %convert_element_type3A_1397 = arith.truncf %sub3A_1396 : vector<16xf32> to vector<16xbf16>
        %convert_element_type3A_1398 = arith.extf %convert_element_type3A_1397 : vector<16xbf16> to vector<16xf32>
        %broadcast_in_dim3A_1399 = arith.constant 0 : i32
        %broadcast_in_dim3A_1400 = vector.broadcast %broadcast_in_dim3A_1399 : i32 to vector<16x1xi32>
        %gather3A_1401 = vector.shape_cast %broadcast_in_dim3A_1400 : vector<16x1xi32> to vector<16xi32>
        %gather3A_1402 = tpu.dynamic_gather %convert_element_type3A_1398[%gather3A_1401] in [0] : vector<16xf32>, vector<16xi32> -> vector<16xf32>
        %broadcast_in_dim3A_1403 = arith.constant 1 : i32
        %broadcast_in_dim3A_1404 = vector.broadcast %broadcast_in_dim3A_1403 : i32 to vector<16x1xi32>
        %gather3A_1405 = vector.shape_cast %broadcast_in_dim3A_1404 : vector<16x1xi32> to vector<16xi32>
        %gather3A_1406 = tpu.dynamic_gather %convert_element_type3A_1398[%gather3A_1405] in [0] : vector<16xf32>, vector<16xi32> -> vector<16xf32>
        %broadcast_in_dim3A_1407 = arith.constant 2 : i32
        %broadcast_in_dim3A_1408 = vector.broadcast %broadcast_in_dim3A_1407 : i32 to vector<16x1xi32>
        %gather3A_1409 = vector.shape_cast %broadcast_in_dim3A_1408 : vector<16x1xi32> to vector<16xi32>
        %gather3A_1410 = tpu.dynamic_gather %convert_element_type3A_1398[%gather3A_1409] in [0] : vector<16xf32>, vector<16xi32> -> vector<16xf32>
        %get3A_1411 = arith.index_cast %add3A_1391 : i32 to index
        %get3A_1412 = arith.constant 0 : index
        %get3A_1413 = tpu.vector_load %arg8[%get3A_1411, %get3A_1412] {strides = array<i32>} : memref<128x128xf32, #tpu.memory_space<vmem>>, vector<1x16xf32>,
        %get3A_1414 = vector.shape_cast %get3A_1413 : vector<1x16xf32> to vector<16xf32>
        %mul3A_1415 = arith.mulf %gather3A_1402, %convert_element_type3A_5 : vector<16xf32>
        %mul3A_1416 = arith.mulf %gather3A_1406, %convert_element_type3A_33 : vector<16xf32>
        %add3A_1417 = arith.addf %mul3A_1415, %mul3A_1416 : vector<16xf32>
        %add3A_1418 = arith.addf %get3A_1414, %add3A_1417 : vector<16xf32>
        %mul3A_1419 = arith.mulf %gather3A_1410, %convert_element_type3A_61 : vector<16xf32>
        %add3A_1420 = arith.addf %add3A_1418, %mul3A_1419 : vector<16xf32>
        %max3A_1421 = arith.maximumf %max3A_1338, %add3A_1420 : vector<16xf32>
        %min3A_1422 = arith.minimumf %min3A_1339, %add3A_1420 : vector<16xf32>
        %add3A_1423 = arith.addf %add3A_1340, %add3A_1420 : vector<16xf32>
        %mul3A_1424 = arith.mulf %add3A_1420, %add3A_1420 : vector<16xf32>
        %add3A_1425 = arith.addf %add3A_1342, %mul3A_1424 : vector<16xf32>
        %get3A_1426 = arith.index_cast %add3A_1391 : i32 to index
        %get3A_1427 = arith.constant 16 : index
        %get3A_1428 = tpu.vector_load %arg8[%get3A_1426, %get3A_1427] {strides = array<i32>} : memref<128x128xf32, #tpu.memory_space<vmem>>, vector<1x16xf32>,
        %get3A_1429 = vector.shape_cast %get3A_1428 : vector<1x16xf32> to vector<16xf32>
        %mul3A_1430 = arith.mulf %gather3A_1402, %convert_element_type3A_12 : vector<16xf32>
        %mul3A_1431 = arith.mulf %gather3A_1406, %convert_element_type3A_40 : vector<16xf32>
        %add3A_1432 = arith.addf %mul3A_1430, %mul3A_1431 : vector<16xf32>
        %add3A_1433 = arith.addf %get3A_1429, %add3A_1432 : vector<16xf32>
        %mul3A_1434 = arith.mulf %gather3A_1410, %convert_element_type3A_68 : vector<16xf32>
        %add3A_1435 = arith.addf %add3A_1433, %mul3A_1434 : vector<16xf32>
        %max3A_1436 = arith.maximumf %max3A_1353, %add3A_1435 : vector<16xf32>
        %min3A_1437 = arith.minimumf %min3A_1354, %add3A_1435 : vector<16xf32>
        %add3A_1438 = arith.addf %add3A_1355, %add3A_1435 : vector<16xf32>
        %mul3A_1439 = arith.mulf %add3A_1435, %add3A_1435 : vector<16xf32>
        %add3A_1440 = arith.addf %add3A_1357, %mul3A_1439 : vector<16xf32>
        %get3A_1441 = arith.index_cast %add3A_1391 : i32 to index
        %get3A_1442 = arith.constant 32 : index
        %get3A_1443 = tpu.vector_load %arg8[%get3A_1441, %get3A_1442] {strides = array<i32>} : memref<128x128xf32, #tpu.memory_space<vmem>>, vector<1x16xf32>,
        %get3A_1444 = vector.shape_cast %get3A_1443 : vector<1x16xf32> to vector<16xf32>
        %mul3A_1445 = arith.mulf %gather3A_1402, %convert_element_type3A_19 : vector<16xf32>
        %mul3A_1446 = arith.mulf %gather3A_1406, %convert_element_type3A_47 : vector<16xf32>
        %add3A_1447 = arith.addf %mul3A_1445, %mul3A_1446 : vector<16xf32>
        %add3A_1448 = arith.addf %get3A_1444, %add3A_1447 : vector<16xf32>
        %mul3A_1449 = arith.mulf %gather3A_1410, %convert_element_type3A_75 : vector<16xf32>
        %add3A_1450 = arith.addf %add3A_1448, %mul3A_1449 : vector<16xf32>
        %max3A_1451 = arith.maximumf %max3A_1368, %add3A_1450 : vector<16xf32>
        %min3A_1452 = arith.minimumf %min3A_1369, %add3A_1450 : vector<16xf32>
        %add3A_1453 = arith.addf %add3A_1370, %add3A_1450 : vector<16xf32>
        %mul3A_1454 = arith.mulf %add3A_1450, %add3A_1450 : vector<16xf32>
        %add3A_1455 = arith.addf %add3A_1372, %mul3A_1454 : vector<16xf32>
        %get3A_1456 = arith.index_cast %add3A_1391 : i32 to index
        %get3A_1457 = arith.constant 48 : index
        %get3A_1458 = tpu.vector_load %arg8[%get3A_1456, %get3A_1457] {strides = array<i32>} : memref<128x128xf32, #tpu.memory_space<vmem>>, vector<1x16xf32>,
        %get3A_1459 = vector.shape_cast %get3A_1458 : vector<1x16xf32> to vector<16xf32>
        %mul3A_1460 = arith.mulf %gather3A_1402, %convert_element_type3A_26 : vector<16xf32>
        %mul3A_1461 = arith.mulf %gather3A_1406, %convert_element_type3A_54 : vector<16xf32>
        %add3A_1462 = arith.addf %mul3A_1460, %mul3A_1461 : vector<16xf32>
        %add3A_1463 = arith.addf %get3A_1459, %add3A_1462 : vector<16xf32>
        %mul3A_1464 = arith.mulf %gather3A_1410, %convert_element_type3A_82 : vector<16xf32>
        %add3A_1465 = arith.addf %add3A_1463, %mul3A_1464 : vector<16xf32>
        %max3A_1466 = arith.maximumf %max3A_1383, %add3A_1465 : vector<16xf32>
        %min3A_1467 = arith.minimumf %min3A_1384, %add3A_1465 : vector<16xf32>
        %add3A_1468 = arith.addf %add3A_1385, %add3A_1465 : vector<16xf32>
        %mul3A_1469 = arith.mulf %add3A_1465, %add3A_1465 : vector<16xf32>
        %add3A_1470 = arith.addf %add3A_1387, %mul3A_1469 : vector<16xf32>
        %swap3A = arith.index_cast %scan3A_111 : i32 to index
        %swap3A_1471 = arith.constant 0 : index
        %swap3A_1472 = tpu.vector_load %arg11[%swap3A, %swap3A_1471] {strides = array<i32>} : memref<8x256xf32, #tpu.memory_space<vmem>>, vector<1x16xf32>,
        %swap3A_1473 = vector.shape_cast %swap3A_1472 : vector<1x16xf32> to vector<16xf32>
        %swap3A_1474 = vector.shape_cast %max3A_1421 : vector<16xf32> to vector<1x16xf32>
        tpu.vector_store %arg11[%swap3A, %swap3A_1471], %swap3A_1474 {strides = array<i32>} : memref<8x256xf32, #tpu.memory_space<vmem>>, vector<1x16xf32>,
        %swap3A_1475 = arith.index_cast %scan3A_111 : i32 to index
        %swap3A_1476 = arith.constant 64 : index
        %swap3A_1477 = tpu.vector_load %arg11[%swap3A_1475, %swap3A_1476] {strides = array<i32>} : memref<8x256xf32, #tpu.memory_space<vmem>>, vector<1x16xf32>,
        %swap3A_1478 = vector.shape_cast %swap3A_1477 : vector<1x16xf32> to vector<16xf32>
        %swap3A_1479 = vector.shape_cast %min3A_1422 : vector<16xf32> to vector<1x16xf32>
        tpu.vector_store %arg11[%swap3A_1475, %swap3A_1476], %swap3A_1479 {strides = array<i32>} : memref<8x256xf32, #tpu.memory_space<vmem>>, vector<1x16xf32>,
        %swap3A_1480 = arith.index_cast %scan3A_111 : i32 to index
        %swap3A_1481 = arith.constant 128 : index
        %swap3A_1482 = tpu.vector_load %arg11[%swap3A_1480, %swap3A_1481] {strides = array<i32>} : memref<8x256xf32, #tpu.memory_space<vmem>>, vector<1x16xf32>,
        %swap3A_1483 = vector.shape_cast %swap3A_1482 : vector<1x16xf32> to vector<16xf32>
        %swap3A_1484 = vector.shape_cast %add3A_1423 : vector<16xf32> to vector<1x16xf32>
        tpu.vector_store %arg11[%swap3A_1480, %swap3A_1481], %swap3A_1484 {strides = array<i32>} : memref<8x256xf32, #tpu.memory_space<vmem>>, vector<1x16xf32>,
        %swap3A_1485 = arith.index_cast %scan3A_111 : i32 to index
        %swap3A_1486 = arith.constant 192 : index
        %swap3A_1487 = tpu.vector_load %arg11[%swap3A_1485, %swap3A_1486] {strides = array<i32>} : memref<8x256xf32, #tpu.memory_space<vmem>>, vector<1x16xf32>,
        %swap3A_1488 = vector.shape_cast %swap3A_1487 : vector<1x16xf32> to vector<16xf32>
        %swap3A_1489 = vector.shape_cast %add3A_1425 : vector<16xf32> to vector<1x16xf32>
        tpu.vector_store %arg11[%swap3A_1485, %swap3A_1486], %swap3A_1489 {strides = array<i32>} : memref<8x256xf32, #tpu.memory_space<vmem>>, vector<1x16xf32>,
        %swap3A_1490 = arith.index_cast %scan3A_111 : i32 to index
        %swap3A_1491 = arith.constant 16 : index
        %swap3A_1492 = tpu.vector_load %arg11[%swap3A_1490, %swap3A_1491] {strides = array<i32>} : memref<8x256xf32, #tpu.memory_space<vmem>>, vector<1x16xf32>,
        %swap3A_1493 = vector.shape_cast %swap3A_1492 : vector<1x16xf32> to vector<16xf32>
        %swap3A_1494 = vector.shape_cast %max3A_1436 : vector<16xf32> to vector<1x16xf32>
        tpu.vector_store %arg11[%swap3A_1490, %swap3A_1491], %swap3A_1494 {strides = array<i32>} : memref<8x256xf32, #tpu.memory_space<vmem>>, vector<1x16xf32>,
        %swap3A_1495 = arith.index_cast %scan3A_111 : i32 to index
        %swap3A_1496 = arith.constant 80 : index
        %swap3A_1497 = tpu.vector_load %arg11[%swap3A_1495, %swap3A_1496] {strides = array<i32>} : memref<8x256xf32, #tpu.memory_space<vmem>>, vector<1x16xf32>,
        %swap3A_1498 = vector.shape_cast %swap3A_1497 : vector<1x16xf32> to vector<16xf32>
        %swap3A_1499 = vector.shape_cast %min3A_1437 : vector<16xf32> to vector<1x16xf32>
        tpu.vector_store %arg11[%swap3A_1495, %swap3A_1496], %swap3A_1499 {strides = array<i32>} : memref<8x256xf32, #tpu.memory_space<vmem>>, vector<1x16xf32>,
        %swap3A_1500 = arith.index_cast %scan3A_111 : i32 to index
        %swap3A_1501 = arith.constant 144 : index
        %swap3A_1502 = tpu.vector_load %arg11[%swap3A_1500, %swap3A_1501] {strides = array<i32>} : memref<8x256xf32, #tpu.memory_space<vmem>>, vector<1x16xf32>,
        %swap3A_1503 = vector.shape_cast %swap3A_1502 : vector<1x16xf32> to vector<16xf32>
        %swap3A_1504 = vector.shape_cast %add3A_1438 : vector<16xf32> to vector<1x16xf32>
        tpu.vector_store %arg11[%swap3A_1500, %swap3A_1501], %swap3A_1504 {strides = array<i32>} : memref<8x256xf32, #tpu.memory_space<vmem>>, vector<1x16xf32>,
        %swap3A_1505 = arith.index_cast %scan3A_111 : i32 to index
        %swap3A_1506 = arith.constant 208 : index
        %swap3A_1507 = tpu.vector_load %arg11[%swap3A_1505, %swap3A_1506] {strides = array<i32>} : memref<8x256xf32, #tpu.memory_space<vmem>>, vector<1x16xf32>,
        %swap3A_1508 = vector.shape_cast %swap3A_1507 : vector<1x16xf32> to vector<16xf32>
        %swap3A_1509 = vector.shape_cast %add3A_1440 : vector<16xf32> to vector<1x16xf32>
        tpu.vector_store %arg11[%swap3A_1505, %swap3A_1506], %swap3A_1509 {strides = array<i32>} : memref<8x256xf32, #tpu.memory_space<vmem>>, vector<1x16xf32>,
        %swap3A_1510 = arith.index_cast %scan3A_111 : i32 to index
        %swap3A_1511 = arith.constant 32 : index
        %swap3A_1512 = tpu.vector_load %arg11[%swap3A_1510, %swap3A_1511] {strides = array<i32>} : memref<8x256xf32, #tpu.memory_space<vmem>>, vector<1x16xf32>,
        %swap3A_1513 = vector.shape_cast %swap3A_1512 : vector<1x16xf32> to vector<16xf32>
        %swap3A_1514 = vector.shape_cast %max3A_1451 : vector<16xf32> to vector<1x16xf32>
        tpu.vector_store %arg11[%swap3A_1510, %swap3A_1511], %swap3A_1514 {strides = array<i32>} : memref<8x256xf32, #tpu.memory_space<vmem>>, vector<1x16xf32>,
        %swap3A_1515 = arith.index_cast %scan3A_111 : i32 to index
        %swap3A_1516 = arith.constant 96 : index
        %swap3A_1517 = tpu.vector_load %arg11[%swap3A_1515, %swap3A_1516] {strides = array<i32>} : memref<8x256xf32, #tpu.memory_space<vmem>>, vector<1x16xf32>,
        %swap3A_1518 = vector.shape_cast %swap3A_1517 : vector<1x16xf32> to vector<16xf32>
        %swap3A_1519 = vector.shape_cast %min3A_1452 : vector<16xf32> to vector<1x16xf32>
        tpu.vector_store %arg11[%swap3A_1515, %swap3A_1516], %swap3A_1519 {strides = array<i32>} : memref<8x256xf32, #tpu.memory_space<vmem>>, vector<1x16xf32>,
        %swap3A_1520 = arith.index_cast %scan3A_111 : i32 to index
        %swap3A_1521 = arith.constant 160 : index
        %swap3A_1522 = tpu.vector_load %arg11[%swap3A_1520, %swap3A_1521] {strides = array<i32>} : memref<8x256xf32, #tpu.memory_space<vmem>>, vector<1x16xf32>,
        %swap3A_1523 = vector.shape_cast %swap3A_1522 : vector<1x16xf32> to vector<16xf32>
        %swap3A_1524 = vector.shape_cast %add3A_1453 : vector<16xf32> to vector<1x16xf32>
        tpu.vector_store %arg11[%swap3A_1520, %swap3A_1521], %swap3A_1524 {strides = array<i32>} : memref<8x256xf32, #tpu.memory_space<vmem>>, vector<1x16xf32>,
        %swap3A_1525 = arith.index_cast %scan3A_111 : i32 to index
        %swap3A_1526 = arith.constant 224 : index
        %swap3A_1527 = tpu.vector_load %arg11[%swap3A_1525, %swap3A_1526] {strides = array<i32>} : memref<8x256xf32, #tpu.memory_space<vmem>>, vector<1x16xf32>,
        %swap3A_1528 = vector.shape_cast %swap3A_1527 : vector<1x16xf32> to vector<16xf32>
        %swap3A_1529 = vector.shape_cast %add3A_1455 : vector<16xf32> to vector<1x16xf32>
        tpu.vector_store %arg11[%swap3A_1525, %swap3A_1526], %swap3A_1529 {strides = array<i32>} : memref<8x256xf32, #tpu.memory_space<vmem>>, vector<1x16xf32>,
        %swap3A_1530 = arith.index_cast %scan3A_111 : i32 to index
        %swap3A_1531 = arith.constant 48 : index
        %swap3A_1532 = tpu.vector_load %arg11[%swap3A_1530, %swap3A_1531] {strides = array<i32>} : memref<8x256xf32, #tpu.memory_space<vmem>>, vector<1x16xf32>,
        %swap3A_1533 = vector.shape_cast %swap3A_1532 : vector<1x16xf32> to vector<16xf32>
        %swap3A_1534 = vector.shape_cast %max3A_1466 : vector<16xf32> to vector<1x16xf32>
        tpu.vector_store %arg11[%swap3A_1530, %swap3A_1531], %swap3A_1534 {strides = array<i32>} : memref<8x256xf32, #tpu.memory_space<vmem>>, vector<1x16xf32>,
        %swap3A_1535 = arith.index_cast %scan3A_111 : i32 to index
        %swap3A_1536 = arith.constant 112 : index
        %swap3A_1537 = tpu.vector_load %arg11[%swap3A_1535, %swap3A_1536] {strides = array<i32>} : memref<8x256xf32, #tpu.memory_space<vmem>>, vector<1x16xf32>,
        %swap3A_1538 = vector.shape_cast %swap3A_1537 : vector<1x16xf32> to vector<16xf32>
        %swap3A_1539 = vector.shape_cast %min3A_1467 : vector<16xf32> to vector<1x16xf32>
        tpu.vector_store %arg11[%swap3A_1535, %swap3A_1536], %swap3A_1539 {strides = array<i32>} : memref<8x256xf32, #tpu.memory_space<vmem>>, vector<1x16xf32>,
        %swap3A_1540 = arith.index_cast %scan3A_111 : i32 to index
        %swap3A_1541 = arith.constant 176 : index
        %swap3A_1542 = tpu.vector_load %arg11[%swap3A_1540, %swap3A_1541] {strides = array<i32>} : memref<8x256xf32, #tpu.memory_space<vmem>>, vector<1x16xf32>,
        %swap3A_1543 = vector.shape_cast %swap3A_1542 : vector<1x16xf32> to vector<16xf32>
        %swap3A_1544 = vector.shape_cast %add3A_1468 : vector<16xf32> to vector<1x16xf32>
        tpu.vector_store %arg11[%swap3A_1540, %swap3A_1541], %swap3A_1544 {strides = array<i32>} : memref<8x256xf32, #tpu.memory_space<vmem>>, vector<1x16xf32>,
        %swap3A_1545 = arith.index_cast %scan3A_111 : i32 to index
        %swap3A_1546 = arith.constant 240 : index
        %swap3A_1547 = tpu.vector_load %arg11[%swap3A_1545, %swap3A_1546] {strides = array<i32>} : memref<8x256xf32, #tpu.memory_space<vmem>>, vector<1x16xf32>,
        %swap3A_1548 = vector.shape_cast %swap3A_1547 : vector<1x16xf32> to vector<16xf32>
        %swap3A_1549 = vector.shape_cast %add3A_1470 : vector<16xf32> to vector<1x16xf32>
        tpu.vector_store %arg11[%swap3A_1545, %swap3A_1546], %swap3A_1549 {strides = array<i32>} : memref<8x256xf32, #tpu.memory_space<vmem>>, vector<1x16xf32>,
        %scan3A_1550 = arith.constant 0 : i32
        scf.yield %scan3A_1550 : i32
      }
      %scan3A_109 = arith.constant 8 : i32
      "tpu.region"() ({
        %run_scoped3A = tpu.sem_alloc : memref<!tpu.dma_semaphore, #tpu.memory_space<semaphore_mem>>
        %dma_start3A_111 = arith.constant 0 : i32
        %dma_start3A_112 = tpu.memref_slice %arg6[%add3A_96, %dma_start3A_111] : memref<12544x256xf32, #tpu.memory_space<hbm>> -> memref<8x256xf32, #tpu.memory_space<hbm>>
        %dma_start3A_113 = arith.constant 0 : i32
        %dma_start3A_114 = tpu.memref_slice %arg6[%add3A_96, %dma_start3A_113] : memref<12544x256xf32, #tpu.memory_space<hbm>> -> memref<8x256xf32, #tpu.memory_space<hbm>>
        tpu.enqueue_dma source(%arg11 : memref<8x256xf32, #tpu.memory_space<vmem>>) target(%dma_start3A_114 : memref<8x256xf32, #tpu.memory_space<hbm>>) target_semaphore(%run_scoped3A : memref<!tpu.dma_semaphore, #tpu.memory_space<semaphore_mem>>)
        %dma_wait3A_115 = arith.constant 0 : i32
        %dma_wait3A_116 = tpu.memref_slice %arg6[%add3A_96, %dma_wait3A_115] : memref<12544x256xf32, #tpu.memory_space<hbm>> -> memref<8x256xf32, #tpu.memory_space<hbm>>
        %dma_wait3A_117 = arith.constant 0 : i32
        %dma_wait3A_118 = tpu.memref_slice %arg6[%add3A_96, %dma_wait3A_117] : memref<12544x256xf32, #tpu.memory_space<hbm>> -> memref<8x256xf32, #tpu.memory_space<hbm>>
        tpu.wait_dma2 semaphore(%run_scoped3A : memref<!tpu.dma_semaphore, #tpu.memory_space<semaphore_mem>>) src(%arg11 : memref<8x256xf32, #tpu.memory_space<vmem>>) dst(%dma_wait3A_118 : memref<8x256xf32, #tpu.memory_space<hbm>>)
        tpu.yield
      }) : () -> ()
      %scan3A_110 = arith.constant 0 : i32
      scf.yield %scan3A_110 : i32
    }
    %scan3A_89 = arith.constant 49 : i32
    return
  }
}

module attributes {stable_mosaic.version = 14 : i64} {
  func.func @_fps_body(%arg0: memref<3x392x128xf32, #tpu.memory_space<vmem>>, %arg1: memref<3xf32, #tpu.memory_space<smem>>, %arg2: memref<104x128xi32, #tpu.memory_space<vmem>>, %arg3: memref<392x128xf32, #tpu.memory_space<vmem>>, %arg4: memref<392x128xi32, #tpu.memory_space<vmem>>, %arg5: memref<8x128xf32, #tpu.memory_space<vmem>>) attributes {dimension_semantics = [], scalar_prefetch = 0 : i64, scratch_operands = 3 : i64, tpu.core_type = #tpu.core_type<tc>} {
    %iota3A = tpu.iota {dimensions = array<i32: 0>} : vector<392x128xi32>
    %mul3A = arith.constant 128 : i32
    %mul3A_0 = vector.broadcast %mul3A : i32 to vector<392x128xi32>
    %mul3A_1 = arith.muli %iota3A, %mul3A_0 : vector<392x128xi32>
    %iota3A_2 = tpu.iota {dimensions = array<i32: 1>} : vector<392x128xi32>
    %add3A = arith.addi %mul3A_1, %iota3A_2 : vector<392x128xi32>
    %swap3A = arith.constant 0 : index
    %swap3A_3 = arith.constant 0 : index
    %swap3A_4 = vector.load %arg4[%swap3A, %swap3A_3] : memref<392x128xi32, #tpu.memory_space<vmem>>, vector<392x128xi32>
    tpu.vector_store %arg4[%swap3A, %swap3A_3], %add3A {strides = array<i32>} : memref<392x128xi32, #tpu.memory_space<vmem>>, vector<392x128xi32>,
    %lt3A = arith.constant 50000 : i32
    %lt3A_5 = vector.broadcast %lt3A : i32 to vector<392x128xi32>
    %lt3A_6 = arith.cmpi slt, %add3A, %lt3A_5 : vector<392x128xi32>
    %jit3A = arith.constant 0x7F800000 : f32
    %jit3A_7 = arith.constant -1.000000e+00 : f32
    %broadcast_in_dim3A = vector.broadcast %jit3A : f32 to vector<392x128xf32>
    %broadcast_in_dim3A_8 = vector.broadcast %jit3A_7 : f32 to vector<392x128xf32>
    %select_n3A = arith.select %lt3A_6, %broadcast_in_dim3A, %broadcast_in_dim3A_8 : vector<392x128xi1>, vector<392x128xf32>
    %swap3A_9 = arith.constant 0 : index
    %swap3A_10 = arith.constant 0 : index
    %swap3A_11 = vector.load %arg3[%swap3A_9, %swap3A_10] : memref<392x128xf32, #tpu.memory_space<vmem>>, vector<392x128xf32>
    tpu.vector_store %arg3[%swap3A_9, %swap3A_10], %select_n3A {strides = array<i32>} : memref<392x128xf32, #tpu.memory_space<vmem>>, vector<392x128xf32>,
    %get3A = arith.constant 0 : index
    %get3A_12 = memref.load %arg1[%get3A] : memref<3xf32, #tpu.memory_space<smem>>
    %get3A_13 = arith.constant 1 : index
    %get3A_14 = memref.load %arg1[%get3A_13] : memref<3xf32, #tpu.memory_space<smem>>
    %get3A_15 = arith.constant 2 : index
    %get3A_16 = memref.load %arg1[%get3A_15] : memref<3xf32, #tpu.memory_space<smem>>
    %broadcast_in_dim3A_17 = vector.broadcast %get3A_12 : f32 to vector<1x128xf32>
    %swap3A_18 = arith.constant 0 : index
    %swap3A_19 = arith.constant 0 : index
    %swap3A_20 = vector.load %arg5[%swap3A_18, %swap3A_19] : memref<8x128xf32, #tpu.memory_space<vmem>>, vector<1x128xf32>
    tpu.vector_store %arg5[%swap3A_18, %swap3A_19], %broadcast_in_dim3A_17 {strides = array<i32>} : memref<8x128xf32, #tpu.memory_space<vmem>>, vector<1x128xf32>,
    %broadcast_in_dim3A_21 = vector.broadcast %get3A_14 : f32 to vector<1x128xf32>
    %swap3A_22 = arith.constant 1 : index
    %swap3A_23 = arith.constant 0 : index
    %swap3A_24 = vector.load %arg5[%swap3A_22, %swap3A_23] : memref<8x128xf32, #tpu.memory_space<vmem>>, vector<1x128xf32>
    tpu.vector_store %arg5[%swap3A_22, %swap3A_23], %broadcast_in_dim3A_21 {strides = array<i32>} : memref<8x128xf32, #tpu.memory_space<vmem>>, vector<1x128xf32>,
    %broadcast_in_dim3A_25 = vector.broadcast %get3A_16 : f32 to vector<1x128xf32>
    %swap3A_26 = arith.constant 2 : index
    %swap3A_27 = arith.constant 0 : index
    %swap3A_28 = vector.load %arg5[%swap3A_26, %swap3A_27] : memref<8x128xf32, #tpu.memory_space<vmem>>, vector<1x128xf32>
    tpu.vector_store %arg5[%swap3A_26, %swap3A_27], %broadcast_in_dim3A_25 {strides = array<i32>} : memref<8x128xf32, #tpu.memory_space<vmem>>, vector<1x128xf32>,
    %iota3A_29 = tpu.iota {dimensions = array<i32: 1>} : vector<1x128xi32>
    %broadcast_in_dim3A_30 = arith.constant 0 : i32
    %broadcast_in_dim3A_31 = vector.broadcast %broadcast_in_dim3A_30 : i32 to vector<1x128xi32>
    %scan3A = arith.constant 0xFF800000 : f32
    %scan3A_32 = arith.constant 1 : i32
    %scan3A_33 = arith.constant 12499 : i32
    %scan3A_34 = arith.addi %scan3A_32, %scan3A_33 : i32
    %scan3A_35 = arith.constant 1 : i32
    %scan3A_36 = scf.for %scan3A_38 = %scan3A_32 to %scan3A_34 step %scan3A_35 iter_args(%scan3A_39 = %broadcast_in_dim3A_31) -> (vector<1x128xi32>)  : i32 {
      %get3A_40 = arith.constant 0 : index
      %get3A_41 = arith.constant 0 : index
      %get3A_42 = vector.load %arg5[%get3A_40, %get3A_41] : memref<8x128xf32, #tpu.memory_space<vmem>>, vector<1x128xf32>
      %get3A_43 = arith.constant 1 : index
      %get3A_44 = arith.constant 0 : index
      %get3A_45 = vector.load %arg5[%get3A_43, %get3A_44] : memref<8x128xf32, #tpu.memory_space<vmem>>, vector<1x128xf32>
      %get3A_46 = arith.constant 2 : index
      %get3A_47 = arith.constant 0 : index
      %get3A_48 = vector.load %arg5[%get3A_46, %get3A_47] : memref<8x128xf32, #tpu.memory_space<vmem>>, vector<1x128xf32>
      %get3A_49 = arith.constant 0 : index
      %get3A_50 = arith.constant 0 : index
      %get3A_51 = arith.constant 0 : index
      %get3A_52 = vector.load %arg0[%get3A_49, %get3A_50, %get3A_51] : memref<3x392x128xf32, #tpu.memory_space<vmem>>, vector<1x392x128xf32>
      %get3A_53 = vector.shape_cast %get3A_52 : vector<1x392x128xf32> to vector<392x128xf32>
      %sub3A = vector.broadcast %get3A_42 : vector<1x128xf32> to vector<392x128xf32>
      %sub3A_54 = arith.subf %get3A_53, %sub3A : vector<392x128xf32>
      %get3A_55 = arith.constant 1 : index
      %get3A_56 = arith.constant 0 : index
      %get3A_57 = arith.constant 0 : index
      %get3A_58 = vector.load %arg0[%get3A_55, %get3A_56, %get3A_57] : memref<3x392x128xf32, #tpu.memory_space<vmem>>, vector<1x392x128xf32>
      %get3A_59 = vector.shape_cast %get3A_58 : vector<1x392x128xf32> to vector<392x128xf32>
      %sub3A_60 = vector.broadcast %get3A_45 : vector<1x128xf32> to vector<392x128xf32>
      %sub3A_61 = arith.subf %get3A_59, %sub3A_60 : vector<392x128xf32>
      %get3A_62 = arith.constant 2 : index
      %get3A_63 = arith.constant 0 : index
      %get3A_64 = arith.constant 0 : index
      %get3A_65 = vector.load %arg0[%get3A_62, %get3A_63, %get3A_64] : memref<3x392x128xf32, #tpu.memory_space<vmem>>, vector<1x392x128xf32>
      %get3A_66 = vector.shape_cast %get3A_65 : vector<1x392x128xf32> to vector<392x128xf32>
      %sub3A_67 = vector.broadcast %get3A_48 : vector<1x128xf32> to vector<392x128xf32>
      %sub3A_68 = arith.subf %get3A_66, %sub3A_67 : vector<392x128xf32>
      %mul3A_69 = arith.mulf %sub3A_54, %sub3A_54 : vector<392x128xf32>
      %mul3A_70 = arith.mulf %sub3A_68, %sub3A_68 : vector<392x128xf32>
      %add3A_71 = arith.addf %mul3A_69, %mul3A_70 : vector<392x128xf32>
      %mul3A_72 = arith.mulf %sub3A_61, %sub3A_61 : vector<392x128xf32>
      %add3A_73 = arith.addf %add3A_71, %mul3A_72 : vector<392x128xf32>
      %get3A_74 = arith.constant 0 : index
      %get3A_75 = arith.constant 0 : index
      %get3A_76 = vector.load %arg3[%get3A_74, %get3A_75] : memref<392x128xf32, #tpu.memory_space<vmem>>, vector<392x128xf32>
      %min3A = arith.minimumf %get3A_76, %add3A_73 : vector<392x128xf32>
      %swap3A_77 = arith.constant 0 : index
      %swap3A_78 = arith.constant 0 : index
      %swap3A_79 = vector.load %arg3[%swap3A_77, %swap3A_78] : memref<392x128xf32, #tpu.memory_space<vmem>>, vector<392x128xf32>
      tpu.vector_store %arg3[%swap3A_77, %swap3A_78], %min3A {strides = array<i32>} : memref<392x128xf32, #tpu.memory_space<vmem>>, vector<392x128xf32>,
      %slice3A = vector.extract_strided_slice %min3A {offsets = [0, 0], sizes = [8, 128], strides = [1, 1]} : vector<392x128xf32> to vector<8x128xf32>
      %slice3A_80 = vector.extract_strided_slice %min3A {offsets = [8, 0], sizes = [8, 128], strides = [1, 1]} : vector<392x128xf32> to vector<8x128xf32>
      %slice3A_81 = vector.extract_strided_slice %min3A {offsets = [16, 0], sizes = [8, 128], strides = [1, 1]} : vector<392x128xf32> to vector<8x128xf32>
      %slice3A_82 = vector.extract_strided_slice %min3A {offsets = [24, 0], sizes = [8, 128], strides = [1, 1]} : vector<392x128xf32> to vector<8x128xf32>
      %slice3A_83 = vector.extract_strided_slice %min3A {offsets = [32, 0], sizes = [8, 128], strides = [1, 1]} : vector<392x128xf32> to vector<8x128xf32>
      %slice3A_84 = vector.extract_strided_slice %min3A {offsets = [40, 0], sizes = [8, 128], strides = [1, 1]} : vector<392x128xf32> to vector<8x128xf32>
      %slice3A_85 = vector.extract_strided_slice %min3A {offsets = [48, 0], sizes = [8, 128], strides = [1, 1]} : vector<392x128xf32> to vector<8x128xf32>
      %slice3A_86 = vector.extract_strided_slice %min3A {offsets = [56, 0], sizes = [8, 128], strides = [1, 1]} : vector<392x128xf32> to vector<8x128xf32>
      %slice3A_87 = vector.extract_strided_slice %min3A {offsets = [64, 0], sizes = [8, 128], strides = [1, 1]} : vector<392x128xf32> to vector<8x128xf32>
      %slice3A_88 = vector.extract_strided_slice %min3A {offsets = [72, 0], sizes = [8, 128], strides = [1, 1]} : vector<392x128xf32> to vector<8x128xf32>
      %slice3A_89 = vector.extract_strided_slice %min3A {offsets = [80, 0], sizes = [8, 128], strides = [1, 1]} : vector<392x128xf32> to vector<8x128xf32>
      %slice3A_90 = vector.extract_strided_slice %min3A {offsets = [88, 0], sizes = [8, 128], strides = [1, 1]} : vector<392x128xf32> to vector<8x128xf32>
      %slice3A_91 = vector.extract_strided_slice %min3A {offsets = [96, 0], sizes = [8, 128], strides = [1, 1]} : vector<392x128xf32> to vector<8x128xf32>
      %slice3A_92 = vector.extract_strided_slice %min3A {offsets = [104, 0], sizes = [8, 128], strides = [1, 1]} : vector<392x128xf32> to vector<8x128xf32>
      %slice3A_93 = vector.extract_strided_slice %min3A {offsets = [112, 0], sizes = [8, 128], strides = [1, 1]} : vector<392x128xf32> to vector<8x128xf32>
      %slice3A_94 = vector.extract_strided_slice %min3A {offsets = [120, 0], sizes = [8, 128], strides = [1, 1]} : vector<392x128xf32> to vector<8x128xf32>
      %slice3A_95 = vector.extract_strided_slice %min3A {offsets = [128, 0], sizes = [8, 128], strides = [1, 1]} : vector<392x128xf32> to vector<8x128xf32>
      %slice3A_96 = vector.extract_strided_slice %min3A {offsets = [136, 0], sizes = [8, 128], strides = [1, 1]} : vector<392x128xf32> to vector<8x128xf32>
      %slice3A_97 = vector.extract_strided_slice %min3A {offsets = [144, 0], sizes = [8, 128], strides = [1, 1]} : vector<392x128xf32> to vector<8x128xf32>
      %slice3A_98 = vector.extract_strided_slice %min3A {offsets = [152, 0], sizes = [8, 128], strides = [1, 1]} : vector<392x128xf32> to vector<8x128xf32>
      %slice3A_99 = vector.extract_strided_slice %min3A {offsets = [160, 0], sizes = [8, 128], strides = [1, 1]} : vector<392x128xf32> to vector<8x128xf32>
      %slice3A_100 = vector.extract_strided_slice %min3A {offsets = [168, 0], sizes = [8, 128], strides = [1, 1]} : vector<392x128xf32> to vector<8x128xf32>
      %slice3A_101 = vector.extract_strided_slice %min3A {offsets = [176, 0], sizes = [8, 128], strides = [1, 1]} : vector<392x128xf32> to vector<8x128xf32>
      %slice3A_102 = vector.extract_strided_slice %min3A {offsets = [184, 0], sizes = [8, 128], strides = [1, 1]} : vector<392x128xf32> to vector<8x128xf32>
      %slice3A_103 = vector.extract_strided_slice %min3A {offsets = [192, 0], sizes = [8, 128], strides = [1, 1]} : vector<392x128xf32> to vector<8x128xf32>
      %slice3A_104 = vector.extract_strided_slice %min3A {offsets = [200, 0], sizes = [8, 128], strides = [1, 1]} : vector<392x128xf32> to vector<8x128xf32>
      %slice3A_105 = vector.extract_strided_slice %min3A {offsets = [208, 0], sizes = [8, 128], strides = [1, 1]} : vector<392x128xf32> to vector<8x128xf32>
      %slice3A_106 = vector.extract_strided_slice %min3A {offsets = [216, 0], sizes = [8, 128], strides = [1, 1]} : vector<392x128xf32> to vector<8x128xf32>
      %slice3A_107 = vector.extract_strided_slice %min3A {offsets = [224, 0], sizes = [8, 128], strides = [1, 1]} : vector<392x128xf32> to vector<8x128xf32>
      %slice3A_108 = vector.extract_strided_slice %min3A {offsets = [232, 0], sizes = [8, 128], strides = [1, 1]} : vector<392x128xf32> to vector<8x128xf32>
      %slice3A_109 = vector.extract_strided_slice %min3A {offsets = [240, 0], sizes = [8, 128], strides = [1, 1]} : vector<392x128xf32> to vector<8x128xf32>
      %slice3A_110 = vector.extract_strided_slice %min3A {offsets = [248, 0], sizes = [8, 128], strides = [1, 1]} : vector<392x128xf32> to vector<8x128xf32>
      %slice3A_111 = vector.extract_strided_slice %min3A {offsets = [256, 0], sizes = [8, 128], strides = [1, 1]} : vector<392x128xf32> to vector<8x128xf32>
      %slice3A_112 = vector.extract_strided_slice %min3A {offsets = [264, 0], sizes = [8, 128], strides = [1, 1]} : vector<392x128xf32> to vector<8x128xf32>
      %slice3A_113 = vector.extract_strided_slice %min3A {offsets = [272, 0], sizes = [8, 128], strides = [1, 1]} : vector<392x128xf32> to vector<8x128xf32>
      %slice3A_114 = vector.extract_strided_slice %min3A {offsets = [280, 0], sizes = [8, 128], strides = [1, 1]} : vector<392x128xf32> to vector<8x128xf32>
      %slice3A_115 = vector.extract_strided_slice %min3A {offsets = [288, 0], sizes = [8, 128], strides = [1, 1]} : vector<392x128xf32> to vector<8x128xf32>
      %slice3A_116 = vector.extract_strided_slice %min3A {offsets = [296, 0], sizes = [8, 128], strides = [1, 1]} : vector<392x128xf32> to vector<8x128xf32>
      %slice3A_117 = vector.extract_strided_slice %min3A {offsets = [304, 0], sizes = [8, 128], strides = [1, 1]} : vector<392x128xf32> to vector<8x128xf32>
      %slice3A_118 = vector.extract_strided_slice %min3A {offsets = [312, 0], sizes = [8, 128], strides = [1, 1]} : vector<392x128xf32> to vector<8x128xf32>
      %slice3A_119 = vector.extract_strided_slice %min3A {offsets = [320, 0], sizes = [8, 128], strides = [1, 1]} : vector<392x128xf32> to vector<8x128xf32>
      %slice3A_120 = vector.extract_strided_slice %min3A {offsets = [328, 0], sizes = [8, 128], strides = [1, 1]} : vector<392x128xf32> to vector<8x128xf32>
      %slice3A_121 = vector.extract_strided_slice %min3A {offsets = [336, 0], sizes = [8, 128], strides = [1, 1]} : vector<392x128xf32> to vector<8x128xf32>
      %slice3A_122 = vector.extract_strided_slice %min3A {offsets = [344, 0], sizes = [8, 128], strides = [1, 1]} : vector<392x128xf32> to vector<8x128xf32>
      %slice3A_123 = vector.extract_strided_slice %min3A {offsets = [352, 0], sizes = [8, 128], strides = [1, 1]} : vector<392x128xf32> to vector<8x128xf32>
      %slice3A_124 = vector.extract_strided_slice %min3A {offsets = [360, 0], sizes = [8, 128], strides = [1, 1]} : vector<392x128xf32> to vector<8x128xf32>
      %slice3A_125 = vector.extract_strided_slice %min3A {offsets = [368, 0], sizes = [8, 128], strides = [1, 1]} : vector<392x128xf32> to vector<8x128xf32>
      %slice3A_126 = vector.extract_strided_slice %min3A {offsets = [376, 0], sizes = [8, 128], strides = [1, 1]} : vector<392x128xf32> to vector<8x128xf32>
      %slice3A_127 = vector.extract_strided_slice %min3A {offsets = [384, 0], sizes = [8, 128], strides = [1, 1]} : vector<392x128xf32> to vector<8x128xf32>
      %max3A = arith.maximumf %slice3A, %slice3A_80 : vector<8x128xf32>
      %max3A_128 = arith.maximumf %slice3A_81, %slice3A_82 : vector<8x128xf32>
      %max3A_129 = arith.maximumf %slice3A_83, %slice3A_84 : vector<8x128xf32>
      %max3A_130 = arith.maximumf %slice3A_85, %slice3A_86 : vector<8x128xf32>
      %max3A_131 = arith.maximumf %slice3A_87, %slice3A_88 : vector<8x128xf32>
      %max3A_132 = arith.maximumf %slice3A_89, %slice3A_90 : vector<8x128xf32>
      %max3A_133 = arith.maximumf %slice3A_91, %slice3A_92 : vector<8x128xf32>
      %max3A_134 = arith.maximumf %slice3A_93, %slice3A_94 : vector<8x128xf32>
      %max3A_135 = arith.maximumf %slice3A_95, %slice3A_96 : vector<8x128xf32>
      %max3A_136 = arith.maximumf %slice3A_97, %slice3A_98 : vector<8x128xf32>
      %max3A_137 = arith.maximumf %slice3A_99, %slice3A_100 : vector<8x128xf32>
      %max3A_138 = arith.maximumf %slice3A_101, %slice3A_102 : vector<8x128xf32>
      %max3A_139 = arith.maximumf %slice3A_103, %slice3A_104 : vector<8x128xf32>
      %max3A_140 = arith.maximumf %slice3A_105, %slice3A_106 : vector<8x128xf32>
      %max3A_141 = arith.maximumf %slice3A_107, %slice3A_108 : vector<8x128xf32>
      %max3A_142 = arith.maximumf %slice3A_109, %slice3A_110 : vector<8x128xf32>
      %max3A_143 = arith.maximumf %slice3A_111, %slice3A_112 : vector<8x128xf32>
      %max3A_144 = arith.maximumf %slice3A_113, %slice3A_114 : vector<8x128xf32>
      %max3A_145 = arith.maximumf %slice3A_115, %slice3A_116 : vector<8x128xf32>
      %max3A_146 = arith.maximumf %slice3A_117, %slice3A_118 : vector<8x128xf32>
      %max3A_147 = arith.maximumf %slice3A_119, %slice3A_120 : vector<8x128xf32>
      %max3A_148 = arith.maximumf %slice3A_121, %slice3A_122 : vector<8x128xf32>
      %max3A_149 = arith.maximumf %slice3A_123, %slice3A_124 : vector<8x128xf32>
      %max3A_150 = arith.maximumf %slice3A_125, %slice3A_126 : vector<8x128xf32>
      %max3A_151 = arith.maximumf %max3A, %max3A_128 : vector<8x128xf32>
      %max3A_152 = arith.maximumf %max3A_129, %max3A_130 : vector<8x128xf32>
      %max3A_153 = arith.maximumf %max3A_131, %max3A_132 : vector<8x128xf32>
      %max3A_154 = arith.maximumf %max3A_133, %max3A_134 : vector<8x128xf32>
      %max3A_155 = arith.maximumf %max3A_135, %max3A_136 : vector<8x128xf32>
      %max3A_156 = arith.maximumf %max3A_137, %max3A_138 : vector<8x128xf32>
      %max3A_157 = arith.maximumf %max3A_139, %max3A_140 : vector<8x128xf32>
      %max3A_158 = arith.maximumf %max3A_141, %max3A_142 : vector<8x128xf32>
      %max3A_159 = arith.maximumf %max3A_143, %max3A_144 : vector<8x128xf32>
      %max3A_160 = arith.maximumf %max3A_145, %max3A_146 : vector<8x128xf32>
      %max3A_161 = arith.maximumf %max3A_147, %max3A_148 : vector<8x128xf32>
      %max3A_162 = arith.maximumf %max3A_149, %max3A_150 : vector<8x128xf32>
      %max3A_163 = arith.maximumf %max3A_151, %max3A_152 : vector<8x128xf32>
      %max3A_164 = arith.maximumf %max3A_153, %max3A_154 : vector<8x128xf32>
      %max3A_165 = arith.maximumf %max3A_155, %max3A_156 : vector<8x128xf32>
      %max3A_166 = arith.maximumf %max3A_157, %max3A_158 : vector<8x128xf32>
      %max3A_167 = arith.maximumf %max3A_159, %max3A_160 : vector<8x128xf32>
      %max3A_168 = arith.maximumf %max3A_161, %max3A_162 : vector<8x128xf32>
      %max3A_169 = arith.maximumf %max3A_163, %max3A_164 : vector<8x128xf32>
      %max3A_170 = arith.maximumf %max3A_165, %max3A_166 : vector<8x128xf32>
      %max3A_171 = arith.maximumf %max3A_167, %max3A_168 : vector<8x128xf32>
      %max3A_172 = arith.maximumf %max3A_169, %max3A_170 : vector<8x128xf32>
      %max3A_173 = arith.maximumf %max3A_171, %slice3A_127 : vector<8x128xf32>
      %max3A_174 = arith.maximumf %max3A_172, %max3A_173 : vector<8x128xf32>
      %reduce_max3A = vector.shape_cast %max3A_174 : vector<8x128xf32> to vector<1x8x128xf32>
      %reduce_max3A_175 = arith.constant dense<0xFF800000> : vector<1xf32>
      %reduce_max3A_176 = vector.multi_reduction <maximumf>, %reduce_max3A, %reduce_max3A_175 [1, 2] : vector<1x8x128xf32> to vector<1xf32>
      %reduce_max3A_177 = vector.shape_cast %reduce_max3A_176 : vector<1xf32> to vector<1x1x1xf32>
      %reduce_max3A_178 = vector.extract %reduce_max3A_177[0, 0, 0] : f32 from vector<1x1x1xf32>
      %eq3A = vector.broadcast %reduce_max3A_178 : f32 to vector<392x128xf32>
      %eq3A_179 = arith.cmpf oeq, %min3A, %eq3A : vector<392x128xf32>
      %get3A_180 = arith.constant 0 : index
      %get3A_181 = arith.constant 0 : index
      %get3A_182 = vector.load %arg4[%get3A_180, %get3A_181] : memref<392x128xi32, #tpu.memory_space<vmem>>, vector<392x128xi32>
      %jit3A_183 = arith.constant 1073741824 : i32
      %broadcast_in_dim3A_184 = vector.broadcast %jit3A_183 : i32 to vector<392x128xi32>
      %select_n3A_185 = arith.select %eq3A_179, %get3A_182, %broadcast_in_dim3A_184 : vector<392x128xi1>, vector<392x128xi32>
      %slice3A_186 = vector.extract_strided_slice %select_n3A_185 {offsets = [0, 0], sizes = [8, 128], strides = [1, 1]} : vector<392x128xi32> to vector<8x128xi32>
      %slice3A_187 = vector.extract_strided_slice %select_n3A_185 {offsets = [8, 0], sizes = [8, 128], strides = [1, 1]} : vector<392x128xi32> to vector<8x128xi32>
      %slice3A_188 = vector.extract_strided_slice %select_n3A_185 {offsets = [16, 0], sizes = [8, 128], strides = [1, 1]} : vector<392x128xi32> to vector<8x128xi32>
      %slice3A_189 = vector.extract_strided_slice %select_n3A_185 {offsets = [24, 0], sizes = [8, 128], strides = [1, 1]} : vector<392x128xi32> to vector<8x128xi32>
      %slice3A_190 = vector.extract_strided_slice %select_n3A_185 {offsets = [32, 0], sizes = [8, 128], strides = [1, 1]} : vector<392x128xi32> to vector<8x128xi32>
      %slice3A_191 = vector.extract_strided_slice %select_n3A_185 {offsets = [40, 0], sizes = [8, 128], strides = [1, 1]} : vector<392x128xi32> to vector<8x128xi32>
      %slice3A_192 = vector.extract_strided_slice %select_n3A_185 {offsets = [48, 0], sizes = [8, 128], strides = [1, 1]} : vector<392x128xi32> to vector<8x128xi32>
      %slice3A_193 = vector.extract_strided_slice %select_n3A_185 {offsets = [56, 0], sizes = [8, 128], strides = [1, 1]} : vector<392x128xi32> to vector<8x128xi32>
      %slice3A_194 = vector.extract_strided_slice %select_n3A_185 {offsets = [64, 0], sizes = [8, 128], strides = [1, 1]} : vector<392x128xi32> to vector<8x128xi32>
      %slice3A_195 = vector.extract_strided_slice %select_n3A_185 {offsets = [72, 0], sizes = [8, 128], strides = [1, 1]} : vector<392x128xi32> to vector<8x128xi32>
      %slice3A_196 = vector.extract_strided_slice %select_n3A_185 {offsets = [80, 0], sizes = [8, 128], strides = [1, 1]} : vector<392x128xi32> to vector<8x128xi32>
      %slice3A_197 = vector.extract_strided_slice %select_n3A_185 {offsets = [88, 0], sizes = [8, 128], strides = [1, 1]} : vector<392x128xi32> to vector<8x128xi32>
      %slice3A_198 = vector.extract_strided_slice %select_n3A_185 {offsets = [96, 0], sizes = [8, 128], strides = [1, 1]} : vector<392x128xi32> to vector<8x128xi32>
      %slice3A_199 = vector.extract_strided_slice %select_n3A_185 {offsets = [104, 0], sizes = [8, 128], strides = [1, 1]} : vector<392x128xi32> to vector<8x128xi32>
      %slice3A_200 = vector.extract_strided_slice %select_n3A_185 {offsets = [112, 0], sizes = [8, 128], strides = [1, 1]} : vector<392x128xi32> to vector<8x128xi32>
      %slice3A_201 = vector.extract_strided_slice %select_n3A_185 {offsets = [120, 0], sizes = [8, 128], strides = [1, 1]} : vector<392x128xi32> to vector<8x128xi32>
      %slice3A_202 = vector.extract_strided_slice %select_n3A_185 {offsets = [128, 0], sizes = [8, 128], strides = [1, 1]} : vector<392x128xi32> to vector<8x128xi32>
      %slice3A_203 = vector.extract_strided_slice %select_n3A_185 {offsets = [136, 0], sizes = [8, 128], strides = [1, 1]} : vector<392x128xi32> to vector<8x128xi32>
      %slice3A_204 = vector.extract_strided_slice %select_n3A_185 {offsets = [144, 0], sizes = [8, 128], strides = [1, 1]} : vector<392x128xi32> to vector<8x128xi32>
      %slice3A_205 = vector.extract_strided_slice %select_n3A_185 {offsets = [152, 0], sizes = [8, 128], strides = [1, 1]} : vector<392x128xi32> to vector<8x128xi32>
      %slice3A_206 = vector.extract_strided_slice %select_n3A_185 {offsets = [160, 0], sizes = [8, 128], strides = [1, 1]} : vector<392x128xi32> to vector<8x128xi32>
      %slice3A_207 = vector.extract_strided_slice %select_n3A_185 {offsets = [168, 0], sizes = [8, 128], strides = [1, 1]} : vector<392x128xi32> to vector<8x128xi32>
      %slice3A_208 = vector.extract_strided_slice %select_n3A_185 {offsets = [176, 0], sizes = [8, 128], strides = [1, 1]} : vector<392x128xi32> to vector<8x128xi32>
      %slice3A_209 = vector.extract_strided_slice %select_n3A_185 {offsets = [184, 0], sizes = [8, 128], strides = [1, 1]} : vector<392x128xi32> to vector<8x128xi32>
      %slice3A_210 = vector.extract_strided_slice %select_n3A_185 {offsets = [192, 0], sizes = [8, 128], strides = [1, 1]} : vector<392x128xi32> to vector<8x128xi32>
      %slice3A_211 = vector.extract_strided_slice %select_n3A_185 {offsets = [200, 0], sizes = [8, 128], strides = [1, 1]} : vector<392x128xi32> to vector<8x128xi32>
      %slice3A_212 = vector.extract_strided_slice %select_n3A_185 {offsets = [208, 0], sizes = [8, 128], strides = [1, 1]} : vector<392x128xi32> to vector<8x128xi32>
      %slice3A_213 = vector.extract_strided_slice %select_n3A_185 {offsets = [216, 0], sizes = [8, 128], strides = [1, 1]} : vector<392x128xi32> to vector<8x128xi32>
      %slice3A_214 = vector.extract_strided_slice %select_n3A_185 {offsets = [224, 0], sizes = [8, 128], strides = [1, 1]} : vector<392x128xi32> to vector<8x128xi32>
      %slice3A_215 = vector.extract_strided_slice %select_n3A_185 {offsets = [232, 0], sizes = [8, 128], strides = [1, 1]} : vector<392x128xi32> to vector<8x128xi32>
      %slice3A_216 = vector.extract_strided_slice %select_n3A_185 {offsets = [240, 0], sizes = [8, 128], strides = [1, 1]} : vector<392x128xi32> to vector<8x128xi32>
      %slice3A_217 = vector.extract_strided_slice %select_n3A_185 {offsets = [248, 0], sizes = [8, 128], strides = [1, 1]} : vector<392x128xi32> to vector<8x128xi32>
      %slice3A_218 = vector.extract_strided_slice %select_n3A_185 {offsets = [256, 0], sizes = [8, 128], strides = [1, 1]} : vector<392x128xi32> to vector<8x128xi32>
      %slice3A_219 = vector.extract_strided_slice %select_n3A_185 {offsets = [264, 0], sizes = [8, 128], strides = [1, 1]} : vector<392x128xi32> to vector<8x128xi32>
      %slice3A_220 = vector.extract_strided_slice %select_n3A_185 {offsets = [272, 0], sizes = [8, 128], strides = [1, 1]} : vector<392x128xi32> to vector<8x128xi32>
      %slice3A_221 = vector.extract_strided_slice %select_n3A_185 {offsets = [280, 0], sizes = [8, 128], strides = [1, 1]} : vector<392x128xi32> to vector<8x128xi32>
      %slice3A_222 = vector.extract_strided_slice %select_n3A_185 {offsets = [288, 0], sizes = [8, 128], strides = [1, 1]} : vector<392x128xi32> to vector<8x128xi32>
      %slice3A_223 = vector.extract_strided_slice %select_n3A_185 {offsets = [296, 0], sizes = [8, 128], strides = [1, 1]} : vector<392x128xi32> to vector<8x128xi32>
      %slice3A_224 = vector.extract_strided_slice %select_n3A_185 {offsets = [304, 0], sizes = [8, 128], strides = [1, 1]} : vector<392x128xi32> to vector<8x128xi32>
      %slice3A_225 = vector.extract_strided_slice %select_n3A_185 {offsets = [312, 0], sizes = [8, 128], strides = [1, 1]} : vector<392x128xi32> to vector<8x128xi32>
      %slice3A_226 = vector.extract_strided_slice %select_n3A_185 {offsets = [320, 0], sizes = [8, 128], strides = [1, 1]} : vector<392x128xi32> to vector<8x128xi32>
      %slice3A_227 = vector.extract_strided_slice %select_n3A_185 {offsets = [328, 0], sizes = [8, 128], strides = [1, 1]} : vector<392x128xi32> to vector<8x128xi32>
      %slice3A_228 = vector.extract_strided_slice %select_n3A_185 {offsets = [336, 0], sizes = [8, 128], strides = [1, 1]} : vector<392x128xi32> to vector<8x128xi32>
      %slice3A_229 = vector.extract_strided_slice %select_n3A_185 {offsets = [344, 0], sizes = [8, 128], strides = [1, 1]} : vector<392x128xi32> to vector<8x128xi32>
      %slice3A_230 = vector.extract_strided_slice %select_n3A_185 {offsets = [352, 0], sizes = [8, 128], strides = [1, 1]} : vector<392x128xi32> to vector<8x128xi32>
      %slice3A_231 = vector.extract_strided_slice %select_n3A_185 {offsets = [360, 0], sizes = [8, 128], strides = [1, 1]} : vector<392x128xi32> to vector<8x128xi32>
      %slice3A_232 = vector.extract_strided_slice %select_n3A_185 {offsets = [368, 0], sizes = [8, 128], strides = [1, 1]} : vector<392x128xi32> to vector<8x128xi32>
      %slice3A_233 = vector.extract_strided_slice %select_n3A_185 {offsets = [376, 0], sizes = [8, 128], strides = [1, 1]} : vector<392x128xi32> to vector<8x128xi32>
      %slice3A_234 = vector.extract_strided_slice %select_n3A_185 {offsets = [384, 0], sizes = [8, 128], strides = [1, 1]} : vector<392x128xi32> to vector<8x128xi32>
      %min3A_235 = arith.minsi %slice3A_186, %slice3A_187 : vector<8x128xi32>
      %min3A_236 = arith.minsi %slice3A_188, %slice3A_189 : vector<8x128xi32>
      %min3A_237 = arith.minsi %slice3A_190, %slice3A_191 : vector<8x128xi32>
      %min3A_238 = arith.minsi %slice3A_192, %slice3A_193 : vector<8x128xi32>
      %min3A_239 = arith.minsi %slice3A_194, %slice3A_195 : vector<8x128xi32>
      %min3A_240 = arith.minsi %slice3A_196, %slice3A_197 : vector<8x128xi32>
      %min3A_241 = arith.minsi %slice3A_198, %slice3A_199 : vector<8x128xi32>
      %min3A_242 = arith.minsi %slice3A_200, %slice3A_201 : vector<8x128xi32>
      %min3A_243 = arith.minsi %slice3A_202, %slice3A_203 : vector<8x128xi32>
      %min3A_244 = arith.minsi %slice3A_204, %slice3A_205 : vector<8x128xi32>
      %min3A_245 = arith.minsi %slice3A_206, %slice3A_207 : vector<8x128xi32>
      %min3A_246 = arith.minsi %slice3A_208, %slice3A_209 : vector<8x128xi32>
      %min3A_247 = arith.minsi %slice3A_210, %slice3A_211 : vector<8x128xi32>
      %min3A_248 = arith.minsi %slice3A_212, %slice3A_213 : vector<8x128xi32>
      %min3A_249 = arith.minsi %slice3A_214, %slice3A_215 : vector<8x128xi32>
      %min3A_250 = arith.minsi %slice3A_216, %slice3A_217 : vector<8x128xi32>
      %min3A_251 = arith.minsi %slice3A_218, %slice3A_219 : vector<8x128xi32>
      %min3A_252 = arith.minsi %slice3A_220, %slice3A_221 : vector<8x128xi32>
      %min3A_253 = arith.minsi %slice3A_222, %slice3A_223 : vector<8x128xi32>
      %min3A_254 = arith.minsi %slice3A_224, %slice3A_225 : vector<8x128xi32>
      %min3A_255 = arith.minsi %slice3A_226, %slice3A_227 : vector<8x128xi32>
      %min3A_256 = arith.minsi %slice3A_228, %slice3A_229 : vector<8x128xi32>
      %min3A_257 = arith.minsi %slice3A_230, %slice3A_231 : vector<8x128xi32>
      %min3A_258 = arith.minsi %slice3A_232, %slice3A_233 : vector<8x128xi32>
      %min3A_259 = arith.minsi %min3A_235, %min3A_236 : vector<8x128xi32>
      %min3A_260 = arith.minsi %min3A_237, %min3A_238 : vector<8x128xi32>
      %min3A_261 = arith.minsi %min3A_239, %min3A_240 : vector<8x128xi32>
      %min3A_262 = arith.minsi %min3A_241, %min3A_242 : vector<8x128xi32>
      %min3A_263 = arith.minsi %min3A_243, %min3A_244 : vector<8x128xi32>
      %min3A_264 = arith.minsi %min3A_245, %min3A_246 : vector<8x128xi32>
      %min3A_265 = arith.minsi %min3A_247, %min3A_248 : vector<8x128xi32>
      %min3A_266 = arith.minsi %min3A_249, %min3A_250 : vector<8x128xi32>
      %min3A_267 = arith.minsi %min3A_251, %min3A_252 : vector<8x128xi32>
      %min3A_268 = arith.minsi %min3A_253, %min3A_254 : vector<8x128xi32>
      %min3A_269 = arith.minsi %min3A_255, %min3A_256 : vector<8x128xi32>
      %min3A_270 = arith.minsi %min3A_257, %min3A_258 : vector<8x128xi32>
      %min3A_271 = arith.minsi %min3A_259, %min3A_260 : vector<8x128xi32>
      %min3A_272 = arith.minsi %min3A_261, %min3A_262 : vector<8x128xi32>
      %min3A_273 = arith.minsi %min3A_263, %min3A_264 : vector<8x128xi32>
      %min3A_274 = arith.minsi %min3A_265, %min3A_266 : vector<8x128xi32>
      %min3A_275 = arith.minsi %min3A_267, %min3A_268 : vector<8x128xi32>
      %min3A_276 = arith.minsi %min3A_269, %min3A_270 : vector<8x128xi32>
      %min3A_277 = arith.minsi %min3A_271, %min3A_272 : vector<8x128xi32>
      %min3A_278 = arith.minsi %min3A_273, %min3A_274 : vector<8x128xi32>
      %min3A_279 = arith.minsi %min3A_275, %min3A_276 : vector<8x128xi32>
      %min3A_280 = arith.minsi %min3A_277, %min3A_278 : vector<8x128xi32>
      %min3A_281 = arith.minsi %min3A_279, %slice3A_234 : vector<8x128xi32>
      %min3A_282 = arith.minsi %min3A_280, %min3A_281 : vector<8x128xi32>
      %reduce_min3A = vector.shape_cast %min3A_282 : vector<8x128xi32> to vector<1x8x128xi32>
      %reduce_min3A_283 = arith.constant dense<2147483647> : vector<1xi32>
      %reduce_min3A_284 = vector.multi_reduction <minsi>, %reduce_min3A, %reduce_min3A_283 [1, 2] : vector<1x8x128xi32> to vector<1xi32>
      %reduce_min3A_285 = vector.shape_cast %reduce_min3A_284 : vector<1xi32> to vector<1x1x1xi32>
      %reduce_min3A_286 = vector.extract %reduce_min3A_285[0, 0, 0] : i32 from vector<1x1x1xi32>
      %jit3A_287 = arith.constant 128 : i32
      %div3A = arith.divsi %reduce_min3A_286, %jit3A_287 : i32
      %sign3A = arith.constant 0 : i32
      %sign3A_288 = arith.cmpi sgt, %reduce_min3A_286, %sign3A : i32
      %sign3A_289 = arith.extui %sign3A_288 : i1 to i32
      %sign3A_290 = arith.constant 0 : i32
      %sign3A_291 = arith.cmpi slt, %reduce_min3A_286, %sign3A_290 : i32
      %sign3A_292 = arith.extui %sign3A_291 : i1 to i32
      %sign3A_293 = arith.subi %sign3A_289, %sign3A_292 : i32
      %sign3A_294 = arith.constant 0 : i32
      %sign3A_295 = arith.cmpi sgt, %jit3A_287, %sign3A_294 : i32
      %sign3A_296 = arith.extui %sign3A_295 : i1 to i32
      %sign3A_297 = arith.constant 0 : i32
      %sign3A_298 = arith.cmpi slt, %jit3A_287, %sign3A_297 : i32
      %sign3A_299 = arith.extui %sign3A_298 : i1 to i32
      %sign3A_300 = arith.subi %sign3A_296, %sign3A_299 : i32
      %ne3A = arith.cmpi ne, %sign3A_293, %sign3A_300 : i32
      %rem3A = arith.remsi %reduce_min3A_286, %jit3A_287 : i32
      %ne3A_301 = arith.constant 0 : i32
      %ne3A_302 = arith.cmpi ne, %rem3A, %ne3A_301 : i32
      %and3A = arith.andi %ne3A, %ne3A_302 : i1
      %sub3A_303 = arith.constant 1 : i32
      %sub3A_304 = arith.subi %div3A, %sub3A_303 : i32
      %select_n3A_305 = arith.select %and3A, %sub3A_304, %div3A : i32
      %mul3A_306 = arith.constant 128 : i32
      %mul3A_307 = arith.muli %select_n3A_305, %mul3A_306 : i32
      %sub3A_308 = arith.subi %reduce_min3A_286, %mul3A_307 : i32
      %eq3A_309 = vector.broadcast %sub3A_308 : i32 to vector<1x128xi32>
      %eq3A_310 = arith.cmpi eq, %iota3A_29, %eq3A_309 : vector<1x128xi32>
      %get3A_311 = arith.constant 0 : index
      %get3A_312 = arith.index_cast %select_n3A_305 : i32 to index
      %get3A_313 = arith.constant 0 : index
      %get3A_314 = vector.load %arg0[%get3A_311, %get3A_312, %get3A_313] : memref<3x392x128xf32, #tpu.memory_space<vmem>>, vector<1x1x128xf32>
      %get3A_315 = vector.shape_cast %get3A_314 : vector<1x1x128xf32> to vector<1x128xf32>
      %broadcast_in_dim3A_316 = vector.broadcast %scan3A : f32 to vector<1x128xf32>
      %select_n3A_317 = arith.select %eq3A_310, %get3A_315, %broadcast_in_dim3A_316 : vector<1x128xi1>, vector<1x128xf32>
      %reduce_max3A_318 = vector.shape_cast %select_n3A_317 : vector<1x128xf32> to vector<1x1x128xf32>
      %reduce_max3A_319 = arith.constant dense<0xFF800000> : vector<1xf32>
      %reduce_max3A_320 = vector.multi_reduction <maximumf>, %reduce_max3A_318, %reduce_max3A_319 [1, 2] : vector<1x1x128xf32> to vector<1xf32>
      %reduce_max3A_321 = vector.shape_cast %reduce_max3A_320 : vector<1xf32> to vector<1x1x1xf32>
      %reduce_max3A_322 = vector.extract %reduce_max3A_321[0, 0, 0] : f32 from vector<1x1x1xf32>
      %broadcast_in_dim3A_323 = vector.broadcast %reduce_max3A_322 : f32 to vector<1x128xf32>
      %swap3A_324 = arith.constant 0 : index
      %swap3A_325 = arith.constant 0 : index
      %swap3A_326 = vector.load %arg5[%swap3A_324, %swap3A_325] : memref<8x128xf32, #tpu.memory_space<vmem>>, vector<1x128xf32>
      tpu.vector_store %arg5[%swap3A_324, %swap3A_325], %broadcast_in_dim3A_323 {strides = array<i32>} : memref<8x128xf32, #tpu.memory_space<vmem>>, vector<1x128xf32>,
      %get3A_327 = arith.constant 1 : index
      %get3A_328 = arith.index_cast %select_n3A_305 : i32 to index
      %get3A_329 = arith.constant 0 : index
      %get3A_330 = vector.load %arg0[%get3A_327, %get3A_328, %get3A_329] : memref<3x392x128xf32, #tpu.memory_space<vmem>>, vector<1x1x128xf32>
      %get3A_331 = vector.shape_cast %get3A_330 : vector<1x1x128xf32> to vector<1x128xf32>
      %broadcast_in_dim3A_332 = vector.broadcast %scan3A : f32 to vector<1x128xf32>
      %select_n3A_333 = arith.select %eq3A_310, %get3A_331, %broadcast_in_dim3A_332 : vector<1x128xi1>, vector<1x128xf32>
      %reduce_max3A_334 = vector.shape_cast %select_n3A_333 : vector<1x128xf32> to vector<1x1x128xf32>
      %reduce_max3A_335 = arith.constant dense<0xFF800000> : vector<1xf32>
      %reduce_max3A_336 = vector.multi_reduction <maximumf>, %reduce_max3A_334, %reduce_max3A_335 [1, 2] : vector<1x1x128xf32> to vector<1xf32>
      %reduce_max3A_337 = vector.shape_cast %reduce_max3A_336 : vector<1xf32> to vector<1x1x1xf32>
      %reduce_max3A_338 = vector.extract %reduce_max3A_337[0, 0, 0] : f32 from vector<1x1x1xf32>
      %broadcast_in_dim3A_339 = vector.broadcast %reduce_max3A_338 : f32 to vector<1x128xf32>
      %swap3A_340 = arith.constant 1 : index
      %swap3A_341 = arith.constant 0 : index
      %swap3A_342 = vector.load %arg5[%swap3A_340, %swap3A_341] : memref<8x128xf32, #tpu.memory_space<vmem>>, vector<1x128xf32>
      tpu.vector_store %arg5[%swap3A_340, %swap3A_341], %broadcast_in_dim3A_339 {strides = array<i32>} : memref<8x128xf32, #tpu.memory_space<vmem>>, vector<1x128xf32>,
      %get3A_343 = arith.constant 2 : index
      %get3A_344 = arith.index_cast %select_n3A_305 : i32 to index
      %get3A_345 = arith.constant 0 : index
      %get3A_346 = vector.load %arg0[%get3A_343, %get3A_344, %get3A_345] : memref<3x392x128xf32, #tpu.memory_space<vmem>>, vector<1x1x128xf32>
      %get3A_347 = vector.shape_cast %get3A_346 : vector<1x1x128xf32> to vector<1x128xf32>
      %broadcast_in_dim3A_348 = vector.broadcast %scan3A : f32 to vector<1x128xf32>
      %select_n3A_349 = arith.select %eq3A_310, %get3A_347, %broadcast_in_dim3A_348 : vector<1x128xi1>, vector<1x128xf32>
      %reduce_max3A_350 = vector.shape_cast %select_n3A_349 : vector<1x128xf32> to vector<1x1x128xf32>
      %reduce_max3A_351 = arith.constant dense<0xFF800000> : vector<1xf32>
      %reduce_max3A_352 = vector.multi_reduction <maximumf>, %reduce_max3A_350, %reduce_max3A_351 [1, 2] : vector<1x1x128xf32> to vector<1xf32>
      %reduce_max3A_353 = vector.shape_cast %reduce_max3A_352 : vector<1xf32> to vector<1x1x1xf32>
      %reduce_max3A_354 = vector.extract %reduce_max3A_353[0, 0, 0] : f32 from vector<1x1x1xf32>
      %broadcast_in_dim3A_355 = vector.broadcast %reduce_max3A_354 : f32 to vector<1x128xf32>
      %swap3A_356 = arith.constant 2 : index
      %swap3A_357 = arith.constant 0 : index
      %swap3A_358 = vector.load %arg5[%swap3A_356, %swap3A_357] : memref<8x128xf32, #tpu.memory_space<vmem>>, vector<1x128xf32>
      tpu.vector_store %arg5[%swap3A_356, %swap3A_357], %broadcast_in_dim3A_355 {strides = array<i32>} : memref<8x128xf32, #tpu.memory_space<vmem>>, vector<1x128xf32>,
      %and3A_359 = arith.constant 127 : i32
      %and3A_360 = arith.andi %scan3A_38, %and3A_359 : i32
      %eq3A_361 = vector.broadcast %and3A_360 : i32 to vector<1x128xi32>
      %eq3A_362 = arith.cmpi eq, %iota3A_29, %eq3A_361 : vector<1x128xi32>
      %broadcast_in_dim3A_363 = vector.broadcast %reduce_min3A_286 : i32 to vector<1x128xi32>
      %select_n3A_364 = arith.select %eq3A_362, %broadcast_in_dim3A_363, %scan3A_39 : vector<1x128xi1>, vector<1x128xi32>
      %and3A_365 = arith.constant 127 : i32
      %and3A_366 = arith.andi %scan3A_38, %and3A_365 : i32
      %eq3A_367 = arith.constant 127 : i32
      %eq3A_368 = arith.cmpi eq, %and3A_366, %eq3A_367 : i32
      %eq3A_369 = arith.constant 12499 : i32
      %eq3A_370 = arith.cmpi eq, %scan3A_38, %eq3A_369 : i32
      %or3A = arith.ori %eq3A_368, %eq3A_370 : i1
      %convert_element_type3A = arith.extui %or3A : i1 to i32
      %cond3A = arith.constant 0 : i32
      %cond3A_371 = arith.cmpi ne, %convert_element_type3A, %cond3A : i32
      scf.if %cond3A_371 {
        %jit3A_372 = arith.constant 128 : i32
        %div3A_373 = arith.divsi %scan3A_38, %jit3A_372 : i32
        %sign3A_374 = arith.constant 0 : i32
        %sign3A_375 = arith.cmpi sgt, %scan3A_38, %sign3A_374 : i32
        %sign3A_376 = arith.extui %sign3A_375 : i1 to i32
        %sign3A_377 = arith.constant 0 : i32
        %sign3A_378 = arith.cmpi slt, %scan3A_38, %sign3A_377 : i32
        %sign3A_379 = arith.extui %sign3A_378 : i1 to i32
        %sign3A_380 = arith.subi %sign3A_376, %sign3A_379 : i32
        %sign3A_381 = arith.constant 0 : i32
        %sign3A_382 = arith.cmpi sgt, %jit3A_372, %sign3A_381 : i32
        %sign3A_383 = arith.extui %sign3A_382 : i1 to i32
        %sign3A_384 = arith.constant 0 : i32
        %sign3A_385 = arith.cmpi slt, %jit3A_372, %sign3A_384 : i32
        %sign3A_386 = arith.extui %sign3A_385 : i1 to i32
        %sign3A_387 = arith.subi %sign3A_383, %sign3A_386 : i32
        %ne3A_388 = arith.cmpi ne, %sign3A_380, %sign3A_387 : i32
        %rem3A_389 = arith.remsi %scan3A_38, %jit3A_372 : i32
        %ne3A_390 = arith.constant 0 : i32
        %ne3A_391 = arith.cmpi ne, %rem3A_389, %ne3A_390 : i32
        %and3A_392 = arith.andi %ne3A_388, %ne3A_391 : i1
        %sub3A_393 = arith.constant 1 : i32
        %sub3A_394 = arith.subi %div3A_373, %sub3A_393 : i32
        %select_n3A_395 = arith.select %and3A_392, %sub3A_394, %div3A_373 : i32
        %swap3A_396 = arith.index_cast %select_n3A_395 : i32 to index
        %swap3A_397 = arith.constant 0 : index
        %swap3A_398 = vector.load %arg2[%swap3A_396, %swap3A_397] : memref<104x128xi32, #tpu.memory_space<vmem>>, vector<1x128xi32>
        tpu.vector_store %arg2[%swap3A_396, %swap3A_397], %select_n3A_364 {strides = array<i32>} : memref<104x128xi32, #tpu.memory_space<vmem>>, vector<1x128xi32>,
      } else {
      }
      scf.yield %select_n3A_364 : vector<1x128xi32>
    }
    %scan3A_37 = arith.constant 12499 : i32
    return
  }
}

module attributes {stable_mosaic.version = 14 : i64} {
  func.func @_knn_body(%arg0: i32, %arg1: memref<49x1x1024xf32, #tpu.memory_space<vmem>>, %arg2: memref<49x1x1024xf32, #tpu.memory_space<vmem>>, %arg3: memref<49x1x1024xf32, #tpu.memory_space<vmem>>, %arg4: memref<49x1x1024xf32, #tpu.memory_space<vmem>>, %arg5: memref<128x8xf32, #tpu.memory_space<vmem>>, %arg6: memref<1x128x16xi32, #tpu.memory_space<vmem>>, %arg7: memref<128x1024xf32, #tpu.memory_space<vmem>>, %arg8: memref<128x1024xf32, #tpu.memory_space<vmem>>, %arg9: memref<128x1024xi32, #tpu.memory_space<vmem>>, %arg10: memref<128x1024xi32, #tpu.memory_space<vmem>>) attributes {dimension_semantics = [#tpu.dimension_semantics<arbitrary>], iteration_bounds = array<i64: 98>, scalar_prefetch = 0 : i64, scratch_operands = 4 : i64, tpu.core_type = #tpu.core_type<tc>, window_params = [{pipeline_mode = #tpu.pipeline_mode<synchronous>, transform_indices = @transform_0, window_bounds = array<i64: 49, 1, 1024>}, {pipeline_mode = #tpu.pipeline_mode<synchronous>, transform_indices = @transform_1, window_bounds = array<i64: 49, 1, 1024>}, {pipeline_mode = #tpu.pipeline_mode<synchronous>, transform_indices = @transform_2, window_bounds = array<i64: 49, 1, 1024>}, {pipeline_mode = #tpu.pipeline_mode<synchronous>, transform_indices = @transform_3, window_bounds = array<i64: 49, 1, 1024>}, {transform_indices = @transform_4, window_bounds = array<i64: 128, 8>}, {transform_indices = @transform_5, window_bounds = array<i64: 1, 128, 16>}]} {
    %broadcast_in_dim3A = arith.constant 0x7F800000 : f32
    %broadcast_in_dim3A_0 = vector.broadcast %broadcast_in_dim3A : f32 to vector<128x1024xf32>
    %swap3A = arith.constant 0 : index
    %swap3A_1 = arith.constant 0 : index
    %swap3A_2 = vector.load %arg7[%swap3A, %swap3A_1] : memref<128x1024xf32, #tpu.memory_space<vmem>>, vector<128x1024xf32>
    tpu.vector_store %arg7[%swap3A, %swap3A_1], %broadcast_in_dim3A_0 {strides = array<i32>} : memref<128x1024xf32, #tpu.memory_space<vmem>>, vector<128x1024xf32>,
    %broadcast_in_dim3A_3 = arith.constant 0x7F800000 : f32
    %broadcast_in_dim3A_4 = vector.broadcast %broadcast_in_dim3A_3 : f32 to vector<128x1024xf32>
    %swap3A_5 = arith.constant 0 : index
    %swap3A_6 = arith.constant 0 : index
    %swap3A_7 = vector.load %arg8[%swap3A_5, %swap3A_6] : memref<128x1024xf32, #tpu.memory_space<vmem>>, vector<128x1024xf32>
    tpu.vector_store %arg8[%swap3A_5, %swap3A_6], %broadcast_in_dim3A_4 {strides = array<i32>} : memref<128x1024xf32, #tpu.memory_space<vmem>>, vector<128x1024xf32>,
    %broadcast_in_dim3A_8 = arith.constant 1073741824 : i32
    %broadcast_in_dim3A_9 = vector.broadcast %broadcast_in_dim3A_8 : i32 to vector<128x1024xi32>
    %swap3A_10 = arith.constant 0 : index
    %swap3A_11 = arith.constant 0 : index
    %swap3A_12 = vector.load %arg9[%swap3A_10, %swap3A_11] : memref<128x1024xi32, #tpu.memory_space<vmem>>, vector<128x1024xi32>
    tpu.vector_store %arg9[%swap3A_10, %swap3A_11], %broadcast_in_dim3A_9 {strides = array<i32>} : memref<128x1024xi32, #tpu.memory_space<vmem>>, vector<128x1024xi32>,
    %broadcast_in_dim3A_13 = arith.constant 1073741824 : i32
    %broadcast_in_dim3A_14 = vector.broadcast %broadcast_in_dim3A_13 : i32 to vector<128x1024xi32>
    %swap3A_15 = arith.constant 0 : index
    %swap3A_16 = arith.constant 0 : index
    %swap3A_17 = vector.load %arg10[%swap3A_15, %swap3A_16] : memref<128x1024xi32, #tpu.memory_space<vmem>>, vector<128x1024xi32>
    tpu.vector_store %arg10[%swap3A_15, %swap3A_16], %broadcast_in_dim3A_14 {strides = array<i32>} : memref<128x1024xi32, #tpu.memory_space<vmem>>, vector<128x1024xi32>,
    %get3A = arith.constant 0 : index
    %get3A_18 = arith.constant 0 : index
    %get3A_19 = vector.load %arg5[%get3A, %get3A_18] : memref<128x8xf32, #tpu.memory_space<vmem>>, vector<128x1xf32>
    %convert_element_type3A = arith.truncf %get3A_19 : vector<128x1xf32> to vector<128x1xbf16>
    %convert_element_type3A_20 = arith.extf %convert_element_type3A : vector<128x1xbf16> to vector<128x1xf32>
    %get3A_21 = arith.constant 0 : index
    %get3A_22 = arith.constant 1 : index
    %get3A_23 = vector.load %arg5[%get3A_21, %get3A_22] : memref<128x8xf32, #tpu.memory_space<vmem>>, vector<128x1xf32>
    %convert_element_type3A_24 = arith.truncf %get3A_23 : vector<128x1xf32> to vector<128x1xbf16>
    %convert_element_type3A_25 = arith.extf %convert_element_type3A_24 : vector<128x1xbf16> to vector<128x1xf32>
    %get3A_26 = arith.constant 0 : index
    %get3A_27 = arith.constant 2 : index
    %get3A_28 = vector.load %arg5[%get3A_26, %get3A_27] : memref<128x8xf32, #tpu.memory_space<vmem>>, vector<128x1xf32>
    %convert_element_type3A_29 = arith.truncf %get3A_28 : vector<128x1xf32> to vector<128x1xbf16>
    %convert_element_type3A_30 = arith.extf %convert_element_type3A_29 : vector<128x1xbf16> to vector<128x1xf32>
    %get3A_31 = arith.constant 0 : index
    %get3A_32 = arith.constant 3 : index
    %get3A_33 = vector.load %arg5[%get3A_31, %get3A_32] : memref<128x8xf32, #tpu.memory_space<vmem>>, vector<128x1xf32>
    %iota3A = tpu.iota {dimensions = array<i32: 1>} : vector<1x1024xi32>
    %scan3A = arith.constant 0 : i32
    %scan3A_34 = arith.constant 49 : i32
    %scan3A_35 = arith.addi %scan3A, %scan3A_34 : i32
    %scan3A_36 = arith.constant 1 : i32
    scf.for %scan3A_55 = %scan3A to %scan3A_35 step %scan3A_36  : i32 {
      %get3A_56 = arith.index_cast %scan3A_55 : i32 to index
      %get3A_57 = arith.constant 0 : index
      %get3A_58 = arith.constant 0 : index
      %get3A_59 = vector.load %arg1[%get3A_56, %get3A_57, %get3A_58] : memref<49x1x1024xf32, #tpu.memory_space<vmem>>, vector<1x1x1024xf32>
      %get3A_60 = vector.shape_cast %get3A_59 : vector<1x1x1024xf32> to vector<1x1024xf32>
      %convert_element_type3A_61 = arith.truncf %get3A_60 : vector<1x1024xf32> to vector<1x1024xbf16>
      %convert_element_type3A_62 = arith.extf %convert_element_type3A_61 : vector<1x1024xbf16> to vector<1x1024xf32>
      %get3A_63 = arith.index_cast %scan3A_55 : i32 to index
      %get3A_64 = arith.constant 0 : index
      %get3A_65 = arith.constant 0 : index
      %get3A_66 = vector.load %arg2[%get3A_63, %get3A_64, %get3A_65] : memref<49x1x1024xf32, #tpu.memory_space<vmem>>, vector<1x1x1024xf32>
      %get3A_67 = vector.shape_cast %get3A_66 : vector<1x1x1024xf32> to vector<1x1024xf32>
      %convert_element_type3A_68 = arith.truncf %get3A_67 : vector<1x1024xf32> to vector<1x1024xbf16>
      %convert_element_type3A_69 = arith.extf %convert_element_type3A_68 : vector<1x1024xbf16> to vector<1x1024xf32>
      %get3A_70 = arith.index_cast %scan3A_55 : i32 to index
      %get3A_71 = arith.constant 0 : index
      %get3A_72 = arith.constant 0 : index
      %get3A_73 = vector.load %arg3[%get3A_70, %get3A_71, %get3A_72] : memref<49x1x1024xf32, #tpu.memory_space<vmem>>, vector<1x1x1024xf32>
      %get3A_74 = vector.shape_cast %get3A_73 : vector<1x1x1024xf32> to vector<1x1024xf32>
      %convert_element_type3A_75 = arith.truncf %get3A_74 : vector<1x1024xf32> to vector<1x1024xbf16>
      %convert_element_type3A_76 = arith.extf %convert_element_type3A_75 : vector<1x1024xbf16> to vector<1x1024xf32>
      %get3A_77 = arith.index_cast %scan3A_55 : i32 to index
      %get3A_78 = arith.constant 0 : index
      %get3A_79 = arith.constant 0 : index
      %get3A_80 = vector.load %arg4[%get3A_77, %get3A_78, %get3A_79] : memref<49x1x1024xf32, #tpu.memory_space<vmem>>, vector<1x1x1024xf32>
      %get3A_81 = vector.shape_cast %get3A_80 : vector<1x1x1024xf32> to vector<1x1024xf32>
      %mul3A = vector.broadcast %convert_element_type3A_20 : vector<128x1xf32> to vector<128x1024xf32>
      %mul3A_82 = vector.broadcast %convert_element_type3A_62 : vector<1x1024xf32> to vector<128x1024xf32>
      %mul3A_83 = arith.mulf %mul3A, %mul3A_82 : vector<128x1024xf32>
      %mul3A_84 = vector.broadcast %convert_element_type3A_25 : vector<128x1xf32> to vector<128x1024xf32>
      %mul3A_85 = vector.broadcast %convert_element_type3A_69 : vector<1x1024xf32> to vector<128x1024xf32>
      %mul3A_86 = arith.mulf %mul3A_84, %mul3A_85 : vector<128x1024xf32>
      %add3A = arith.addf %mul3A_83, %mul3A_86 : vector<128x1024xf32>
      %mul3A_87 = vector.broadcast %convert_element_type3A_30 : vector<128x1xf32> to vector<128x1024xf32>
      %mul3A_88 = vector.broadcast %convert_element_type3A_76 : vector<1x1024xf32> to vector<128x1024xf32>
      %mul3A_89 = arith.mulf %mul3A_87, %mul3A_88 : vector<128x1024xf32>
      %add3A_90 = arith.addf %add3A, %mul3A_89 : vector<128x1024xf32>
      %add3A_91 = vector.broadcast %get3A_33 : vector<128x1xf32> to vector<128x1024xf32>
      %add3A_92 = vector.broadcast %get3A_81 : vector<1x1024xf32> to vector<128x1024xf32>
      %add3A_93 = arith.addf %add3A_91, %add3A_92 : vector<128x1024xf32>
      %mul3A_94 = arith.constant 2.000000e+00 : f32
      %mul3A_95 = vector.broadcast %mul3A_94 : f32 to vector<128x1024xf32>
      %mul3A_96 = arith.mulf %mul3A_95, %add3A_90 : vector<128x1024xf32>
      %sub3A = arith.subf %add3A_93, %mul3A_96 : vector<128x1024xf32>
      %mul3A_97 = arith.constant 1024 : i32
      %mul3A_98 = arith.muli %scan3A_55, %mul3A_97 : i32
      %add3A_99 = vector.broadcast %mul3A_98 : i32 to vector<1x1024xi32>
      %add3A_100 = arith.addi %iota3A, %add3A_99 : vector<1x1024xi32>
      %broadcast_in_dim3A_101 = vector.shape_cast %add3A_100 : vector<1x1024xi32> to vector<1x1024xi32>
      %broadcast_in_dim3A_102 = vector.broadcast %broadcast_in_dim3A_101 : vector<1x1024xi32> to vector<128x1024xi32>
      %get3A_103 = arith.constant 0 : index
      %get3A_104 = arith.constant 0 : index
      %get3A_105 = vector.load %arg7[%get3A_103, %get3A_104] : memref<128x1024xf32, #tpu.memory_space<vmem>>, vector<128x1024xf32>
      %get3A_106 = arith.constant 0 : index
      %get3A_107 = arith.constant 0 : index
      %get3A_108 = vector.load %arg8[%get3A_106, %get3A_107] : memref<128x1024xf32, #tpu.memory_space<vmem>>, vector<128x1024xf32>
      %get3A_109 = arith.constant 0 : index
      %get3A_110 = arith.constant 0 : index
      %get3A_111 = vector.load %arg9[%get3A_109, %get3A_110] : memref<128x1024xi32, #tpu.memory_space<vmem>>, vector<128x1024xi32>
      %get3A_112 = arith.constant 0 : index
      %get3A_113 = arith.constant 0 : index
      %get3A_114 = vector.load %arg10[%get3A_112, %get3A_113] : memref<128x1024xi32, #tpu.memory_space<vmem>>, vector<128x1024xi32>
      %lt3A = arith.cmpf olt, %sub3A, %get3A_105 : vector<128x1024xf32>
      %lt3A_115 = arith.cmpf olt, %sub3A, %get3A_108 : vector<128x1024xf32>
      %select_n3A = arith.select %lt3A_115, %broadcast_in_dim3A_102, %get3A_114 : vector<128x1024xi1>, vector<128x1024xi32>
      %select_n3A_116 = arith.select %lt3A, %get3A_111, %select_n3A : vector<128x1024xi1>, vector<128x1024xi32>
      %swap3A_117 = arith.constant 0 : index
      %swap3A_118 = arith.constant 0 : index
      %swap3A_119 = vector.load %arg10[%swap3A_117, %swap3A_118] : memref<128x1024xi32, #tpu.memory_space<vmem>>, vector<128x1024xi32>
      tpu.vector_store %arg10[%swap3A_117, %swap3A_118], %select_n3A_116 {strides = array<i32>} : memref<128x1024xi32, #tpu.memory_space<vmem>>, vector<128x1024xi32>,
      %select_n3A_120 = arith.select %lt3A_115, %sub3A, %get3A_108 : vector<128x1024xi1>, vector<128x1024xf32>
      %select_n3A_121 = arith.select %lt3A, %get3A_105, %select_n3A_120 : vector<128x1024xi1>, vector<128x1024xf32>
      %swap3A_122 = arith.constant 0 : index
      %swap3A_123 = arith.constant 0 : index
      %swap3A_124 = vector.load %arg8[%swap3A_122, %swap3A_123] : memref<128x1024xf32, #tpu.memory_space<vmem>>, vector<128x1024xf32>
      tpu.vector_store %arg8[%swap3A_122, %swap3A_123], %select_n3A_121 {strides = array<i32>} : memref<128x1024xf32, #tpu.memory_space<vmem>>, vector<128x1024xf32>,
      %select_n3A_125 = arith.select %lt3A, %broadcast_in_dim3A_102, %get3A_111 : vector<128x1024xi1>, vector<128x1024xi32>
      %swap3A_126 = arith.constant 0 : index
      %swap3A_127 = arith.constant 0 : index
      %swap3A_128 = vector.load %arg9[%swap3A_126, %swap3A_127] : memref<128x1024xi32, #tpu.memory_space<vmem>>, vector<128x1024xi32>
      tpu.vector_store %arg9[%swap3A_126, %swap3A_127], %select_n3A_125 {strides = array<i32>} : memref<128x1024xi32, #tpu.memory_space<vmem>>, vector<128x1024xi32>,
      %select_n3A_129 = arith.select %lt3A, %sub3A, %get3A_105 : vector<128x1024xi1>, vector<128x1024xf32>
      %swap3A_130 = arith.constant 0 : index
      %swap3A_131 = arith.constant 0 : index
      %swap3A_132 = vector.load %arg7[%swap3A_130, %swap3A_131] : memref<128x1024xf32, #tpu.memory_space<vmem>>, vector<128x1024xf32>
      tpu.vector_store %arg7[%swap3A_130, %swap3A_131], %select_n3A_129 {strides = array<i32>} : memref<128x1024xf32, #tpu.memory_space<vmem>>, vector<128x1024xf32>,
    }
    %scan3A_37 = arith.constant 49 : i32
    %iota3A_38 = tpu.iota {dimensions = array<i32: 1>} : vector<128x16xi32>
    %broadcast_in_dim3A_39 = arith.constant 0 : i32
    %broadcast_in_dim3A_40 = vector.broadcast %broadcast_in_dim3A_39 : i32 to vector<128x16xi32>
    %scan3A_41 = arith.constant 1073741824 : i32
    %scan3A_42 = arith.constant 0x7F800000 : f32
    %scan3A_43 = arith.constant 0 : i32
    %scan3A_44 = arith.constant 16 : i32
    %scan3A_45 = arith.addi %scan3A_43, %scan3A_44 : i32
    %scan3A_46 = arith.constant 1 : i32
    %scan3A_47 = scf.for %scan3A_55 = %scan3A_43 to %scan3A_45 step %scan3A_46 iter_args(%scan3A_56 = %broadcast_in_dim3A_40) -> (vector<128x16xi32>)  : i32 {
      %get3A_57 = arith.constant 0 : index
      %get3A_58 = arith.constant 0 : index
      %get3A_59 = vector.load %arg7[%get3A_57, %get3A_58] : memref<128x1024xf32, #tpu.memory_space<vmem>>, vector<128x1024xf32>
      %get3A_60 = arith.constant 0 : index
      %get3A_61 = arith.constant 0 : index
      %get3A_62 = vector.load %arg8[%get3A_60, %get3A_61] : memref<128x1024xf32, #tpu.memory_space<vmem>>, vector<128x1024xf32>
      %get3A_63 = arith.constant 0 : index
      %get3A_64 = arith.constant 0 : index
      %get3A_65 = vector.load %arg9[%get3A_63, %get3A_64] : memref<128x1024xi32, #tpu.memory_space<vmem>>, vector<128x1024xi32>
      %get3A_66 = arith.constant 0 : index
      %get3A_67 = arith.constant 0 : index
      %get3A_68 = vector.load %arg10[%get3A_66, %get3A_67] : memref<128x1024xi32, #tpu.memory_space<vmem>>, vector<128x1024xi32>
      %reduce_min3A = arith.constant dense<0x7F800000> : vector<128xf32>
      %reduce_min3A_69 = vector.multi_reduction <minimumf>, %get3A_59, %reduce_min3A [1] : vector<128x1024xf32> to vector<128xf32>
      %broadcast_in_dim3A_70 = vector.shape_cast %reduce_min3A_69 : vector<128xf32> to vector<128x1xf32>
      %reduce_min3A_71 = arith.constant dense<0x7F800000> : vector<128xf32>
      %reduce_min3A_72 = vector.multi_reduction <minimumf>, %get3A_62, %reduce_min3A_71 [1] : vector<128x1024xf32> to vector<128xf32>
      %broadcast_in_dim3A_73 = vector.shape_cast %reduce_min3A_72 : vector<128xf32> to vector<128x1xf32>
      %min3A = arith.minimumf %broadcast_in_dim3A_70, %broadcast_in_dim3A_73 : vector<128x1xf32>
      %eq3A = vector.broadcast %min3A : vector<128x1xf32> to vector<128x1024xf32>
      %eq3A_74 = arith.cmpf oeq, %get3A_59, %eq3A : vector<128x1024xf32>
      %eq3A_75 = vector.broadcast %min3A : vector<128x1xf32> to vector<128x1024xf32>
      %eq3A_76 = arith.cmpf oeq, %get3A_62, %eq3A_75 : vector<128x1024xf32>
      %broadcast_in_dim3A_77 = vector.broadcast %scan3A_41 : i32 to vector<128x1024xi32>
      %select_n3A = arith.select %eq3A_74, %get3A_65, %broadcast_in_dim3A_77 : vector<128x1024xi1>, vector<128x1024xi32>
      %reduce_min3A_78 = arith.constant dense<2147483647> : vector<128xi32>
      %reduce_min3A_79 = vector.multi_reduction <minsi>, %select_n3A, %reduce_min3A_78 [1] : vector<128x1024xi32> to vector<128xi32>
      %broadcast_in_dim3A_80 = vector.shape_cast %reduce_min3A_79 : vector<128xi32> to vector<128x1xi32>
      %broadcast_in_dim3A_81 = vector.broadcast %scan3A_41 : i32 to vector<128x1024xi32>
      %select_n3A_82 = arith.select %eq3A_76, %get3A_68, %broadcast_in_dim3A_81 : vector<128x1024xi1>, vector<128x1024xi32>
      %reduce_min3A_83 = arith.constant dense<2147483647> : vector<128xi32>
      %reduce_min3A_84 = vector.multi_reduction <minsi>, %select_n3A_82, %reduce_min3A_83 [1] : vector<128x1024xi32> to vector<128xi32>
      %broadcast_in_dim3A_85 = vector.shape_cast %reduce_min3A_84 : vector<128xi32> to vector<128x1xi32>
      %min3A_86 = arith.minsi %broadcast_in_dim3A_80, %broadcast_in_dim3A_85 : vector<128x1xi32>
      %eq3A_87 = vector.broadcast %scan3A_55 : i32 to vector<128x16xi32>
      %eq3A_88 = arith.cmpi eq, %iota3A_38, %eq3A_87 : vector<128x16xi32>
      %broadcast_in_dim3A_89 = vector.shape_cast %min3A_86 : vector<128x1xi32> to vector<128x1xi32>
      %broadcast_in_dim3A_90 = vector.broadcast %broadcast_in_dim3A_89 : vector<128x1xi32> to vector<128x16xi32>
      %select_n3A_91 = arith.select %eq3A_88, %broadcast_in_dim3A_90, %scan3A_56 : vector<128x16xi1>, vector<128x16xi32>
      %eq3A_92 = vector.broadcast %min3A_86 : vector<128x1xi32> to vector<128x1024xi32>
      %eq3A_93 = arith.cmpi eq, %get3A_65, %eq3A_92 : vector<128x1024xi32>
      %and3A = arith.andi %eq3A_74, %eq3A_93 : vector<128x1024xi1>
      %broadcast_in_dim3A_94 = vector.broadcast %scan3A_42 : f32 to vector<128x1024xf32>
      %select_n3A_95 = arith.select %and3A, %broadcast_in_dim3A_94, %get3A_59 : vector<128x1024xi1>, vector<128x1024xf32>
      %swap3A_96 = arith.constant 0 : index
      %swap3A_97 = arith.constant 0 : index
      %swap3A_98 = vector.load %arg7[%swap3A_96, %swap3A_97] : memref<128x1024xf32, #tpu.memory_space<vmem>>, vector<128x1024xf32>
      tpu.vector_store %arg7[%swap3A_96, %swap3A_97], %select_n3A_95 {strides = array<i32>} : memref<128x1024xf32, #tpu.memory_space<vmem>>, vector<128x1024xf32>,
      %eq3A_99 = vector.broadcast %min3A_86 : vector<128x1xi32> to vector<128x1024xi32>
      %eq3A_100 = arith.cmpi eq, %get3A_68, %eq3A_99 : vector<128x1024xi32>
      %and3A_101 = arith.andi %eq3A_76, %eq3A_100 : vector<128x1024xi1>
      %broadcast_in_dim3A_102 = vector.broadcast %scan3A_42 : f32 to vector<128x1024xf32>
      %select_n3A_103 = arith.select %and3A_101, %broadcast_in_dim3A_102, %get3A_62 : vector<128x1024xi1>, vector<128x1024xf32>
      %swap3A_104 = arith.constant 0 : index
      %swap3A_105 = arith.constant 0 : index
      %swap3A_106 = vector.load %arg8[%swap3A_104, %swap3A_105] : memref<128x1024xf32, #tpu.memory_space<vmem>>, vector<128x1024xf32>
      tpu.vector_store %arg8[%swap3A_104, %swap3A_105], %select_n3A_103 {strides = array<i32>} : memref<128x1024xf32, #tpu.memory_space<vmem>>, vector<128x1024xf32>,
      scf.yield %select_n3A_91 : vector<128x16xi32>
    }
    %scan3A_48 = arith.constant 16 : i32
    %swap3A_49 = arith.constant 0 : index
    %swap3A_50 = arith.constant 0 : index
    %swap3A_51 = arith.constant 0 : index
    %swap3A_52 = vector.load %arg6[%swap3A_49, %swap3A_50, %swap3A_51] : memref<1x128x16xi32, #tpu.memory_space<vmem>>, vector<1x128x16xi32>
    %swap3A_53 = vector.shape_cast %swap3A_52 : vector<1x128x16xi32> to vector<128x16xi32>
    %swap3A_54 = vector.shape_cast %scan3A_47 : vector<128x16xi32> to vector<1x128x16xi32>
    tpu.vector_store %arg6[%swap3A_49, %swap3A_50, %swap3A_51], %swap3A_54 {strides = array<i32>} : memref<1x128x16xi32, #tpu.memory_space<vmem>>, vector<1x128x16xi32>,
    return
  }
  func.func @transform_0(%arg0: i32) -> (i32, i32, i32) {
    %c0_i32 = arith.constant 0 : i32
    %c0_i32_0 = arith.constant 0 : i32
    %c0_i32_1 = arith.constant 0 : i32
    %c0_i32_2 = arith.constant 0 : i32
    return %c0_i32, %c0_i32_0, %c0_i32_1 : i32, i32, i32
  }
  func.func @transform_1(%arg0: i32) -> (i32, i32, i32) {
    %c0_i32 = arith.constant 0 : i32
    %c0_i32_0 = arith.constant 0 : i32
    %c0_i32_1 = arith.constant 0 : i32
    %c0_i32_2 = arith.constant 0 : i32
    return %c0_i32, %c0_i32_0, %c0_i32_1 : i32, i32, i32
  }
  func.func @transform_2(%arg0: i32) -> (i32, i32, i32) {
    %c0_i32 = arith.constant 0 : i32
    %c0_i32_0 = arith.constant 0 : i32
    %c0_i32_1 = arith.constant 0 : i32
    %c0_i32_2 = arith.constant 0 : i32
    return %c0_i32, %c0_i32_0, %c0_i32_1 : i32, i32, i32
  }
  func.func @transform_3(%arg0: i32) -> (i32, i32, i32) {
    %c0_i32 = arith.constant 0 : i32
    %c0_i32_0 = arith.constant 0 : i32
    %c0_i32_1 = arith.constant 0 : i32
    %c0_i32_2 = arith.constant 0 : i32
    return %c0_i32, %c0_i32_0, %c0_i32_1 : i32, i32, i32
  }
  func.func @transform_4(%arg0: i32) -> (i32, i32) {
    %c0_i32 = arith.constant 0 : i32
    %c0_i32_0 = arith.constant 0 : i32
    return %arg0, %c0_i32 : i32, i32
  }
  func.func @transform_5(%arg0: i32) -> (i32, i32, i32) {
    %c0_i32 = arith.constant 0 : i32
    %c0_i32_0 = arith.constant 0 : i32
    %c0_i32_1 = arith.constant 0 : i32
    return %arg0, %c0_i32, %c0_i32_0 : i32, i32, i32
  }
}

module attributes {stable_mosaic.version = 14 : i64} {
  func.func @_ymat_body(%arg0: i32, %arg1: memref<512x32xf32, #tpu.memory_space<vmem>>, %arg2: memref<32x64xf32, #tpu.memory_space<vmem>>, %arg3: memref<512x16xf32, #tpu.memory_space<vmem>>, %arg4: memref<512x128xf32, #tpu.memory_space<vmem>>) attributes {dimension_semantics = [#tpu.dimension_semantics<arbitrary>], iteration_bounds = array<i64: 98>, scalar_prefetch = 0 : i64, scratch_operands = 0 : i64, tpu.core_type = #tpu.core_type<tc>, window_params = [{transform_indices = @transform_0, window_bounds = array<i64: 512, 32>}, {pipeline_mode = #tpu.pipeline_mode<synchronous>, transform_indices = @transform_1, window_bounds = array<i64: 32, 64>}, {transform_indices = @transform_2, window_bounds = array<i64: 512, 16>}, {transform_indices = @transform_3, window_bounds = array<i64: 512, 128>}]} {
    %get3A = arith.constant 0 : index
    %get3A_0 = arith.constant 0 : index
    %get3A_1 = vector.load %arg1[%get3A, %get3A_0] : memref<512x32xf32, #tpu.memory_space<vmem>>, vector<512x32xf32>
    %convert_element_type3A = arith.truncf %get3A_1 : vector<512x32xf32> to vector<512x32xbf16>
    %get3A_2 = arith.constant 0 : index
    %get3A_3 = arith.constant 0 : index
    %get3A_4 = vector.load %arg2[%get3A_2, %get3A_3] : memref<32x64xf32, #tpu.memory_space<vmem>>, vector<32x64xf32>
    %convert_element_type3A_5 = arith.truncf %get3A_4 : vector<32x64xf32> to vector<32x64xbf16>
    %dot_general3A = arith.constant dense<0.000000e+00> : vector<512x64xf32>
    %dot_general3A_6 = tpu.matmul %convert_element_type3A, %convert_element_type3A_5, %dot_general3A {dimension_numbers = #tpu.dot_dimension_numbers<[1], [0], [0], [1], [0, 0, 1, 1], [], []>, transpose_lhs_hint = false} : vector<512x32xbf16>, vector<32x64xbf16>, vector<512x64xf32> -> vector<512x64xf32>
    %swap3A = arith.constant 0 : index
    %swap3A_7 = arith.constant 0 : index
    %swap3A_8 = vector.load %arg4[%swap3A, %swap3A_7] : memref<512x128xf32, #tpu.memory_space<vmem>>, vector<512x64xf32>
    tpu.vector_store %arg4[%swap3A, %swap3A_7], %dot_general3A_6 {strides = array<i32>} : memref<512x128xf32, #tpu.memory_space<vmem>>, vector<512x64xf32>,
    %get3A_9 = arith.constant 0 : index
    %get3A_10 = arith.constant 0 : index
    %get3A_11 = vector.load %arg3[%get3A_9, %get3A_10] : memref<512x16xf32, #tpu.memory_space<vmem>>, vector<512x16xf32>
    %swap3A_12 = arith.constant 0 : index
    %swap3A_13 = arith.constant 64 : index
    %swap3A_14 = vector.load %arg4[%swap3A_12, %swap3A_13] : memref<512x128xf32, #tpu.memory_space<vmem>>, vector<512x16xf32>
    tpu.vector_store %arg4[%swap3A_12, %swap3A_13], %get3A_11 {strides = array<i32>} : memref<512x128xf32, #tpu.memory_space<vmem>>, vector<512x16xf32>,
    %broadcast_in_dim3A = arith.constant 0.000000e+00 : f32
    %broadcast_in_dim3A_15 = vector.broadcast %broadcast_in_dim3A : f32 to vector<512x48xf32>
    %swap3A_16 = arith.constant 0 : index
    %swap3A_17 = arith.constant 80 : index
    %swap3A_18 = vector.load %arg4[%swap3A_16, %swap3A_17] : memref<512x128xf32, #tpu.memory_space<vmem>>, vector<512x48xf32>
    tpu.vector_store %arg4[%swap3A_16, %swap3A_17], %broadcast_in_dim3A_15 {strides = array<i32>} : memref<512x128xf32, #tpu.memory_space<vmem>>, vector<512x48xf32>,
    return
  }
  func.func @transform_0(%arg0: i32) -> (i32, i32) {
    %c0_i32 = arith.constant 0 : i32
    %c0_i32_0 = arith.constant 0 : i32
    return %arg0, %c0_i32 : i32, i32
  }
  func.func @transform_1(%arg0: i32) -> (i32, i32) {
    %c0_i32 = arith.constant 0 : i32
    %c0_i32_0 = arith.constant 0 : i32
    %c0_i32_1 = arith.constant 0 : i32
    return %c0_i32, %c0_i32_0 : i32, i32
  }
  func.func @transform_2(%arg0: i32) -> (i32, i32) {
    %c0_i32 = arith.constant 0 : i32
    %c0_i32_0 = arith.constant 0 : i32
    return %arg0, %c0_i32 : i32, i32
  }
  func.func @transform_3(%arg0: i32) -> (i32, i32) {
    %c0_i32 = arith.constant 0 : i32
    %c0_i32_0 = arith.constant 0 : i32
    return %arg0, %c0_i32 : i32, i32
  }
}

module attributes {stable_mosaic.version = 14 : i64} {
  func.func @_final_body(%arg0: memref<12544x256xf32, #tpu.memory_space<vmem>>, %arg1: memref<1x64xf32, #tpu.memory_space<vmem>>, %arg2: memref<1x64xf32, #tpu.memory_space<vmem>>, %arg3: memref<12544x64xf32, #tpu.memory_space<vmem>>) attributes {dimension_semantics = [], scalar_prefetch = 0 : i64, scratch_operands = 0 : i64, tpu.core_type = #tpu.core_type<tc>} {
    %iota3A = tpu.iota {dimensions = array<i32: 0>} : vector<12544x64xi32>
    %lt3A = arith.constant 12500 : i32
    %lt3A_0 = vector.broadcast %lt3A : i32 to vector<12544x64xi32>
    %lt3A_1 = arith.cmpi slt, %iota3A, %lt3A_0 : vector<12544x64xi32>
    %get3A = arith.constant 0 : index
    %get3A_2 = arith.constant 128 : index
    %get3A_3 = vector.load %arg0[%get3A, %get3A_2] : memref<12544x256xf32, #tpu.memory_space<vmem>>, vector<12544x64xf32>
    %jit3A = arith.constant 0.000000e+00 : f32
    %broadcast_in_dim3A = vector.broadcast %jit3A : f32 to vector<12544x64xf32>
    %select_n3A = arith.select %lt3A_1, %get3A_3, %broadcast_in_dim3A : vector<12544x64xi1>, vector<12544x64xf32>
    %get3A_4 = arith.constant 0 : index
    %get3A_5 = arith.constant 192 : index
    %get3A_6 = vector.load %arg0[%get3A_4, %get3A_5] : memref<12544x256xf32, #tpu.memory_space<vmem>>, vector<12544x64xf32>
    %jit3A_7 = arith.constant 0.000000e+00 : f32
    %broadcast_in_dim3A_8 = vector.broadcast %jit3A_7 : f32 to vector<12544x64xf32>
    %select_n3A_9 = arith.select %lt3A_1, %get3A_6, %broadcast_in_dim3A_8 : vector<12544x64xi1>, vector<12544x64xf32>
    %reduce_sum3A = arith.constant dense<0.000000e+00> : vector<64xf32>
    %reduce_sum3A_10 = vector.multi_reduction <add>, %select_n3A, %reduce_sum3A [0] : vector<12544x64xf32> to vector<64xf32>
    %broadcast_in_dim3A_11 = vector.shape_cast %reduce_sum3A_10 : vector<64xf32> to vector<1x64xf32>
    %div3A = arith.constant 2.000000e+05 : f32
    %div3A_12 = vector.broadcast %div3A : f32 to vector<1x64xf32>
    %div3A_13 = arith.divf %broadcast_in_dim3A_11, %div3A_12 : vector<1x64xf32>
    %reduce_sum3A_14 = arith.constant dense<0.000000e+00> : vector<64xf32>
    %reduce_sum3A_15 = vector.multi_reduction <add>, %select_n3A_9, %reduce_sum3A_14 [0] : vector<12544x64xf32> to vector<64xf32>
    %broadcast_in_dim3A_16 = vector.shape_cast %reduce_sum3A_15 : vector<64xf32> to vector<1x64xf32>
    %div3A_17 = arith.constant 2.000000e+05 : f32
    %div3A_18 = vector.broadcast %div3A_17 : f32 to vector<1x64xf32>
    %div3A_19 = arith.divf %broadcast_in_dim3A_16, %div3A_18 : vector<1x64xf32>
    %mul3A = arith.mulf %div3A_13, %div3A_13 : vector<1x64xf32>
    %sub3A = arith.subf %div3A_19, %mul3A : vector<1x64xf32>
    %add3A = arith.constant 9.99999974E-6 : f32
    %add3A_20 = vector.broadcast %add3A : f32 to vector<1x64xf32>
    %add3A_21 = arith.addf %sub3A, %add3A_20 : vector<1x64xf32>
    %sqrt3A = math.sqrt %add3A_21 : vector<1x64xf32>
    %get3A_22 = arith.constant 0 : index
    %get3A_23 = arith.constant 0 : index
    %get3A_24 = vector.load %arg1[%get3A_22, %get3A_23] : memref<1x64xf32, #tpu.memory_space<vmem>>, vector<1x64xf32>
    %ge3A = arith.constant 0.000000e+00 : f32
    %ge3A_25 = vector.broadcast %ge3A : f32 to vector<1x64xf32>
    %ge3A_26 = arith.cmpf oge, %get3A_24, %ge3A_25 : vector<1x64xf32>
    %get3A_27 = arith.constant 0 : index
    %get3A_28 = arith.constant 0 : index
    %get3A_29 = vector.load %arg0[%get3A_27, %get3A_28] : memref<12544x256xf32, #tpu.memory_space<vmem>>, vector<12544x64xf32>
    %get3A_30 = arith.constant 0 : index
    %get3A_31 = arith.constant 64 : index
    %get3A_32 = vector.load %arg0[%get3A_30, %get3A_31] : memref<12544x256xf32, #tpu.memory_space<vmem>>, vector<12544x64xf32>
    %broadcast_in_dim3A_33 = vector.shape_cast %ge3A_26 : vector<1x64xi1> to vector<1x64xi1>
    %broadcast_in_dim3A_34 = vector.broadcast %broadcast_in_dim3A_33 : vector<1x64xi1> to vector<12544x64xi1>
    %select_n3A_35 = arith.select %broadcast_in_dim3A_34, %get3A_29, %get3A_32 : vector<12544x64xi1>, vector<12544x64xf32>
    %sub3A_36 = vector.broadcast %div3A_13 : vector<1x64xf32> to vector<12544x64xf32>
    %sub3A_37 = arith.subf %select_n3A_35, %sub3A_36 : vector<12544x64xf32>
    %div3A_38 = vector.broadcast %sqrt3A : vector<1x64xf32> to vector<12544x64xf32>
    %div3A_39 = arith.divf %sub3A_37, %div3A_38 : vector<12544x64xf32>
    %mul3A_40 = vector.broadcast %get3A_24 : vector<1x64xf32> to vector<12544x64xf32>
    %mul3A_41 = arith.mulf %div3A_39, %mul3A_40 : vector<12544x64xf32>
    %get3A_42 = arith.constant 0 : index
    %get3A_43 = arith.constant 0 : index
    %get3A_44 = vector.load %arg2[%get3A_42, %get3A_43] : memref<1x64xf32, #tpu.memory_space<vmem>>, vector<1x64xf32>
    %add3A_45 = vector.broadcast %get3A_44 : vector<1x64xf32> to vector<12544x64xf32>
    %add3A_46 = arith.addf %mul3A_41, %add3A_45 : vector<12544x64xf32>
    %max3A = arith.constant 0.000000e+00 : f32
    %max3A_47 = vector.broadcast %max3A : f32 to vector<12544x64xf32>
    %max3A_48 = arith.maximumf %add3A_46, %max3A_47 : vector<12544x64xf32>
    %swap3A = arith.constant 0 : index
    %swap3A_49 = arith.constant 0 : index
    %swap3A_50 = vector.load %arg3[%swap3A, %swap3A_49] : memref<12544x64xf32, #tpu.memory_space<vmem>>, vector<12544x64xf32>
    tpu.vector_store %arg3[%swap3A, %swap3A_49], %max3A_48 {strides = array<i32>} : memref<12544x64xf32, #tpu.memory_space<vmem>>, vector<12544x64xf32>,
    return
  }
}

</mosaic_0001>

<sc_bundles>
// kernel: kernel.7.cloned.1.call-start
scs
__scs_entry_jumppad:
0x0: {  	(pc) =	sbr.rel $0x88, $3  }
0x1: {  	(tag) =	ssettag $0x0;
	lr =	simm.s32 $0x1  }
0x2: {  	[smem:$0x3F9C] =	sst lr;
	_ =	strace $0xD0000000  }
0x3: {  	_ = 	snop  }
0x4: {  	_ = 	snop  }
0x5: {  	_ = 	snop  }
0x6: {  	_ = 	snop  }
0x7: {  	_ = 	snop  }
__scs_overlays_trampoline_lowered:
0x8: {  	[smem:$0x3FAB] =	sst s0  }
0x9: {  	[smem:$0x3FAC] =	sst s1  }
0xa: {  	[smem:$0x3FAD] =	sst s2  }
0xb: {  	[smem:$0x3FAE] =	sst s3  }
0xc: {  	[smem:$0x3FAF] =	sst s4  }
0xd: {  	[smem:$0x3FB0] =	sst s5  }
0xe: {  	[smem:$0x3FB1] =	sst s6  }
0xf: {  	[smem:$0x3FB2] =	sst s7  }
0x10: {  	[smem:$0x3FB3] =	sst s8  }
0x11: {  	[smem:$0x3FB4] =	sst s9;
	s0 =	simm.s32 @!p0 $0x0  }
0x12: {  	s1 =	sld [smem:$0x3F9A];
	s0 =	simm.s32 @p0 $0x1  }
0x13: {  	[smem:$0x3FB5] =	sst s0;
	s0 =	simm.s32 @!p1 $0x0  }
0x14: {  	s2 =	sld [smem:$0x3F99];
	s0 =	simm.s32 @p1 $0x1  }
0x15: {  	[smem:$0x3FB6] =	sst s0;
	s0 =	simm.s32 @!p2 $0x0  }
0x16: {  	s3 =	sld [smem:$0x3FDB];
	s0 =	simm.s32 @p2 $0x1  }
0x17: {  	s4 =	simm.s32 $0x1BF5;
	[smem:$0x3FB8] =	sst s0  }
0x18: {  	s0 =	sld [smem:$0x3F9B];
	_ =	swait.ge [sflag:s4], $0x0  }
0x19: {  	s7 =	sld [smem:$0x3F9C]  }
0x1a: {  	s8 =	sadd.s32 $0xFFFFE003, lr  }
0x1b: {  	s9 =	sadd.s32 $0xFFFFFEF7, lr;
	s5 =	simm.s32 $0xFFFFFFFF;
	p2 =	slt.u32 s8, $0xFFFFF086  }
0x1c: {  	p1 =	slt.u32 s9, $0xF7A;
	s5 =	simm.s32 @!p2 $0x0  }
0x1d: {  	s5 =	simm.s32 @p1 $0x1;
	p0 =	seq.s32 s7, s2  }
0x1e: {  	s7 =	smul.u32 @!p0 $0xF7A, s2;
	p2 =	seq.s32 @!p0 s5, $0x0  }
0x1f: {  	s9 =	smul.u32 $0xF7A, s1;
	s8 =	simm.s32 @!p0 $0x1BF5;
	p2 =	por !p2, p0  }
0x20: {  	[sflag:s8] =	ssyncset.s32 @!p0 $0xFFFFF086;
	s6 =	sadd.s32 @!p0 s3, s7;
	s7 =	simm.s32 @!p0 $0x108  }
0x21: {  	s3 =	sadd.s32 s3, s9;
	s6 =	sadd.s32 @!p0 $0x88, s6;
	s7 =	simm.s32 @p2 $0x1082  }
0x22: {  	[simem:s7], [sflag:s8] =	dma.local @!p0 [hbm:s6], $0xF7A  }
0x23: {  	s9 =	sor.u32 $0xD0000000, s2;
	s6 =	simm.s32 $0x108;
	_ =	swait.ge @!p0 [sflag:s8], $0x0  }
0x24: {  	s3 =	sadd.s32 $0x88, s3;
	s6 =	simm.s32 @!p1 $0x1082;
	[sflag:s4] =	ssyncset.s32 $0xFFFFF086  }
0x25: {  	[simem:s6], [sflag:s4] =	dma.local [hbm:s3], $0xF7A  }
0x26: {  	[smem:$0x3F9C] =	sst s1;
	(tag) =	ssettag s2;
	_ =	strace s9  }
0x27: {  	s1 =	sld [smem:$0x3FAC]  }
0x28: {  	s2 =	sld [smem:$0x3FAD]  }
0x29: {  	s4 =	sld [smem:$0x3FAF]  }
0x2a: {  	p0 =	seq.s32 s5, $0x0;
	s5 =	sld [smem:$0x3FB0]  }
0x2b: {  	s6 =	sld [smem:$0x3FB1]  }
0x2c: {  	s7 =	sld [smem:$0x3FB2]  }
0x2d: {  	s3 =	simm.s32 $0x108;
	s8 =	sld [smem:$0x3FB3]  }
0x2e: {  	s3 =	simm.s32 @!p0 $0x1082;
	s9 =	sld [smem:$0x3FB4]  }
0x2f: {  	lr =	sadd.s32 s0, s3;
	s0 =	sld [smem:$0x3FAB]  }
0x30: {  	s3 =	sld [smem:$0x3FAE]  }
0x31: {  	[smem:$0x3FB7] =	sst s10  }
0x32: {  	s10 =	sld [smem:$0x3FB5];
	_ =	sdelay $0x3  }
0x33: {  	p0 =	seq.s32 s10, $0x1;
	s10 =	sld [smem:$0x3FB7];
	_ =	sdelay $0x3  }
0x34: {  	[smem:$0x3FB7] =	sst s10  }
0x35: {  	s10 =	sld [smem:$0x3FB6];
	_ =	sdelay $0x3  }
0x36: {  	p1 =	seq.s32 s10, $0x1;
	s10 =	sld [smem:$0x3FB7];
	_ =	sdelay $0x3  }
0x37: {  	[smem:$0x3FB7] =	sst s10  }
0x38: {  	s10 =	sld [smem:$0x3FB8]  }
0x39: {  	_ = 	snop;
	(pc) =	sbr.ind lr, $3  }
0x3a: {  	_ = 	snop  }
0x3b: {  	_ = 	snop  }
0x3c: {  	p2 =	seq.s32 s10, $0x1;
	s10 =	sld [smem:$0x3FB7]  }
0x3d: {  	_ =	shalt  }
0x3e: {  	_ =	shalt  }
0x3f: {  	_ =	shalt  }
0x40: {  	_ =	shalt  }
0x41: {  	_ =	shalt  }
0x42: {  	_ =	shalt  }
0x43: {  	_ =	shalt  }
0x44: {  	_ =	shalt  }
0x45: {  	_ =	shalt  }
0x46: {  	_ =	shalt  }
0x47: {  	_ =	shalt  }
0x48: {  	_ =	shalt  }
0x49: {  	_ =	shalt  }
0x4a: {  	_ =	shalt  }
0x4b: {  	_ =	shalt  }
0x4c: {  	_ =	shalt  }
0x4d: {  	_ =	shalt  }
0x4e: {  	_ =	shalt  }
0x4f: {  	_ =	shalt  }
0x50: {  	_ =	shalt  }
0x51: {  	_ =	shalt  }
0x52: {  	_ =	shalt  }
0x53: {  	_ =	shalt  }
0x54: {  	_ =	shalt  }
0x55: {  	_ =	shalt  }
0x56: {  	_ =	shalt  }
0x57: {  	_ =	shalt  }
0x58: {  	_ =	shalt  }
0x59: {  	_ =	shalt  }
0x5a: {  	_ =	shalt  }
0x5b: {  	_ =	shalt  }
0x5c: {  	_ =	shalt  }
0x5d: {  	_ =	shalt  }
0x5e: {  	_ =	shalt  }
0x5f: {  	_ =	shalt  }
0x60: {  	_ =	shalt  }
0x61: {  	_ =	shalt  }
0x62: {  	_ =	shalt  }
0x63: {  	_ =	shalt  }
0x64: {  	_ =	shalt  }
0x65: {  	_ =	shalt  }
0x66: {  	_ =	shalt  }
0x67: {  	_ =	shalt  }
0x68: {  	_ =	shalt  }
0x69: {  	_ =	shalt  }
0x6a: {  	_ =	shalt  }
0x6b: {  	_ =	shalt  }
0x6c: {  	_ =	shalt  }
0x6d: {  	_ =	shalt  }
0x6e: {  	_ =	shalt  }
0x6f: {  	_ =	shalt  }
0x70: {  	_ =	shalt  }
0x71: {  	_ =	shalt  }
0x72: {  	_ =	shalt  }
0x73: {  	_ =	shalt  }
0x74: {  	_ =	shalt  }
0x75: {  	_ =	shalt  }
0x76: {  	_ =	shalt  }
0x77: {  	_ =	shalt  }
0x78: {  	_ =	shalt  }
0x79: {  	_ =	shalt  }
0x7a: {  	_ =	shalt  }
0x7b: {  	_ =	shalt  }
0x7c: {  	_ =	shalt  }
0x7d: {  	_ =	shalt  }
0x7e: {  	_ =	shalt  }
0x7f: {  	_ =	shalt  }
0x80: {  	_ =	shalt  }
0x81: {  	_ =	shalt  }
0x82: {  	_ =	shalt  }
0x83: {  	_ =	shalt  }
0x84: {  	_ =	shalt  }
0x85: {  	_ =	shalt  }
0x86: {  	_ =	shalt  }
0x87: {  	_ =	shalt  }
.Lfunc_end0:
.L_simem_size_0:
called_computation_lowered:
.L_overlay_start_0:
0x88: {  	s2 =	sld [smem:$0x3FD9]  }
0x89: {  	s3 =	sld [smem:$0x3FFE];
	_ =	sdelay $0x1  }
0x8a: {  	s1 =	srdreg.scid  }
0x8b: {  	s0 =	sand.u32 $0x1, s1  }
0x8c: {  	s14 =	sshll.u32 s0, $0xA;
	s2 =	sadd.s32 s3, s2  }
0x8d: {  	s2 =	sadd.s32 s2, s14  }
0x8e: {  	[smem:$0x3FC3] =	sst s2  }
0x8f: {  	_ = 	snop  }
0x90: {  	s2 =	sld [smem:$0x3FD0];
	_ =	sdelay $0x2  }
0x91: {  	s15 =	simm.s32 $0xA;
	s4 =	simm.s32 $0x10  }
0x92: {  	[smem:s4], [sflag:s15] =	dma.local [hbm:s2], $0x1  }
0x93: {  	_ =	swait.eq [sflag:s15], $0x1  }
0x94: {  	[sflag:s15] =	ssyncset.done $0x0  }
0x95: {  	[sflag:s15] =	ssyncadd.s32 $0xFFFFFFFF  }
0x96: {  	s16 =	sld [smem:$0x11];
	(tm) =	ssettm $0x1  }
0x97: {  	s17 =	sld [smem:$0x3FFB];
	_ =	sdelay $0x3  }
0x98: {  	_ =	strace s17  }
0x99: {  	s3 =	sld [smem:$0x3FFC];
	_ =	sdelay $0x3  }
0x9a: {  	_ =	strace s3  }
0x9b: {  	s3 =	sld [smem:$0x3FFD];
	_ =	sdelay $0x3  }
0x9c: {  	_ =	strace s3  }
0x9d: {  	_ =	strace $0x8FFFFFFF  }
0x9e: {  	s18 =	sld [smem:$0x3FDB];
	_ =	sdelay $0x1  }
0x9f: {  	s19 =	simm.s32 $_scs_section_size  }
0xa0: {  	s5 =	simm.s32 $_size__tile_overlayer_lowered;
	s6 =	simm.s32 $_tile_overlayer_lowered  }
0xa1: {  	s22 =	simm.s32 $0x1BFF;
	s21 =	sshll.u32 s6, $0x1;
	s3 =	sadd.s32 s19, s18  }
0xa2: {  	s7 =	simm.s32 $0x0;
	s20 =	sshll.u32 s5, $0x1;
	s5 =	sadd.s32 s21, s3  }
0xa3: {  	[timem:s7], [sflag:s22] =	dma.local [hbm:s5], s20  }
0xa4: {  	_ =	swait.ge [sflag:s22], s20  }
0xa5: {  	s4 =	ssub.s32 $0x0, s20;
	[sflag:s22] =	ssyncset.done $0x0  }
0xa6: {  	[sflag:s22] =	ssyncadd.s32 s4;
	_ =	sdelay $0x1  }
0xa7: {  	s23 =	simm.s32 $0x1B8B  }
0xa8: {  	_ =	swait.ge [sflag:s23], $0x1  }
0xa9: {  	[sflag:s23] =	ssyncset.done $0x0  }
0xaa: {  	s25 =	simm.s32 $0x1B8E;
	s24 =	sld [smem:$0x3FFE];
	[sflag:s23] =	ssyncadd.s32 $0xFFFFFFFF  }
0xab: {  	s26 =	simm.s32 $execute0_lowered;
	[smem:$0x3FD2] =	sst s25  }
0xac: {  	s5 =	sshll.u32 s26, $0x1;
	_ =	strace $0x80000046;
	[dreg:$0x1] =	wrdreg $0xFFFFFFFF  }
0xad: {  	s28 =	simm.s32 $_size_execute0_lowered;
	s3 =	sadd.s32 s3, s5;
	[dreg:$0x0] =	wrdreg $0x0  }
0xae: {  	s5 =	sshll.u32 s28, $0x1;
	[dreg:$0x2] =	wrdreg s3  }
0xaf: {  	[dreg:$0x3] =	wrdreg s5  }
0xb0: {  	[dreg:$0x4] =	wrdreg $0xC0  }
0xb1: {  	_ =	task [dreg:s7], $0x5FFFF  }
0xb2: {  	[dreg:$0x1] =	wrdreg $0xFFFFFFFF  }
0xb3: {  	[dreg:$0x0] =	wrdreg $0x60  }
0xb4: {  	[dreg:$0x2] =	wrdreg s16  }
0xb5: {  	[dreg:$0x3] =	wrdreg s24  }
0xb6: {  	[dreg:$0x4] =	wrdreg $0x9  }
0xb7: {  	_ =	task.clear_ibuf [dreg:s7], $0x5FFFF;
	_ =	strace $0x90000046  }
0xb8: {  	s29 =	simm.s32 $0x9;
	_ =	strace $0x80000048  }
0xb9: {  	_ =	swait.ge [sflag:s29], $0x1  }
0xba: {  	[sflag:s29] =	ssyncadd.s32 $0xFFFFFFFF  }
0xbb: {  	_ =	strace $0x90000048  }
0xbc: {  	_ =	sfence  }
0xbd: {  	s30 =	sld [smem:$0x0];
	_ =	sdelay $0x2  }
0xbe: {  	s31 =	sshll.u32 s1, $0xD;
	s1 =	sshrl.u32 s1, $0x2  }
0xbf: {  	s3 =	sand.u32 $0x4000, s31;
	s1 =	sadd.s32 s1, s30  }
0xc0: {  	s0 =	sor.u32 s3, s0;
	s1 =	sshll.u32 s1, $0x11  }
0xc1: {  	s0 =	sor.u32 s1, s0  }
0xc2: {  	s0 =	sadd.s32 $0x8F2B, s0  }
0xc3: {  	[sflag:s0] =	ssyncadd.remote.s32 $0x1  }
0xc4: {  	_ =	sfence.sel $0xFFFF  }
0xc5: {  	[dreg:$0x0] =	wrdreg $0xFFFFFFFF;
	(pc) =	sbr.abs _section_cstart, $3  }
0xc6: {  	[dreg:$0x1] =	wrdreg $0xFFFFFFFF  }
0xc7: {  	_ =	task.clear_ibuf [dreg:s7], $0x2FFFF;
	_ =	strace $0x9FFFFFFF  }
0xc8: {  	(tm) =	ssettm $0x7FFFFFFF  }
0xc9: {  	_ =	shalt  }
tec
execute0_lowered:
.L_overlay_start_1:
0x0: {  	(tag) =	ssettag $0x1  }
0x1: {  	s1 =	rddreg [dreg:$0x0]  }
0x2: {  	s7 =	rddreg [dreg:$0x1]  }
0x3: {  	s0 =	rddreg [dreg:$0x2]  }
0x4: {  	s2 =	simm.s32 $0x0;
	s3 =	srdreg.scid;
	s12 =	simm.s32 $0x80  }
0x5: {  	s13 =	simm.s32 $0x4080;
	s14 =	simm.s32 $0x1;
	s15 =	simm.s32 $0x4880  }
0x6: {  	s16 =	simm.s32 $0x0;
	[smem:$0x7FF] =	sst s2;
	s4 =	sadd.s32 $0x1EAA00, s7  }
0x7: {  	s8 =	sand.u32 $0x1, s3;
	s5 =	sadd.s32 $0xF5A00, s7;
	s3 =	stileid.u32  }
0x8: {  	s6 =	sadd.s32 $0xA00, s7;
	s7 =	sadd.s32 $0x126A00, s7;
	s9 =	ssub.s32 $0x2, s8  }
0x9: {  	_ =	strace $0x80000047;
	s11 =	sshll.u32 s3, $0x1;
	s10 =	sshrl.u32 s9, $0x1  }
0xa: {  	s8 =	sor.u32 s8, s11;
	s11 =	simm.s32 $0x2;
	s9 =	ssub.s32 s9, s10  }
0xb: {  	v0 =	vimm.s32 $0x0;
	v1 =	vimm.s32 $0x1;
	v2 =	vimm.s32 $0x2;
	s8 =	smul.u32 $0x188, s8;
	s10 =	simm.s32 $0x4480;
	s9 =	smax.u32 s9, $0x1  }
.LBB2_1:
0xc: {  	[tilespmem:s10], [sflag:$0x2] =	stream.linear.gather [hbm4b:s6+s2], $0x400, $0x38;
	[tilespmem:$0x5080] =	vst v63  }
0xd: {  	_ =	swait.ge [sflag:s11], $0x400  }
0xe: {  	[sflag:s11] =	ssyncset.done $0x0  }
0xf: {  	[sflag:s11] =	ssyncadd.s32 $0xFFFFFC00  }
0x10: {  	v3 =	vld [tilespmem:$0x4480]  }
0x11: {  	v4 =	vld [tilespmem:$0x4490]  }
0x12: {  	v5 =	vld [tilespmem:$0x44A0]  }
0x13: {  	v6 =	vld [tilespmem:$0x44B0]  }
0x14: {  	v7 =	vld [tilespmem:$0x4500]  }
0x15: {  	v8 =	vld [tilespmem:$0x4510]  }
0x16: {  	v9 =	vld [tilespmem:$0x4520]  }
0x17: {  	v10 =	vld [tilespmem:$0x4530]  }
0x18: {  	v11 =	vld [tilespmem:$0x4580]  }
0x19: {  	v12 =	vld [tilespmem:$0x4590]  }
0x1a: {  	v13 =	vld [tilespmem:$0x45A0]  }
0x1b: {  	s17 =	simm.s32 $0x0;
	v14 =	vld [tilespmem:$0x45B0]  }
.LBB2_2:
0x1c: {  	s18 =	sshll.u32 s17, $0x3  }
0x1d: {  	s18 =	sadd.s32 s8, s18  }
0x1e: {  	s19 =	sshll.u32 s18, $0x1  }
0x1f: {  	s20 =	sadd.s32 s1, s19;
	s19 =	simm.s32 $0x0  }
0x20: {  	[tilespmem:s19], [sflag:$0x2] =	stream.linear.gather [hbm4b:s20+s19], $0x80, $0x38;
	[tilespmem:$0x5080] =	vst v63  }
0x21: {  	_ =	swait.ge [sflag:s11], $0x80  }
0x22: {  	[sflag:s11] =	ssyncset.done $0x0  }
0x23: {  	s31 =	sshll.u32 s18, $0x4;
	[sflag:s11] =	ssyncadd.s32 $0xFFFFFF80  }
0x24: {  	[tilespmem:s12], [sflag:$0x1] =	stream.indirect.gather [hbm4b:s4+s12], $0x80, s19, s12, $0xb8;
	[tilespmem:$0x5080] =	vst v63  }
0x25: {  	s20 =	sadd.s32 s5, s31  }
0x26: {  	[tilespmem:s13], [sflag:$0x2] =	stream.linear.gather [hbm4b:s20+s19], $0x400, $0x38;
	[tilespmem:$0x5080] =	vst v63  }
0x27: {  	_ =	swait.ge [sflag:s11], $0x400  }
0x28: {  	[sflag:s11] =	ssyncset.done $0x0  }
0x29: {  	[sflag:s11] =	ssyncadd.s32 $0xFFFFFC00  }
0x2a: {  	_ =	swait.ge [sflag:s14], $0x4000  }
0x2b: {  	[sflag:s14] =	ssyncset.done $0x0  }
0x2c: {  	s20 =	simm.s32 $0x480;
	[sflag:s14] =	ssyncadd.s32 $0xFFFFC000  }
.LBB2_3:
0x2d: {  	s21 =	sshra.s32 s19, $0x2;
	v16 =	vld [tilespmem:s20+$0xFFFFFC40]  }
0x2e: {  	v15 =	vld [tilespmem:s21+$0x4080];
	_ =	sdelay $0x4  }
0x2f: {  	v16 =	vsub.f32 v16, v15;
	_ =	sdelay $0x1  }
0x30: {  	v17 =	vperm.xlane v16, v0  }
0x31: {  	v35 =	vld [tilespmem:s20+$0xFFFFFD40];
	v18 =	vperm.xlane v16, v1;
	v16 =	vperm.xlane v16, v2  }
0x32: {  	v47 =	vld [tilespmem:s20+$0xFFFFFCC0];
	v20 =	vmul.f32 v17, v3  }
0x33: {  	v21 =	vmul.f32 v18, v7;
	v46 =	vmul.f32 v16, v11  }
0x34: {  	v48 =	vmul.f32 v17, v4;
	v23 =	vmul.f32 v18, v8  }
0x35: {  	v19 =	vld [tilespmem:s20+$0xFFFFFC00];
	v26 =	vmul.f32 v17, v5;
	v27 =	vmul.f32 v18, v9  }
0x36: {  	v49 =	vld [tilespmem:s20+$0xFFFFFC20];
	v35 =	vsub.f32 v35, v15;
	v50 =	vmul.f32 v16, v12;
	v17 =	vmul.f32 v17, v6  }
0x37: {  	v51 =	vld [tilespmem:s20+$0xFFFFFC30];
	v18 =	vmul.f32 v18, v10;
	v20 =	vadd.f32 v21, v20;
	v21 =	vsub.f32 v47, v15  }
0x38: {  	v28 =	vmul.f32 v16, v13;
	v16 =	vmul.f32 v16, v14;
	v26 =	vadd.f32 v27, v26  }
0x39: {  	v22 =	vld [tilespmem:s20+$0xFFFFFC10];
	v17 =	vadd.f32 v18, v17;
	v29 =	vperm.xlane v21, v0;
	v30 =	vperm.xlane v21, v1  }
0x3a: {  	v19 =	vadd.f32 v20, v19;
	v20 =	vadd.f32 v23, v48;
	v21 =	vperm.xlane v21, v2  }
0x3b: {  	v23 =	vadd.f32 v49, v26;
	v53 =	vmul.f32 v29, v3;
	v31 =	vmul.f32 v30, v7  }
0x3c: {  	v17 =	vadd.f32 v51, v17;
	v57 =	vmul.f32 v29, v4;
	v58 =	vmul.f32 v30, v8  }
0x3d: {  	v19 =	vadd.f32 v19, v46;
	v59 =	vmul.f32 v21, v11;
	v62 =	vmul.f32 v21, v12  }
0x3e: {  	v20 =	vadd.f32 v22, v20;
	v42 =	vmul.f32 v29, v5;
	v43 =	vmul.f32 v30, v9  }
0x3f: {  	v52 =	vld [tilespmem:s20+$0xFFFFFC80];
	v54 =	vadd.f32 v23, v28;
	v45 =	vmul.f32 v21, v13;
	v48 =	vmul.f32 v29, v6  }
0x40: {  	v56 =	vld [tilespmem:s20+$0xFFFFFC90];
	v16 =	vadd.f32 v17, v16;
	v49 =	vmul.f32 v30, v10;
	v30 =	vperm.xlane v35, v0  }
0x41: {  	v63 =	vld [tilespmem:s20+$0xFFFFFCA0];
	v21 =	vmul.f32 v21, v14;
	v24 =	vadd.f32 $0.0e+00, v19;
	v20 =	vadd.f32 v20, v50  }
0x42: {  	v25 =	vmul.f32 v19, v19;
	v55 =	vadd.f32 v31, v53;
	v60 =	vadd.f32 $0.0e+00, v54  }
0x43: {  	v34 =	vmul.f32 v54, v54;
	v27 =	vadd.f32 v58, v57;
	v36 =	vadd.f32 $0.0e+00, v16  }
0x44: {  	v37 =	vmul.f32 v16, v16;
	v44 =	vadd.f32 v43, v42;
	v53 =	vperm.xlane v35, v2  }
0x45: {  	v43 =	vld [tilespmem:s20+$0xFFFFFDC0];
	v32 =	vadd.f32 $0.0e+00, v20;
	v33 =	vmul.f32 v20, v20;
	v22 =	vadd.f32 v55, v52  }
0x46: {  	v26 =	vadd.f32 v56, v27;
	v23 =	vadd.f32 v63, v44;
	v52 =	vmul.f32 v30, v3  }
0x47: {  	v56 =	vmul.f32 v30, v4;
	v58 =	vmul.f32 v53, v11;
	v61 =	vadd.f32 v22, v59  }
0x48: {  	v47 =	vld [tilespmem:s20+$0xFFFFFCB0];
	v28 =	vmul.f32 v53, v14;
	v22 =	vadd.f32 v26, v62;
	v23 =	vadd.f32 v23, v45  }
0x49: {  	v26 =	vadd.f32 v49, v48;
	v62 =	vmul.f32 v30, v5;
	v30 =	vmul.f32 v30, v6  }
0x4a: {  	v49 =	vsub.f32 v43, v15;
	v38 =	vmul.f32 v61, v61;
	v39 =	vmax.f32 v19, v61  }
0x4b: {  	v19 =	vmin.f32 v19, v61;
	v17 =	vadd.f32 v61, v24;
	v46 =	vmul.f32 v22, v22  }
0x4c: {  	v50 =	vmax.f32 v54, v23;
	v18 =	vmin.f32 v54, v23;
	v31 =	vadd.f32 v23, v60  }
0x4d: {  	v26 =	vadd.f32 v47, v26;
	v23 =	vmul.f32 v23, v23;
	v61 =	vmul.f32 v53, v12  }
0x4e: {  	v24 =	vadd.f32 v38, v25;
	v25 =	vmax.f32 v20, v22;
	v20 =	vmin.f32 v20, v22  }
0x4f: {  	v22 =	vadd.f32 v22, v32;
	v32 =	vperm.xlane v35, v1;
	v21 =	vadd.f32 v26, v21  }
0x50: {  	v51 =	vld [tilespmem:s20+$0xFFFFFD00];
	v27 =	vadd.f32 v46, v33;
	v23 =	vadd.f32 v23, v34;
	v46 =	vmul.f32 v53, v13  }
0x51: {  	v55 =	vld [tilespmem:s20+$0xFFFFFD10];
	v40 =	vmul.f32 v32, v7;
	v57 =	vmul.f32 v32, v8;
	v59 =	vmax.f32 v16, v21  }
0x52: {  	v48 =	vld [tilespmem:s20+$0xFFFFFD30];
	v16 =	vmin.f32 v16, v21;
	v60 =	vmul.f32 v21, v21;
	v42 =	vmul.f32 v32, v9  }
0x53: {  	v41 =	vld [tilespmem:s20+$0xFFFFFD20];
	v21 =	vadd.f32 v21, v36;
	v32 =	vmul.f32 v32, v10;
	v54 =	vadd.f32 v40, v52  }
0x54: {  	v34 =	vperm.xlane v49, v1;
	v26 =	vadd.f32 v57, v56;
	v36 =	vadd.f32 v60, v37  }
0x55: {  	v38 =	vperm.xlane v49, v2;
	v30 =	vadd.f32 v32, v30;
	v29 =	vadd.f32 v54, v51  }
0x56: {  	v44 =	vadd.f32 v42, v62;
	v52 =	vmul.f32 v34, v7;
	v26 =	vadd.f32 v55, v26  }
0x57: {  	v62 =	vmul.f32 v34, v9;
	v30 =	vadd.f32 v48, v30;
	v29 =	vadd.f32 v29, v58  }
0x58: {  	v45 =	vadd.f32 v41, v44;
	v55 =	vmul.f32 v34, v8;
	v26 =	vadd.f32 v26, v61  }
0x59: {  	v28 =	vadd.f32 v30, v28;
	v63 =	vmul.f32 v29, v29;
	v39 =	vmax.f32 v39, v29  }
0x5a: {  	v19 =	vmin.f32 v19, v29;
	v17 =	vadd.f32 v29, v17;
	v25 =	vmax.f32 v25, v26  }
0x5b: {  	v20 =	vmin.f32 v20, v26;
	v47 =	vmul.f32 v26, v26;
	v29 =	vadd.f32 v45, v46  }
0x5c: {  	v22 =	vadd.f32 v26, v22;
	v26 =	vperm.xlane v49, v0;
	v35 =	vmax.f32 v59, v28  }
0x5d: {  	v53 =	vld [tilespmem:s20+$0xFFFFFD90];
	v16 =	vmin.f32 v16, v28;
	v58 =	vmul.f32 v28, v28;
	v21 =	vadd.f32 v28, v21  }
0x5e: {  	v60 =	vld [tilespmem:s20+$0xFFFFFDA0];
	v24 =	vadd.f32 v63, v24;
	v27 =	vadd.f32 v47, v27;
	v33 =	vmax.f32 v50, v29  }
0x5f: {  	v50 =	vld [tilespmem:s20+$0xFFFFFD80];
	v18 =	vmin.f32 v18, v29;
	v51 =	vmul.f32 v26, v3;
	v54 =	vmul.f32 v26, v4  }
0x60: {  	v31 =	vadd.f32 v29, v31;
	v29 =	vmul.f32 v29, v29;
	v61 =	vmul.f32 v26, v5;
	v63 =	vld [tilespmem:s20+$0xFFFFFE40]  }
0x61: {  	v49 =	vld [tilespmem:s20+$0xFFFFFDB0];
	v28 =	vadd.f32 v58, v36;
	v26 =	vmul.f32 v26, v6;
	v30 =	vadd.f32 v55, v54  }
0x62: {  	v37 =	vadd.f32 v52, v51;
	v23 =	vadd.f32 v29, v23;
	v51 =	vmul.f32 v34, v10  }
0x63: {  	v59 =	vmul.f32 v38, v12;
	v45 =	vadd.f32 v62, v61;
	v30 =	vadd.f32 v53, v30  }
0x64: {  	v57 =	vmul.f32 v38, v11;
	v26 =	vadd.f32 v51, v26;
	v56 =	vadd.f32 v37, v50  }
0x65: {  	v47 =	vmul.f32 v38, v13;
	v50 =	vsub.f32 v63, v15;
	v30 =	vadd.f32 v30, v59  }
0x66: {  	v38 =	vmul.f32 v38, v14;
	v46 =	vadd.f32 v60, v45;
	v26 =	vadd.f32 v49, v26  }
0x67: {  	v29 =	vadd.f32 v56, v57;
	v34 =	vperm.xlane v50, v1;
	v25 =	vmax.f32 v25, v30  }
0x68: {  	v20 =	vmin.f32 v20, v30;
	v48 =	vmul.f32 v30, v30;
	v22 =	vadd.f32 v30, v22  }
0x69: {  	v30 =	vperm.xlane v50, v0;
	v26 =	vadd.f32 v26, v38;
	v44 =	vmul.f32 v29, v29  }
0x6a: {  	v37 =	vmax.f32 v39, v29;
	v19 =	vmin.f32 v19, v29;
	v17 =	vadd.f32 v29, v17  }
0x6b: {  	v29 =	vadd.f32 v46, v47;
	v54 =	vmul.f32 v34, v7;
	v39 =	vperm.xlane v50, v2  }
0x6c: {  	v57 =	vmul.f32 v34, v8;
	v46 =	vmul.f32 v34, v9;
	v27 =	vadd.f32 v48, v27  }
0x6d: {  	v52 =	vld [tilespmem:s20+$0xFFFFFE00];
	v53 =	vmul.f32 v30, v3;
	v56 =	vmul.f32 v30, v4;
	v35 =	vmax.f32 v35, v26  }
0x6e: {  	v55 =	vld [tilespmem:s20+$0xFFFFFE10];
	v16 =	vmin.f32 v16, v26;
	v61 =	vmul.f32 v26, v26;
	v45 =	vmul.f32 v30, v5  }
0x6f: {  	v47 =	vld [tilespmem:s20+$0xFFFFFEC0];
	v21 =	vadd.f32 v26, v21;
	v24 =	vadd.f32 v44, v24;
	v33 =	vmax.f32 v33, v29  }
0x70: {  	v63 =	vld [tilespmem:s20+$0xFFFFFE20];
	v18 =	vmin.f32 v18, v29;
	v31 =	vadd.f32 v29, v31;
	v29 =	vmul.f32 v29, v29  }
0x71: {  	v59 =	vmul.f32 v39, v11;
	v36 =	vadd.f32 v54, v53;
	v60 =	vadd.f32 v57, v56  }
0x72: {  	v62 =	vmul.f32 v39, v12;
	v26 =	vadd.f32 v61, v28;
	v49 =	vadd.f32 v46, v45  }
0x73: {  	v51 =	vmul.f32 v39, v13;
	v23 =	vadd.f32 v29, v23;
	v58 =	vadd.f32 v36, v52  }
0x74: {  	v56 =	vmul.f32 v34, v10;
	v36 =	vadd.f32 v55, v60;
	v54 =	vsub.f32 v47, v15  }
0x75: {  	v50 =	vadd.f32 v63, v49;
	v55 =	vmul.f32 v30, v6;
	v29 =	vadd.f32 v58, v59  }
0x76: {  	v60 =	vmul.f32 v39, v14;
	v32 =	vadd.f32 v36, v62;
	v34 =	vperm.xlane v54, v1  }
0x77: {  	v28 =	vadd.f32 v50, v51;
	v39 =	vperm.xlane v54, v2;
	v48 =	vmul.f32 v29, v29  }
0x78: {  	v37 =	vmax.f32 v37, v29;
	v19 =	vmin.f32 v19, v29;
	v17 =	vadd.f32 v29, v17  }
0x79: {  	v53 =	vld [tilespmem:s20+$0xFFFFFE30];
	v25 =	vmax.f32 v25, v32;
	v20 =	vmin.f32 v20, v32;
	v52 =	vmul.f32 v32, v32  }
0x7a: {  	v22 =	vadd.f32 v32, v22;
	v32 =	vperm.xlane v54, v0;
	v33 =	vmax.f32 v33, v28  }
0x7b: {  	v29 =	vadd.f32 v56, v55;
	v18 =	vmin.f32 v18, v28;
	v59 =	vmul.f32 v34, v7  }
0x7c: {  	v57 =	vld [tilespmem:s20+$0xFFFFFE80];
	v31 =	vadd.f32 v28, v31;
	v28 =	vmul.f32 v28, v28;
	v63 =	vmul.f32 v34, v8  }
0x7d: {  	v61 =	vld [tilespmem:s20+$0xFFFFFE90];
	v45 =	vmul.f32 v39, v11;
	v51 =	vmul.f32 v34, v9;
	v24 =	vadd.f32 v48, v24  }
0x7e: {  	v49 =	vld [tilespmem:s20+$0xFFFFFEA0];
	v27 =	vadd.f32 v52, v27;
	v58 =	vmul.f32 v32, v3;
	v29 =	vadd.f32 v53, v29  }
0x7f: {  	v62 =	vmul.f32 v32, v4;
	v23 =	vadd.f32 v28, v23;
	v50 =	vmul.f32 v32, v5;
	v52 =	vld [tilespmem:s20+$0xFFFFFF40]  }
0x80: {  	v56 =	vmul.f32 v39, v13;
	v36 =	vadd.f32 v59, v58;
	v29 =	vadd.f32 v29, v60  }
0x81: {  	v48 =	vmul.f32 v39, v12;
	v46 =	vadd.f32 v63, v62;
	v54 =	vadd.f32 v51, v50  }
0x82: {  	v60 =	vmul.f32 v32, v6;
	v44 =	vadd.f32 v36, v57;
	v35 =	vmax.f32 v35, v29  }
0x83: {  	v47 =	vmul.f32 v29, v29;
	v36 =	vadd.f32 v61, v46;
	v21 =	vadd.f32 v29, v21  }
0x84: {  	v16 =	vmin.f32 v16, v29;
	v55 =	vadd.f32 v49, v54;
	v59 =	vsub.f32 v52, v15  }
0x85: {  	v61 =	vmul.f32 v34, v10;
	v28 =	vadd.f32 v44, v45;
	v26 =	vadd.f32 v47, v26  }
0x86: {  	v30 =	vadd.f32 v36, v48;
	v45 =	vmul.f32 v39, v14;
	v34 =	vperm.xlane v59, v1  }
0x87: {  	v58 =	vld [tilespmem:s20+$0xFFFFFEB0];
	v29 =	vadd.f32 v61, v60;
	v39 =	vperm.xlane v59, v2;
	v53 =	vmul.f32 v28, v28  }
0x88: {  	v37 =	vmax.f32 v37, v28;
	v19 =	vmin.f32 v19, v28;
	v17 =	vadd.f32 v28, v17  }
0x89: {  	v25 =	vmax.f32 v25, v30;
	v20 =	vmin.f32 v20, v30;
	v57 =	vmul.f32 v30, v30  }
0x8a: {  	v22 =	vadd.f32 v30, v22;
	v30 =	vperm.xlane v59, v0;
	v44 =	vmul.f32 v34, v7  }
0x8b: {  	v28 =	vadd.f32 v55, v56;
	v48 =	vmul.f32 v34, v8;
	v50 =	vmul.f32 v39, v11  }
0x8c: {  	v29 =	vadd.f32 v58, v29;
	v56 =	vmul.f32 v34, v9;
	v61 =	vmul.f32 v39, v13  }
0x8d: {  	v62 =	vld [tilespmem:s20+$0xFFFFFF00];
	v24 =	vadd.f32 v53, v24;
	v27 =	vadd.f32 v57, v27;
	v33 =	vmax.f32 v33, v28  }
0x8e: {  	v46 =	vld [tilespmem:s20+$0xFFFFFF10];
	v18 =	vmin.f32 v18, v28;
	v63 =	vmul.f32 v30, v3;
	v31 =	vadd.f32 v28, v31  }
0x8f: {  	v28 =	vmul.f32 v28, v28;
	v29 =	vadd.f32 v29, v45;
	v47 =	vmul.f32 v30, v4;
	v57 =	vld [tilespmem:s20+$0xFFFFFFC0]  }
0x90: {  	v54 =	vld [tilespmem:s20+$0xFFFFFF20];
	v53 =	vmul.f32 v39, v12;
	v55 =	vmul.f32 v30, v5;
	v36 =	vadd.f32 v44, v63  }
0x91: {  	v45 =	vmul.f32 v30, v6;
	v23 =	vadd.f32 v28, v23;
	v51 =	vadd.f32 v48, v47  }
0x92: {  	v52 =	vmul.f32 v29, v29;
	v21 =	vadd.f32 v29, v21;
	v59 =	vadd.f32 v56, v55  }
0x93: {  	v35 =	vmax.f32 v35, v29;
	v49 =	vadd.f32 v36, v62;
	v36 =	vadd.f32 v46, v51  }
0x94: {  	v16 =	vmin.f32 v16, v29;
	v26 =	vadd.f32 v52, v26;
	v44 =	vsub.f32 v57, v15  }
0x95: {  	v60 =	vadd.f32 v54, v59;
	v46 =	vmul.f32 v34, v10;
	v28 =	vadd.f32 v49, v50  }
0x96: {  	v32 =	vadd.f32 v36, v53;
	v50 =	vmul.f32 v39, v14;
	v34 =	vperm.xlane v44, v1  }
0x97: {  	v63 =	vld [tilespmem:s20+$0xFFFFFF30];
	v29 =	vadd.f32 v46, v45;
	v39 =	vperm.xlane v44, v2;
	v58 =	vmul.f32 v28, v28  }
0x98: {  	v37 =	vmax.f32 v37, v28;
	v19 =	vmin.f32 v19, v28;
	v17 =	vadd.f32 v28, v17  }
0x99: {  	v25 =	vmax.f32 v25, v32;
	v20 =	vmin.f32 v20, v32;
	v62 =	vmul.f32 v32, v32  }
0x9a: {  	v22 =	vadd.f32 v32, v22;
	v32 =	vperm.xlane v44, v0;
	v49 =	vmul.f32 v34, v7  }
0x9b: {  	v28 =	vadd.f32 v60, v61;
	v53 =	vmul.f32 v34, v8;
	v55 =	vmul.f32 v39, v11  }
0x9c: {  	v29 =	vadd.f32 v63, v29;
	v61 =	vmul.f32 v34, v9;
	v46 =	vmul.f32 v39, v13  }
0x9d: {  	v47 =	vld [tilespmem:s20+$0xFFFFFF80];
	v24 =	vadd.f32 v58, v24;
	v27 =	vadd.f32 v62, v27;
	v33 =	vmax.f32 v33, v28  }
0x9e: {  	v51 =	vld [tilespmem:s20+$0xFFFFFF90];
	v18 =	vmin.f32 v18, v28;
	v48 =	vmul.f32 v32, v3;
	v31 =	vadd.f32 v28, v31  }
0x9f: {  	v28 =	vmul.f32 v28, v28;
	v29 =	vadd.f32 v29, v50;
	v52 =	vmul.f32 v32, v4;
	v62 =	vld [tilespmem:s20+$0x40]  }
0xa0: {  	v59 =	vld [tilespmem:s20+$0xFFFFFFA0];
	v58 =	vmul.f32 v39, v12;
	v60 =	vmul.f32 v32, v5;
	v36 =	vadd.f32 v49, v48  }
0xa1: {  	v50 =	vmul.f32 v32, v6;
	v23 =	vadd.f32 v28, v23;
	v56 =	vadd.f32 v53, v52  }
0xa2: {  	v57 =	vmul.f32 v29, v29;
	v21 =	vadd.f32 v29, v21;
	v44 =	vadd.f32 v61, v60  }
0xa3: {  	v35 =	vmax.f32 v35, v29;
	v54 =	vadd.f32 v36, v47;
	v36 =	vadd.f32 v51, v56  }
0xa4: {  	v16 =	vmin.f32 v16, v29;
	v26 =	vadd.f32 v57, v26;
	v49 =	vsub.f32 v62, v15  }
0xa5: {  	v45 =	vadd.f32 v59, v44;
	v51 =	vmul.f32 v34, v10;
	v28 =	vadd.f32 v54, v55  }
0xa6: {  	v48 =	vld [tilespmem:s20+$0xFFFFFFB0];
	v30 =	vadd.f32 v36, v58;
	v55 =	vmul.f32 v39, v14;
	v34 =	vperm.xlane v49, v1  }
0xa7: {  	v29 =	vadd.f32 v51, v50;
	v39 =	vperm.xlane v49, v2;
	v63 =	vmul.f32 v28, v28  }
0xa8: {  	v37 =	vmax.f32 v37, v28;
	v19 =	vmin.f32 v19, v28;
	v17 =	vadd.f32 v28, v17  }
0xa9: {  	v25 =	vmax.f32 v25, v30;
	v20 =	vmin.f32 v20, v30;
	v47 =	vmul.f32 v30, v30  }
0xaa: {  	v28 =	vadd.f32 v45, v46;
	v22 =	vadd.f32 v30, v22;
	v30 =	vperm.xlane v49, v0  }
0xab: {  	v29 =	vadd.f32 v48, v29;
	v54 =	vmul.f32 v34, v7;
	v58 =	vmul.f32 v34, v8  }
0xac: {  	v60 =	vmul.f32 v39, v11;
	v24 =	vadd.f32 v63, v24;
	v27 =	vadd.f32 v47, v27  }
0xad: {  	v52 =	vld [tilespmem:s20+$0x0];
	v33 =	vmax.f32 v33, v28;
	v18 =	vmin.f32 v18, v28;
	v53 =	vmul.f32 v30, v3  }
0xae: {  	v48 =	vld [tilespmem:s20+$0xC0];
	v31 =	vadd.f32 v28, v31;
	v28 =	vmul.f32 v28, v28;
	v57 =	vmul.f32 v30, v4  }
0xaf: {  	v56 =	vld [tilespmem:s20+$0x10];
	v29 =	vadd.f32 v29, v55;
	v63 =	vmul.f32 v39, v12;
	v46 =	vmul.f32 v30, v5  }
0xb0: {  	v45 =	vld [tilespmem:s20+$0x20];
	v47 =	vmul.f32 v34, v9;
	v36 =	vadd.f32 v54, v53;
	v23 =	vadd.f32 v28, v23  }
0xb1: {  	v35 =	vmax.f32 v35, v29;
	v16 =	vmin.f32 v16, v29;
	v61 =	vadd.f32 v58, v57  }
0xb2: {  	v62 =	vmul.f32 v29, v29;
	v21 =	vadd.f32 v29, v21;
	v50 =	vadd.f32 v47, v46  }
0xb3: {  	v57 =	vmul.f32 v34, v10;
	v55 =	vsub.f32 v48, v15;
	v59 =	vadd.f32 v36, v52  }
0xb4: {  	v36 =	vadd.f32 v56, v61;
	v26 =	vadd.f32 v62, v26;
	v52 =	vmul.f32 v39, v13  }
0xb5: {  	v51 =	vadd.f32 v45, v50;
	v56 =	vmul.f32 v30, v6;
	v34 =	vperm.xlane v55, v1  }
0xb6: {  	v61 =	vmul.f32 v39, v14;
	v39 =	vperm.xlane v55, v2;
	v28 =	vadd.f32 v59, v60  }
0xb7: {  	v54 =	vld [tilespmem:s20+$0x30];
	v32 =	vadd.f32 v36, v63;
	v60 =	vmul.f32 v34, v7;
	v44 =	vmul.f32 v34, v8  }
0xb8: {  	v29 =	vadd.f32 v57, v56;
	v46 =	vmul.f32 v39, v11;
	v57 =	vmul.f32 v39, v13  }
0xb9: {  	v49 =	vmul.f32 v28, v28;
	v37 =	vmax.f32 v37, v28;
	v19 =	vmin.f32 v19, v28  }
0xba: {  	v17 =	vadd.f32 v28, v17;
	v25 =	vmax.f32 v25, v32;
	v20 =	vmin.f32 v20, v32  }
0xbb: {  	v53 =	vmul.f32 v32, v32;
	v28 =	vadd.f32 v51, v52;
	v22 =	vadd.f32 v32, v22  }
0xbc: {  	v32 =	vperm.xlane v55, v0;
	v29 =	vadd.f32 v54, v29;
	v52 =	vmul.f32 v34, v9  }
0xbd: {  	v58 =	vld [tilespmem:s20+$0x80];
	v24 =	vadd.f32 v49, v24;
	v27 =	vadd.f32 v53, v27;
	v33 =	vmax.f32 v33, v28  }
0xbe: {  	v62 =	vld [tilespmem:s20+$0x90];
	v18 =	vmin.f32 v18, v28;
	v59 =	vmul.f32 v32, v3;
	v31 =	vadd.f32 v28, v31  }
0xbf: {  	v28 =	vmul.f32 v28, v28;
	v29 =	vadd.f32 v29, v61;
	v63 =	vmul.f32 v32, v4;
	v53 =	vld [tilespmem:s20+$0x140]  }
0xc0: {  	v50 =	vld [tilespmem:s20+$0xA0];
	v49 =	vmul.f32 v39, v12;
	v51 =	vmul.f32 v32, v5;
	v36 =	vadd.f32 v60, v59  }
0xc1: {  	v61 =	vmul.f32 v32, v6;
	v23 =	vadd.f32 v28, v23;
	v47 =	vadd.f32 v44, v63  }
0xc2: {  	v48 =	vmul.f32 v29, v29;
	v21 =	vadd.f32 v29, v21;
	v55 =	vadd.f32 v52, v51  }
0xc3: {  	v35 =	vmax.f32 v35, v29;
	v45 =	vadd.f32 v36, v58;
	v36 =	vadd.f32 v62, v47  }
0xc4: {  	v16 =	vmin.f32 v16, v29;
	v26 =	vadd.f32 v48, v26;
	v60 =	vsub.f32 v53, v15  }
0xc5: {  	v56 =	vadd.f32 v50, v55;
	v62 =	vmul.f32 v34, v10;
	v28 =	vadd.f32 v45, v46  }
0xc6: {  	v30 =	vadd.f32 v36, v49;
	v46 =	vmul.f32 v39, v14;
	v34 =	vperm.xlane v60, v1  }
0xc7: {  	v59 =	vld [tilespmem:s20+$0xB0];
	v29 =	vadd.f32 v62, v61;
	v39 =	vperm.xlane v60, v2;
	v54 =	vmul.f32 v28, v28  }
0xc8: {  	v37 =	vmax.f32 v37, v28;
	v19 =	vmin.f32 v19, v28;
	v17 =	vadd.f32 v28, v17  }
0xc9: {  	v25 =	vmax.f32 v25, v30;
	v20 =	vmin.f32 v20, v30;
	v58 =	vmul.f32 v30, v30  }
0xca: {  	v22 =	vadd.f32 v30, v22;
	v30 =	vperm.xlane v60, v0;
	v45 =	vmul.f32 v34, v7  }
0xcb: {  	v28 =	vadd.f32 v56, v57;
	v49 =	vmul.f32 v34, v8;
	v51 =	vmul.f32 v39, v11  }
0xcc: {  	v29 =	vadd.f32 v59, v29;
	v57 =	vmul.f32 v34, v9;
	v62 =	vmul.f32 v39, v13  }
0xcd: {  	v63 =	vld [tilespmem:s20+$0x100];
	v24 =	vadd.f32 v54, v24;
	v27 =	vadd.f32 v58, v27;
	v33 =	vmax.f32 v33, v28  }
0xce: {  	v47 =	vld [tilespmem:s20+$0x110];
	v18 =	vmin.f32 v18, v28;
	v44 =	vmul.f32 v30, v3;
	v31 =	vadd.f32 v28, v31  }
0xcf: {  	v28 =	vmul.f32 v28, v28;
	v29 =	vadd.f32 v29, v46;
	v48 =	vmul.f32 v30, v4;
	v58 =	vld [tilespmem:s20+$0x1C0]  }
0xd0: {  	v55 =	vld [tilespmem:s20+$0x120];
	v54 =	vmul.f32 v39, v12;
	v56 =	vmul.f32 v30, v5;
	v36 =	vadd.f32 v45, v44  }
0xd1: {  	v46 =	vmul.f32 v30, v6;
	v23 =	vadd.f32 v28, v23;
	v52 =	vadd.f32 v49, v48  }
0xd2: {  	v53 =	vmul.f32 v29, v29;
	v21 =	vadd.f32 v29, v21;
	v60 =	vadd.f32 v57, v56  }
0xd3: {  	v35 =	vmax.f32 v35, v29;
	v50 =	vadd.f32 v36, v63;
	v36 =	vadd.f32 v47, v52  }
0xd4: {  	v16 =	vmin.f32 v16, v29;
	v26 =	vadd.f32 v53, v26;
	v45 =	vsub.f32 v58, v15  }
0xd5: {  	v61 =	vadd.f32 v55, v60;
	v47 =	vmul.f32 v34, v10;
	v28 =	vadd.f32 v50, v51  }
0xd6: {  	v32 =	vadd.f32 v36, v54;
	v51 =	vmul.f32 v39, v14;
	v34 =	vperm.xlane v45, v1  }
0xd7: {  	v44 =	vld [tilespmem:s20+$0x130];
	v29 =	vadd.f32 v47, v46;
	v39 =	vperm.xlane v45, v2;
	v59 =	vmul.f32 v28, v28  }
0xd8: {  	v37 =	vmax.f32 v37, v28;
	v19 =	vmin.f32 v19, v28;
	v17 =	vadd.f32 v28, v17  }
0xd9: {  	v25 =	vmax.f32 v25, v32;
	v20 =	vmin.f32 v20, v32;
	v63 =	vmul.f32 v32, v32  }
0xda: {  	v22 =	vadd.f32 v32, v22;
	v32 =	vperm.xlane v45, v0;
	v50 =	vmul.f32 v34, v7  }
0xdb: {  	v28 =	vadd.f32 v61, v62;
	v54 =	vmul.f32 v34, v8;
	v56 =	vmul.f32 v39, v11  }
0xdc: {  	v29 =	vadd.f32 v44, v29;
	v62 =	vmul.f32 v34, v9;
	v47 =	vmul.f32 v39, v13  }
0xdd: {  	v48 =	vld [tilespmem:s20+$0x180];
	v24 =	vadd.f32 v59, v24;
	v27 =	vadd.f32 v63, v27;
	v33 =	vmax.f32 v33, v28  }
0xde: {  	v52 =	vld [tilespmem:s20+$0x190];
	v18 =	vmin.f32 v18, v28;
	v49 =	vmul.f32 v32, v3;
	v31 =	vadd.f32 v28, v31  }
0xdf: {  	v28 =	vmul.f32 v28, v28;
	v29 =	vadd.f32 v29, v51;
	v53 =	vmul.f32 v32, v4;
	v63 =	vld [tilespmem:s20+$0x240]  }
0xe0: {  	v60 =	vld [tilespmem:s20+$0x1A0];
	v59 =	vmul.f32 v39, v12;
	v61 =	vmul.f32 v32, v5;
	v36 =	vadd.f32 v50, v49  }
0xe1: {  	v51 =	vmul.f32 v32, v6;
	v23 =	vadd.f32 v28, v23;
	v57 =	vadd.f32 v54, v53  }
0xe2: {  	v58 =	vmul.f32 v29, v29;
	v21 =	vadd.f32 v29, v21;
	v45 =	vadd.f32 v62, v61  }
0xe3: {  	v35 =	vmax.f32 v35, v29;
	v55 =	vadd.f32 v36, v48;
	v36 =	vadd.f32 v52, v57  }
0xe4: {  	v16 =	vmin.f32 v16, v29;
	v26 =	vadd.f32 v58, v26;
	v50 =	vsub.f32 v63, v15  }
0xe5: {  	v46 =	vadd.f32 v60, v45;
	v52 =	vmul.f32 v34, v10;
	v28 =	vadd.f32 v55, v56  }
0xe6: {  	v49 =	vld [tilespmem:s20+$0x1B0];
	v30 =	vadd.f32 v36, v59;
	v56 =	vmul.f32 v39, v14;
	v34 =	vperm.xlane v50, v1  }
0xe7: {  	v29 =	vadd.f32 v52, v51;
	v39 =	vperm.xlane v50, v2;
	v44 =	vmul.f32 v28, v28  }
0xe8: {  	v37 =	vmax.f32 v37, v28;
	v19 =	vmin.f32 v19, v28;
	v17 =	vadd.f32 v28, v17  }
0xe9: {  	v25 =	vmax.f32 v25, v30;
	v20 =	vmin.f32 v20, v30;
	v48 =	vmul.f32 v30, v30  }
0xea: {  	v28 =	vadd.f32 v46, v47;
	v22 =	vadd.f32 v30, v22;
	v30 =	vperm.xlane v50, v0  }
0xeb: {  	v29 =	vadd.f32 v49, v29;
	v55 =	vmul.f32 v34, v7;
	v59 =	vmul.f32 v34, v8  }
0xec: {  	v61 =	vmul.f32 v39, v11;
	v45 =	vmul.f32 v39, v12;
	v24 =	vadd.f32 v44, v24  }
0xed: {  	v53 =	vld [tilespmem:s20+$0x200];
	v27 =	vadd.f32 v48, v27;
	v33 =	vmax.f32 v33, v28;
	v18 =	vmin.f32 v18, v28  }
0xee: {  	v49 =	vld [tilespmem:s20+$0x2C0];
	v54 =	vmul.f32 v30, v3;
	v31 =	vadd.f32 v28, v31;
	v28 =	vmul.f32 v28, v28  }
0xef: {  	v57 =	vld [tilespmem:s20+$0x210];
	v29 =	vadd.f32 v29, v56;
	v58 =	vmul.f32 v30, v4;
	v47 =	vmul.f32 v30, v5  }
0xf0: {  	v46 =	vld [tilespmem:s20+$0x220];
	v48 =	vmul.f32 v34, v9;
	v36 =	vadd.f32 v55, v54;
	v23 =	vadd.f32 v28, v23  }
0xf1: {  	v35 =	vmax.f32 v35, v29;
	v16 =	vmin.f32 v16, v29;
	v62 =	vadd.f32 v59, v58  }
0xf2: {  	v63 =	vmul.f32 v29, v29;
	v21 =	vadd.f32 v29, v21;
	v51 =	vadd.f32 v48, v47  }
0xf3: {  	v58 =	vmul.f32 v34, v10;
	v56 =	vsub.f32 v49, v15;
	v60 =	vadd.f32 v36, v53  }
0xf4: {  	v36 =	vadd.f32 v57, v62;
	v26 =	vadd.f32 v63, v26;
	v53 =	vmul.f32 v39, v13  }
0xf5: {  	v52 =	vadd.f32 v46, v51;
	v57 =	vmul.f32 v30, v6;
	v34 =	vperm.xlane v56, v1  }
0xf6: {  	v55 =	vld [tilespmem:s20+$0x230];
	v62 =	vmul.f32 v39, v14;
	v39 =	vperm.xlane v56, v2;
	v28 =	vadd.f32 v60, v61  }
0xf7: {  	v32 =	vadd.f32 v36, v45;
	v29 =	vadd.f32 v58, v57;
	v61 =	vmul.f32 v34, v7  }
0xf8: {  	v46 =	vmul.f32 v34, v8;
	v50 =	vmul.f32 v28, v28;
	v37 =	vmax.f32 v37, v28  }
0xf9: {  	v19 =	vmin.f32 v19, v28;
	v17 =	vadd.f32 v28, v17;
	v25 =	vmax.f32 v25, v32  }
0xfa: {  	v20 =	vmin.f32 v20, v32;
	v54 =	vmul.f32 v32, v32;
	v28 =	vadd.f32 v52, v53  }
0xfb: {  	v22 =	vadd.f32 v32, v22;
	v32 =	vperm.xlane v56, v0;
	v29 =	vadd.f32 v55, v29  }
0xfc: {  	v56 =	vmul.f32 v34, v9;
	v34 =	vmul.f32 v34, v10;
	v24 =	vadd.f32 v50, v24  }
0xfd: {  	v27 =	vadd.f32 v54, v27;
	v33 =	vmax.f32 v33, v28;
	v18 =	vmin.f32 v18, v28  }
0xfe: {  	v59 =	vld [tilespmem:s20+$0x280];
	v60 =	vmul.f32 v32, v3;
	v31 =	vadd.f32 v28, v31;
	v28 =	vmul.f32 v28, v28  }
0xff: {  	v63 =	vld [tilespmem:s20+$0x290];
	v29 =	vadd.f32 v29, v62;
	v45 =	vmul.f32 v32, v4;
	v55 =	vmul.f32 v32, v5  }
0x100: {  	v50 =	vld [tilespmem:s20+$0x340];
	v32 =	vmul.f32 v32, v6;
	v36 =	vadd.f32 v61, v60;
	v23 =	vadd.f32 v28, v23  }
0x101: {  	v54 =	vld [tilespmem:s20+$0x2A0];
	v35 =	vmax.f32 v35, v29;
	v49 =	vmul.f32 v29, v29;
	v38 =	vadd.f32 v46, v45  }
0x102: {  	v42 =	vmin.f32 v16, v29;
	v21 =	vadd.f32 v29, v21;
	v29 =	vadd.f32 v56, v55  }
0x103: {  	v48 =	vmul.f32 v39, v11;
	v32 =	vadd.f32 v34, v32;
	v47 =	vadd.f32 v36, v59  }
0x104: {  	v52 =	vmul.f32 v39, v12;
	v16 =	vadd.f32 v49, v26;
	v51 =	vadd.f32 v63, v38  }
0x105: {  	v57 =	vsub.f32 v50, v15;
	v28 =	vadd.f32 v47, v48  }
0x106: {  	v60 =	vmul.f32 v39, v13;
	v59 =	vadd.f32 v54, v29;
	v26 =	vadd.f32 v51, v52  }
0x107: {  	v49 =	vld [tilespmem:s20+$0x2B0];
	v38 =	vperm.xlane v57, v0;
	v40 =	vperm.xlane v57, v1;
	v30 =	vmax.f32 v37, v28  }
0x108: {  	v17 =	vadd.f32 v28, v17;
	v53 =	vmul.f32 v28, v28;
	v19 =	vmin.f32 v19, v28  }
0x109: {  	v25 =	vmax.f32 v25, v26;
	v58 =	vmul.f32 v26, v26;
	v20 =	vmin.f32 v20, v26  }
0x10a: {  	v22 =	vadd.f32 v26, v22;
	v28 =	vperm.xlane v57, v2;
	v57 =	vmul.f32 v39, v14  }
0x10b: {  	v26 =	vadd.f32 v59, v60;
	v62 =	vmul.f32 v38, v3;
	v63 =	vmul.f32 v40, v7  }
0x10c: {  	v51 =	vld [tilespmem:s20+$0x3C0];
	v44 =	vmul.f32 v38, v4;
	v45 =	vmul.f32 v40, v8;
	v29 =	vadd.f32 v49, v32  }
0x10d: {  	v24 =	vadd.f32 v53, v24;
	v27 =	vadd.f32 v58, v27;
	v52 =	vmul.f32 v26, v26  }
0x10e: {  	v61 =	vld [tilespmem:s20+$0x300];
	v31 =	vadd.f32 v26, v31;
	v54 =	vmul.f32 v28, v11;
	v56 =	vmul.f32 v28, v12  }
0x10f: {  	v48 =	vld [tilespmem:s20+$0x310];
	v33 =	vmax.f32 v33, v26;
	v18 =	vmin.f32 v18, v26;
	v36 =	vadd.f32 v63, v62  }
0x110: {  	v50 =	vadd.f32 v45, v44;
	v26 =	vadd.f32 v29, v57;
	v62 =	vmul.f32 v38, v5  }
0x111: {  	v15 =	vsub.f32 v51, v15;
	v63 =	vmul.f32 v40, v9;
	v38 =	vmul.f32 v38, v6  }
0x112: {  	v57 =	vmul.f32 v28, v13;
	v28 =	vmul.f32 v28, v14;
	v23 =	vadd.f32 v52, v23  }
0x113: {  	v52 =	vmul.f32 v40, v10;
	v53 =	vadd.f32 v36, v61;
	v39 =	vperm.xlane v15, v0  }
0x114: {  	v51 =	vld [tilespmem:s20+$0x330];
	v55 =	vadd.f32 v48, v50;
	v41 =	vperm.xlane v15, v1;
	v15 =	vperm.xlane v15, v2  }
0x115: {  	v35 =	vmax.f32 v35, v26;
	v46 =	vmin.f32 v42, v26;
	v21 =	vadd.f32 v26, v21  }
0x116: {  	v26 =	vmul.f32 v26, v26;
	v37 =	vadd.f32 v52, v38;
	v34 =	vadd.f32 v53, v54  }
0x117: {  	v58 =	vadd.f32 v55, v56;
	v49 =	vmul.f32 v39, v3;
	v50 =	vmul.f32 v41, v7  }
0x118: {  	v48 =	vld [tilespmem:s20+$0x380];
	v55 =	vmul.f32 v39, v4;
	v56 =	vmul.f32 v41, v8;
	v16 =	vadd.f32 v26, v16  }
0x119: {  	v61 =	vld [tilespmem:s20+$0x320];
	v32 =	vadd.f32 v51, v37;
	v29 =	vmax.f32 v30, v34;
	v59 =	vmul.f32 v34, v34  }
0x11a: {  	v60 =	vmul.f32 v58, v58;
	v19 =	vmin.f32 v19, v34;
	v17 =	vadd.f32 v34, v17  }
0x11b: {  	v54 =	vld [tilespmem:s20+$0x390];
	v25 =	vmax.f32 v25, v58;
	v34 =	vadd.f32 v63, v62;
	v30 =	vadd.f32 v50, v49  }
0x11c: {  	v22 =	vadd.f32 v58, v22;
	v20 =	vmin.f32 v20, v58;
	v58 =	vadd.f32 v56, v55  }
0x11d: {  	v53 =	vmul.f32 v15, v11;
	v24 =	vadd.f32 v59, v24;
	v30 =	vadd.f32 v30, v48  }
0x11e: {  	v51 =	vmul.f32 v41, v10;
	v27 =	vadd.f32 v60, v27;
	v34 =	vadd.f32 v61, v34  }
0x11f: {  	v59 =	vld [tilespmem:s20+$0x3A0];
	v60 =	vmul.f32 v39, v5;
	v61 =	vmul.f32 v41, v9;
	v30 =	vadd.f32 v30, v53  }
0x120: {  	v63 =	vmul.f32 v15, v12;
	v50 =	vmul.f32 v39, v6;
	v36 =	vadd.f32 v54, v58  }
0x121: {  	v56 =	vadd.f32 v32, v28;
	v38 =	vadd.f32 v61, v60;
	v29 =	vmax.f32 v29, v30  }
0x122: {  	v45 =	vld [tilespmem:s20+$0x3B0];
	v43 =	vadd.f32 v36, v63;
	v19 =	vmin.f32 v19, v30;
	v17 =	vadd.f32 v30, v17;
	[tilespmem:s21+$0x4880] =	vst v29  }
0x123: {  	v48 =	vmul.f32 v15, v13;
	v15 =	vmul.f32 v15, v14;
	v34 =	vadd.f32 v34, v57;
	[tilespmem:s21+$0x48C0] =	vst v19  }
0x124: {  	v62 =	vmul.f32 v30, v30;
	v44 =	vadd.f32 v59, v38;
	v25 =	vmax.f32 v25, v43;
	[tilespmem:s21+$0x4C80] =	vst v17  }
0x125: {  	v20 =	vmin.f32 v20, v43;
	v22 =	vadd.f32 v43, v22;
	v30 =	vmul.f32 v43, v43;
	[tilespmem:s21+$0x4890] =	vst v25  }
0x126: {  	v54 =	vadd.f32 v51, v50;
	v58 =	vmul.f32 v56, v56;
	v24 =	vadd.f32 v62, v24;
	[tilespmem:s21+$0x48D0] =	vst v20  }
0x127: {  	v47 =	vmax.f32 v33, v34;
	v17 =	vadd.f32 v44, v48;
	v53 =	vadd.f32 v30, v27;
	[tilespmem:s21+$0x4C90] =	vst v22  }
0x128: {  	v49 =	vadd.f32 v34, v31;
	v52 =	vmul.f32 v34, v34;
	v27 =	vadd.f32 v45, v54;
	[tilespmem:s21+$0x4CC0] =	vst v24  }
0x129: {  	v18 =	vmin.f32 v18, v34;
	v19 =	vmax.f32 v47, v17;
	v57 =	vmul.f32 v17, v17;
	[tilespmem:s21+$0x4CD0] =	vst v53  }
0x12a: {  	v18 =	vmin.f32 v18, v17;
	v17 =	vadd.f32 v17, v49;
	v15 =	vadd.f32 v27, v15;
	[tilespmem:s21+$0x48A0] =	vst v19  }
0x12b: {  	v21 =	vadd.f32 v56, v21;
	v59 =	vmax.f32 v35, v56;
	v55 =	vadd.f32 v52, v23;
	[tilespmem:s21+$0x48E0] =	vst v18  }
0x12c: {  	p0 =	sne.s32 s19, $0xE00;
	v60 =	vmin.f32 v46, v56;
	v16 =	vadd.f32 v58, v16;
	[tilespmem:s21+$0x4CA0] =	vst v17;
	v61 =	vmax.f32 v59, v15  }
.Ltmp0:
0x12d: {  	v20 =	vadd.f32 v57, v55;
	v62 =	vmul.f32 v15, v15;
	v63 =	vmin.f32 v60, v15;
	[tilespmem:s21+$0x48B0] =	vst v61;
	(pc) =	sbr.rel @p0 .LBB2_3-.Ltmp0, $4  }
0x12e: {  	v15 =	vadd.f32 v15, v21;
	[tilespmem:s21+$0x48F0] =	vst v63  }
0x12f: {  	[tilespmem:s21+$0x4CE0] =	vst v20;
	v16 =	vadd.f32 v62, v16  }
0x130: {  	[tilespmem:s21+$0x4CB0] =	vst v15  }
0x131: {  	s19 =	sadd.s32 $0x200, s19;
	s20 =	sadd.s32 $0x800, s20;
	[tilespmem:s21+$0x4CF0] =	vst v16  }
0x132: {  	s17 =	sadd.s32 $0x1, s17  }
0x133: {  	s18 =	sshll.u32 s18, $0x5;
	p0 =	sne.s32 s17, $0x31  }
.Ltmp1:
0x134: {  	s18 =	sadd.s32 s7, s18;
	(pc) =	sbr.rel @p0 .LBB2_2-.Ltmp1, $4  }
0x135: {  	[hbm4b:s18+s2] =	stream.linear.scatter [tilespmem:s15], [sflag:$0x2], $0x800, $0x38;
	[tilespmem:$0x5080] =	vst v63  }
0x136: {  	_ =	swait.ge [sflag:s11], $0x800  }
0x137: {  	[sflag:s11] =	ssyncset.done $0x0  }
0x138: {  	[sflag:s11] =	ssyncadd.s32 $0xFFFFF800  }
0x139: {  	s16 =	sadd.s32 $0x1, s16  }
0x13a: {  	p0 =	sne.s32 s16, s9  }
.Ltmp2:
0x13b: {  	_ = 	snop;
	(pc) =	sbr.rel @p0 .LBB2_1-.Ltmp2, $1  }
0x13c: {  	_ =	sdelay $0x3  }
0x13d: {  	_ =	sfence.sel $0x180000  }
0x13e: {  	[bflag:$0x0] =	sbarrier.arrive $0xFFFF  }
0x13f: {  	p0 =	sne.s32 s3, $0x0;
	_ =	strace $0x90000047  }
0x140: {  	s0 =	sadd.s32 @!p0 $0x100000, s0;
	[bflag:$0x2] =	sbarrier.arrive $0xFFFF  }
0x141: {  	[sflag:s0] =	ssyncadd.tile.s32 @!p0 $0x1;
	_ =	shalt  }
.Lfunc_end2:
_tile_overlayer_lowered:
.L_overlay_start_2:
0x142: {  	(tag) =	ssettag $0x2  }
0x143: {  	s0 =	rddreg [dreg:$0x0];
	s2 =	stileid.u32  }
0x144: {  	s1 =	rddreg [dreg:$0x1];
	p0 =	sne.s32 s2, $0x0  }
0x145: {  	s3 =	rddreg [dreg:$0x2];
	[bflag:$0x3] =	sbarrier.arrive $0xFFFF;
	s2 =	simm.s32 @!p0 $0x1C02  }
0x146: {  	[timem:s3], [sflag:s2] =	dma.local @!p0 [hbm:s0], s1  }
0x147: {  	s0 =	simm.s32 @!p0 $0x2  }
0x148: {  	_ =	swait.ge @!p0 [sflag:s0], s1  }
0x149: {  	s1 =	ssub.s32 @!p0 $0x0, s1;
	[sflag:s0] =	ssyncset.done @!p0 $0x0  }
0x14a: {  	[sflag:s0] =	ssyncadd.s32 @!p0 s1  }
0x14b: {  	[bflag:$0x3] =	sbarrier.arrive $0xFFFF  }
0x14c: {  	_ =	shalt  }

</sc_bundles>
